<compile_context>
chip_gen: v7x
topology: tpu7x:2x2x1
jax: 0.10.2.dev20260603
libtpu: 0.0.44.dev20260713+nightly
codegen_flags: <defaults>
</compile_context>

<pallas_src>
import functools

import jax
import jax.numpy as jnp
from jax import lax
from jax.experimental import pallas as pl
from jax.experimental.pallas import tpu as pltpu
from jax.experimental.pallas import tpu_sc as plsc

N = 10000
E = 320000
D_FEAT = 128
D_EDGE = 16
NTYPE_DIM = 64
ETYPE_DIM = 16
NODE_W = NTYPE_DIM + D_FEAT
EDGE_W = ETYPE_DIM + D_EDGE
NUM_NTYPES = 119
NUM_ETYPES = 22

NC = 2
NS = 16
NW = NC * NS
STRIDE17 = 17
L = 16

EC = 1280
E_CHUNKS = E // EC
EU = E_CHUNKS // NW
E_TAILW = E_CHUNKS - EU * NW
EGROUPS = EC // L

NCH = 128
N_CHUNKS = -(-N // NCH)
N_PAD = N_CHUNKS * NCH
CB = 1024
CB_CHUNKS = -(-N_PAD // CB)
N_PAD2 = CB_CHUNKS * CB


def _sc_body(eattrT, etypes, etab, ecatT,
             etab_v, etab17_v, eidx0, eidx1, est0, est1,
             si0, si1, sf0, sf1, so0, so1):
    wid = lax.axis_index("s") * NC + lax.axis_index("c")
    iota = lax.broadcasted_iota(jnp.int32, (L,), 0)

    pltpu.sync_copy(etab, etab_v)
    for r in range(NUM_ETYPES):
        plsc.store_scatter(etab17_v, [iota + r * STRIDE17], etab_v[r, :])

    eidx = (eidx0, eidx1)
    est = (est0, est1)
    s_idx = (si0, si1)
    s_feat = (sf0, sf1)
    s_out = (so0, so1)

    def e_issue_in(k, b):
        base = pl.multiple_of((wid + k * NW) * EC, 128)
        pltpu.async_copy(etypes.at[pl.ds(base, EC)], eidx[b], s_idx[b])
        pltpu.async_copy(eattrT.at[:, pl.ds(base, EC)],
                         est[b].at[pl.ds(ETYPE_DIM, D_EDGE), :], s_feat[b])

    def e_wait_idx(b):
        pltpu.make_async_copy(etypes.at[pl.ds(0, EC)], eidx[b], s_idx[b]).wait()

    def e_wait_feat(b):
        pltpu.make_async_copy(eattrT.at[:, pl.ds(0, EC)],
                              est[b].at[pl.ds(ETYPE_DIM, D_EDGE), :],
                              s_feat[b]).wait()

    def e_wait_out(b):
        pltpu.make_async_copy(est[b], ecatT.at[:, pl.ds(0, EC)], s_out[b]).wait()

    def e_vector(b):
        @plsc.parallel_loop(0, EGROUPS, unroll=2)
        def _group(g):
            ev17 = eidx[b][pl.ds(g * L, L)] * STRIDE17
            for d in range(ETYPE_DIM):
                dv = jnp.full((L,), d, jnp.int32)
                vals = plsc.load_gather(etab17_v, [ev17 + dv])
                est[b][d, pl.ds(g * L, L)] = vals

    def e_issue_out(k, b):
        base = pl.multiple_of((wid + k * NW) * EC, 128)
        pltpu.async_copy(est[b], ecatT.at[:, pl.ds(base, EC)], s_out[b])

    def e_pair(j, carry):
        k0 = j * 2

        @pl.when(k0 > 0)
        def _():
            e_wait_out(1)
        e_issue_in(k0 + 1, 1)
        e_wait_idx(0)
        e_vector(0)
        e_wait_feat(0)
        e_issue_out(k0, 0)

        e_wait_out(0)
        e_issue_in(k0 + 2, 0)
        e_wait_idx(1)
        e_vector(1)
        e_wait_feat(1)
        e_issue_out(k0 + 1, 1)
        return carry

    e_issue_in(0, 0)
    lax.fori_loop(0, (EU - 1) // 2, e_pair, 0)

    e_wait_out(1)

    @pl.when(wid < E_TAILW)
    def _():
        e_issue_in(EU, 1)
    e_wait_idx(0)
    e_vector(0)
    e_wait_feat(0)
    e_issue_out(EU - 1, 0)

    @pl.when(wid < E_TAILW)
    def _():
        e_wait_out(0)
        e_wait_idx(1)
        e_vector(1)
        e_wait_feat(1)
        e_issue_out(EU, 1)
        e_wait_out(1)

    @pl.when(wid >= E_TAILW)
    def _():
        e_wait_out(0)


def _tc_node_body(ntypes3_ref, x_ref, ntab_ref, out_ref):
    t = ntypes3_ref[0, 0, :]
    r_iota = lax.broadcasted_iota(jnp.int32, (NCH, CB), 0)
    oh = (r_iota == t[None, :]).astype(jnp.float32)
    embT = lax.dot_general(ntab_ref[...], oh, (((0,), (0,)), ((), ())),
                           preferred_element_type=jnp.float32,
                           precision=lax.Precision.HIGHEST)
    out_ref[0:NTYPE_DIM, :] = embT
    out_ref[NTYPE_DIM:NODE_W, :] = x_ref[...].T


@functools.partial(jax.jit, static_argnames=())
def kernel(x, eattr, ntypes, etypes, ntype_table, etype_table):
    eattrT = jnp.transpose(eattr)

    run_sc = pl.kernel(
        _sc_body,
        out_type=jax.ShapeDtypeStruct((EDGE_W, E), jnp.float32),
        mesh=plsc.VectorSubcoreMesh(core_axis_name="c", subcore_axis_name="s"),
        compiler_params=pltpu.CompilerParams(use_tc_tiling_on_sc=True,
                                             needs_layout_passes=False),
        scratch_types=[
            pltpu.VMEM((NUM_ETYPES, ETYPE_DIM), jnp.float32),
            pltpu.VMEM((NUM_ETYPES * STRIDE17,), jnp.float32),
            pltpu.VMEM((EC,), jnp.int32),
            pltpu.VMEM((EC,), jnp.int32),
            pltpu.VMEM((EDGE_W, EC), jnp.float32),
            pltpu.VMEM((EDGE_W, EC), jnp.float32),
            pltpu.SemaphoreType.DMA,
            pltpu.SemaphoreType.DMA,
            pltpu.SemaphoreType.DMA,
            pltpu.SemaphoreType.DMA,
            pltpu.SemaphoreType.DMA,
            pltpu.SemaphoreType.DMA,
        ],
    )
    ecatT = run_sc(eattrT, etypes.astype(jnp.int32), etype_table)

    ntypes3 = jnp.pad(ntypes.astype(jnp.int32), (0, N_PAD2 - N)).reshape(
        CB_CHUNKS, 1, CB)
    ntab_pad = jnp.pad(ntype_table, ((0, NCH - NUM_NTYPES), (0, 0)))
    xcatT = pl.pallas_call(
        _tc_node_body,
        grid=(CB_CHUNKS,),
        in_specs=[
            pl.BlockSpec((1, 1, CB), lambda c: (c, 0, 0)),
            pl.BlockSpec((CB, D_FEAT), lambda c: (c, 0)),
            pl.BlockSpec((NCH, NTYPE_DIM), lambda c: (0, 0)),
        ],
        out_specs=pl.BlockSpec((NODE_W, CB), lambda c: (0, c)),
        out_shape=jax.ShapeDtypeStruct((NODE_W, N_PAD), jnp.float32),
    )(ntypes3, x, ntab_pad)

    return (jnp.transpose(xcatT)[:N], jnp.transpose(ecatT))

# --- scband reference (transcript-rebuilt; emitter-appended) ---
"""Pipeline reference for scband-base-molecule-gnn-18013092839576 (READ-ONLY COPY).

The authoritative reference and input builder live on the scoring server;
editing this copy changes nothing except your own understanding.
"""

import jax, jax.numpy as jnp
import numpy as np

N = 10000
E = 320000
D_FEAT = 128
D_EDGE = 16
NUM_NTYPES = 119
NUM_ETYPES = 22
NTYPE_EMB_DIM = 64
ETYPE_EMB_DIM = 16


def setup_inputs(seed: int = 0) -> dict:
    key = jax.random.key(seed)
    ks = jax.random.split(key, 6)
    x = jax.random.normal(ks[0], (N, D_FEAT), dtype=jnp.float32)
    eattr = jax.random.normal(ks[1], (E, D_EDGE), dtype=jnp.float32)
    ntypes = jax.random.randint(ks[2], (N,), 0, NUM_NTYPES, dtype=jnp.int64 if jax.config.jax_enable_x64 else jnp.int32)
    etypes = jax.random.randint(ks[3], (E,), 0, NUM_ETYPES, dtype=jnp.int64 if jax.config.jax_enable_x64 else jnp.int32)
    ntype_table = jax.random.normal(ks[4], (NUM_NTYPES, NTYPE_EMB_DIM), dtype=jnp.float32) * 0.02
    etype_table = jax.random.normal(ks[5], (NUM_ETYPES, ETYPE_EMB_DIM), dtype=jnp.float32) * 0.02
    return {
        "x": x,
        "eattr": eattr,
        "ntypes": ntypes,
        "etypes": etypes,
        "ntype_table": ntype_table,
        "etype_table": etype_table,
    }


def reference(x, eattr, ntypes, etypes, ntype_table, etype_table):
    # _embed_types_and_cat: embedding lookup (gather) + concat for nodes and edges
    ntype_embs = jnp.take(ntype_table, ntypes, axis=0)
    x_cat = jnp.concatenate([ntype_embs, x], axis=-1)
    etype_embs = jnp.take(etype_table, etypes, axis=0)
    eattr_cat = jnp.concatenate([etype_embs, eattr], axis=-1)
    return (x_cat, eattr_cat)

if __name__ == "__main__":
    import jax
    _d = setup_inputs()
    print(jax.jit(kernel)(*tuple(_d.values())))

</pallas_src>

<mosaic_0001>
#map = affine_map<(d0, d1) -> (0, 0)>
#map1 = affine_map<(d0, d1) -> (0)>
module attributes {stable_mosaic.version = 14 : i64} {
  func.func @_sc_body(%arg0: i32, %arg1: i32, %arg2: memref<16x320000xf32, #tpu.memory_space<hbm>>, %arg3: memref<320000xi32, #tpu.memory_space<hbm>>, %arg4: memref<22x16xf32, #tpu.memory_space<hbm>>, %arg5: memref<32x320000xf32, #tpu.memory_space<hbm>>, %arg6: memref<22x16xf32, #tpu.memory_space<vmem>>, %arg7: memref<374xf32, #tpu.memory_space<vmem>>, %arg8: memref<1280xi32, #tpu.memory_space<vmem>>, %arg9: memref<1280xi32, #tpu.memory_space<vmem>>, %arg10: memref<32x1280xf32, #tpu.memory_space<vmem>>, %arg11: memref<32x1280xf32, #tpu.memory_space<vmem>>, %arg12: memref<!tpu.dma_semaphore, #tpu.memory_space<semaphore_mem>>, %arg13: memref<!tpu.dma_semaphore, #tpu.memory_space<semaphore_mem>>, %arg14: memref<!tpu.dma_semaphore, #tpu.memory_space<semaphore_mem>>, %arg15: memref<!tpu.dma_semaphore, #tpu.memory_space<semaphore_mem>>, %arg16: memref<!tpu.dma_semaphore, #tpu.memory_space<semaphore_mem>>, %arg17: memref<!tpu.dma_semaphore, #tpu.memory_space<semaphore_mem>>) attributes {dimension_semantics = [#tpu.dimension_semantics<core_parallel>, #tpu.dimension_semantics<subcore_parallel>], iteration_bounds = array<i64: 2, 16>, scalar_prefetch = 0 : i64, scratch_operands = 12 : i64, tpu.core_type = #tpu.core_type<sc_vector_subcore>, window_params = [{transform_indices = #map}, {transform_indices = #map1}, {transform_indices = #map}, {transform_indices = #map}]} {
    %mul3A = arith.constant 2 : i32
    %mul3A_0 = arith.muli %arg1, %mul3A : i32
    %add3A = arith.addi %mul3A_0, %arg0 : i32
    %iota3A = tpu.iota {dimensions = array<i32: 0>} : vector<16xi32>
    "tpu.region"() ({
      %run_scoped3A = tpu.sem_alloc : memref<!tpu.dma_semaphore, #tpu.memory_space<semaphore_mem>>
      tpu.enqueue_dma source(%arg4 : memref<22x16xf32, #tpu.memory_space<hbm>>) target(%arg6 : memref<22x16xf32, #tpu.memory_space<vmem>>) target_semaphore(%run_scoped3A : memref<!tpu.dma_semaphore, #tpu.memory_space<semaphore_mem>>)
      tpu.wait_dma2 semaphore(%run_scoped3A : memref<!tpu.dma_semaphore, #tpu.memory_space<semaphore_mem>>) src(%arg4 : memref<22x16xf32, #tpu.memory_space<hbm>>) dst(%arg6 : memref<22x16xf32, #tpu.memory_space<vmem>>)
      tpu.yield
    }) : () -> ()
    %add3A_1 = arith.constant 0 : i32
    %add3A_2 = vector.broadcast %add3A_1 : i32 to vector<16xi32>
    %add3A_3 = arith.addi %iota3A, %add3A_2 : vector<16xi32>
    %get3A = arith.constant 0 : i32
    %get3A_4 = arith.index_cast %get3A : i32 to index
    %get3A_5 = arith.constant 0 : index
    %get3A_6 = tpu.vector_load %arg6[%get3A_4, %get3A_5] {strides = array<i32>} : memref<22x16xf32, #tpu.memory_space<vmem>>, vector<16xf32>,
    tpu.vector_store_idx %arg7[%add3A_3], %get3A_6 : memref<374xf32, #tpu.memory_space<vmem>>[vector<16xi32>], vector<16xf32>,
    %add3A_7 = arith.constant 17 : i32
    %add3A_8 = vector.broadcast %add3A_7 : i32 to vector<16xi32>
    %add3A_9 = arith.addi %iota3A, %add3A_8 : vector<16xi32>
    %get3A_10 = arith.constant 1 : i32
    %get3A_11 = arith.index_cast %get3A_10 : i32 to index
    %get3A_12 = arith.constant 0 : index
    %get3A_13 = tpu.vector_load %arg6[%get3A_11, %get3A_12] {strides = array<i32>} : memref<22x16xf32, #tpu.memory_space<vmem>>, vector<16xf32>,
    tpu.vector_store_idx %arg7[%add3A_9], %get3A_13 : memref<374xf32, #tpu.memory_space<vmem>>[vector<16xi32>], vector<16xf32>,
    %add3A_14 = arith.constant 34 : i32
    %add3A_15 = vector.broadcast %add3A_14 : i32 to vector<16xi32>
    %add3A_16 = arith.addi %iota3A, %add3A_15 : vector<16xi32>
    %get3A_17 = arith.constant 2 : i32
    %get3A_18 = arith.index_cast %get3A_17 : i32 to index
    %get3A_19 = arith.constant 0 : index
    %get3A_20 = tpu.vector_load %arg6[%get3A_18, %get3A_19] {strides = array<i32>} : memref<22x16xf32, #tpu.memory_space<vmem>>, vector<16xf32>,
    tpu.vector_store_idx %arg7[%add3A_16], %get3A_20 : memref<374xf32, #tpu.memory_space<vmem>>[vector<16xi32>], vector<16xf32>,
    %add3A_21 = arith.constant 51 : i32
    %add3A_22 = vector.broadcast %add3A_21 : i32 to vector<16xi32>
    %add3A_23 = arith.addi %iota3A, %add3A_22 : vector<16xi32>
    %get3A_24 = arith.constant 3 : i32
    %get3A_25 = arith.index_cast %get3A_24 : i32 to index
    %get3A_26 = arith.constant 0 : index
    %get3A_27 = tpu.vector_load %arg6[%get3A_25, %get3A_26] {strides = array<i32>} : memref<22x16xf32, #tpu.memory_space<vmem>>, vector<16xf32>,
    tpu.vector_store_idx %arg7[%add3A_23], %get3A_27 : memref<374xf32, #tpu.memory_space<vmem>>[vector<16xi32>], vector<16xf32>,
    %add3A_28 = arith.constant 68 : i32
    %add3A_29 = vector.broadcast %add3A_28 : i32 to vector<16xi32>
    %add3A_30 = arith.addi %iota3A, %add3A_29 : vector<16xi32>
    %get3A_31 = arith.constant 4 : i32
    %get3A_32 = arith.index_cast %get3A_31 : i32 to index
    %get3A_33 = arith.constant 0 : index
    %get3A_34 = tpu.vector_load %arg6[%get3A_32, %get3A_33] {strides = array<i32>} : memref<22x16xf32, #tpu.memory_space<vmem>>, vector<16xf32>,
    tpu.vector_store_idx %arg7[%add3A_30], %get3A_34 : memref<374xf32, #tpu.memory_space<vmem>>[vector<16xi32>], vector<16xf32>,
    %add3A_35 = arith.constant 85 : i32
    %add3A_36 = vector.broadcast %add3A_35 : i32 to vector<16xi32>
    %add3A_37 = arith.addi %iota3A, %add3A_36 : vector<16xi32>
    %get3A_38 = arith.constant 5 : i32
    %get3A_39 = arith.index_cast %get3A_38 : i32 to index
    %get3A_40 = arith.constant 0 : index
    %get3A_41 = tpu.vector_load %arg6[%get3A_39, %get3A_40] {strides = array<i32>} : memref<22x16xf32, #tpu.memory_space<vmem>>, vector<16xf32>,
    tpu.vector_store_idx %arg7[%add3A_37], %get3A_41 : memref<374xf32, #tpu.memory_space<vmem>>[vector<16xi32>], vector<16xf32>,
    %add3A_42 = arith.constant 102 : i32
    %add3A_43 = vector.broadcast %add3A_42 : i32 to vector<16xi32>
    %add3A_44 = arith.addi %iota3A, %add3A_43 : vector<16xi32>
    %get3A_45 = arith.constant 6 : i32
    %get3A_46 = arith.index_cast %get3A_45 : i32 to index
    %get3A_47 = arith.constant 0 : index
    %get3A_48 = tpu.vector_load %arg6[%get3A_46, %get3A_47] {strides = array<i32>} : memref<22x16xf32, #tpu.memory_space<vmem>>, vector<16xf32>,
    tpu.vector_store_idx %arg7[%add3A_44], %get3A_48 : memref<374xf32, #tpu.memory_space<vmem>>[vector<16xi32>], vector<16xf32>,
    %add3A_49 = arith.constant 119 : i32
    %add3A_50 = vector.broadcast %add3A_49 : i32 to vector<16xi32>
    %add3A_51 = arith.addi %iota3A, %add3A_50 : vector<16xi32>
    %get3A_52 = arith.constant 7 : i32
    %get3A_53 = arith.index_cast %get3A_52 : i32 to index
    %get3A_54 = arith.constant 0 : index
    %get3A_55 = tpu.vector_load %arg6[%get3A_53, %get3A_54] {strides = array<i32>} : memref<22x16xf32, #tpu.memory_space<vmem>>, vector<16xf32>,
    tpu.vector_store_idx %arg7[%add3A_51], %get3A_55 : memref<374xf32, #tpu.memory_space<vmem>>[vector<16xi32>], vector<16xf32>,
    %add3A_56 = arith.constant 136 : i32
    %add3A_57 = vector.broadcast %add3A_56 : i32 to vector<16xi32>
    %add3A_58 = arith.addi %iota3A, %add3A_57 : vector<16xi32>
    %get3A_59 = arith.constant 8 : i32
    %get3A_60 = arith.index_cast %get3A_59 : i32 to index
    %get3A_61 = arith.constant 0 : index
    %get3A_62 = tpu.vector_load %arg6[%get3A_60, %get3A_61] {strides = array<i32>} : memref<22x16xf32, #tpu.memory_space<vmem>>, vector<16xf32>,
    tpu.vector_store_idx %arg7[%add3A_58], %get3A_62 : memref<374xf32, #tpu.memory_space<vmem>>[vector<16xi32>], vector<16xf32>,
    %add3A_63 = arith.constant 153 : i32
    %add3A_64 = vector.broadcast %add3A_63 : i32 to vector<16xi32>
    %add3A_65 = arith.addi %iota3A, %add3A_64 : vector<16xi32>
    %get3A_66 = arith.constant 9 : i32
    %get3A_67 = arith.index_cast %get3A_66 : i32 to index
    %get3A_68 = arith.constant 0 : index
    %get3A_69 = tpu.vector_load %arg6[%get3A_67, %get3A_68] {strides = array<i32>} : memref<22x16xf32, #tpu.memory_space<vmem>>, vector<16xf32>,
    tpu.vector_store_idx %arg7[%add3A_65], %get3A_69 : memref<374xf32, #tpu.memory_space<vmem>>[vector<16xi32>], vector<16xf32>,
    %add3A_70 = arith.constant 170 : i32
    %add3A_71 = vector.broadcast %add3A_70 : i32 to vector<16xi32>
    %add3A_72 = arith.addi %iota3A, %add3A_71 : vector<16xi32>
    %get3A_73 = arith.constant 10 : i32
    %get3A_74 = arith.index_cast %get3A_73 : i32 to index
    %get3A_75 = arith.constant 0 : index
    %get3A_76 = tpu.vector_load %arg6[%get3A_74, %get3A_75] {strides = array<i32>} : memref<22x16xf32, #tpu.memory_space<vmem>>, vector<16xf32>,
    tpu.vector_store_idx %arg7[%add3A_72], %get3A_76 : memref<374xf32, #tpu.memory_space<vmem>>[vector<16xi32>], vector<16xf32>,
    %add3A_77 = arith.constant 187 : i32
    %add3A_78 = vector.broadcast %add3A_77 : i32 to vector<16xi32>
    %add3A_79 = arith.addi %iota3A, %add3A_78 : vector<16xi32>
    %get3A_80 = arith.constant 11 : i32
    %get3A_81 = arith.index_cast %get3A_80 : i32 to index
    %get3A_82 = arith.constant 0 : index
    %get3A_83 = tpu.vector_load %arg6[%get3A_81, %get3A_82] {strides = array<i32>} : memref<22x16xf32, #tpu.memory_space<vmem>>, vector<16xf32>,
    tpu.vector_store_idx %arg7[%add3A_79], %get3A_83 : memref<374xf32, #tpu.memory_space<vmem>>[vector<16xi32>], vector<16xf32>,
    %add3A_84 = arith.constant 204 : i32
    %add3A_85 = vector.broadcast %add3A_84 : i32 to vector<16xi32>
    %add3A_86 = arith.addi %iota3A, %add3A_85 : vector<16xi32>
    %get3A_87 = arith.constant 12 : i32
    %get3A_88 = arith.index_cast %get3A_87 : i32 to index
    %get3A_89 = arith.constant 0 : index
    %get3A_90 = tpu.vector_load %arg6[%get3A_88, %get3A_89] {strides = array<i32>} : memref<22x16xf32, #tpu.memory_space<vmem>>, vector<16xf32>,
    tpu.vector_store_idx %arg7[%add3A_86], %get3A_90 : memref<374xf32, #tpu.memory_space<vmem>>[vector<16xi32>], vector<16xf32>,
    %add3A_91 = arith.constant 221 : i32
    %add3A_92 = vector.broadcast %add3A_91 : i32 to vector<16xi32>
    %add3A_93 = arith.addi %iota3A, %add3A_92 : vector<16xi32>
    %get3A_94 = arith.constant 13 : i32
    %get3A_95 = arith.index_cast %get3A_94 : i32 to index
    %get3A_96 = arith.constant 0 : index
    %get3A_97 = tpu.vector_load %arg6[%get3A_95, %get3A_96] {strides = array<i32>} : memref<22x16xf32, #tpu.memory_space<vmem>>, vector<16xf32>,
    tpu.vector_store_idx %arg7[%add3A_93], %get3A_97 : memref<374xf32, #tpu.memory_space<vmem>>[vector<16xi32>], vector<16xf32>,
    %add3A_98 = arith.constant 238 : i32
    %add3A_99 = vector.broadcast %add3A_98 : i32 to vector<16xi32>
    %add3A_100 = arith.addi %iota3A, %add3A_99 : vector<16xi32>
    %get3A_101 = arith.constant 14 : i32
    %get3A_102 = arith.index_cast %get3A_101 : i32 to index
    %get3A_103 = arith.constant 0 : index
    %get3A_104 = tpu.vector_load %arg6[%get3A_102, %get3A_103] {strides = array<i32>} : memref<22x16xf32, #tpu.memory_space<vmem>>, vector<16xf32>,
    tpu.vector_store_idx %arg7[%add3A_100], %get3A_104 : memref<374xf32, #tpu.memory_space<vmem>>[vector<16xi32>], vector<16xf32>,
    %add3A_105 = arith.constant 255 : i32
    %add3A_106 = vector.broadcast %add3A_105 : i32 to vector<16xi32>
    %add3A_107 = arith.addi %iota3A, %add3A_106 : vector<16xi32>
    %get3A_108 = arith.constant 15 : i32
    %get3A_109 = arith.index_cast %get3A_108 : i32 to index
    %get3A_110 = arith.constant 0 : index
    %get3A_111 = tpu.vector_load %arg6[%get3A_109, %get3A_110] {strides = array<i32>} : memref<22x16xf32, #tpu.memory_space<vmem>>, vector<16xf32>,
    tpu.vector_store_idx %arg7[%add3A_107], %get3A_111 : memref<374xf32, #tpu.memory_space<vmem>>[vector<16xi32>], vector<16xf32>,
    %add3A_112 = arith.constant 272 : i32
    %add3A_113 = vector.broadcast %add3A_112 : i32 to vector<16xi32>
    %add3A_114 = arith.addi %iota3A, %add3A_113 : vector<16xi32>
    %get3A_115 = arith.constant 16 : i32
    %get3A_116 = arith.index_cast %get3A_115 : i32 to index
    %get3A_117 = arith.constant 0 : index
    %get3A_118 = tpu.vector_load %arg6[%get3A_116, %get3A_117] {strides = array<i32>} : memref<22x16xf32, #tpu.memory_space<vmem>>, vector<16xf32>,
    tpu.vector_store_idx %arg7[%add3A_114], %get3A_118 : memref<374xf32, #tpu.memory_space<vmem>>[vector<16xi32>], vector<16xf32>,
    %add3A_119 = arith.constant 289 : i32
    %add3A_120 = vector.broadcast %add3A_119 : i32 to vector<16xi32>
    %add3A_121 = arith.addi %iota3A, %add3A_120 : vector<16xi32>
    %get3A_122 = arith.constant 17 : i32
    %get3A_123 = arith.index_cast %get3A_122 : i32 to index
    %get3A_124 = arith.constant 0 : index
    %get3A_125 = tpu.vector_load %arg6[%get3A_123, %get3A_124] {strides = array<i32>} : memref<22x16xf32, #tpu.memory_space<vmem>>, vector<16xf32>,
    tpu.vector_store_idx %arg7[%add3A_121], %get3A_125 : memref<374xf32, #tpu.memory_space<vmem>>[vector<16xi32>], vector<16xf32>,
    %add3A_126 = arith.constant 306 : i32
    %add3A_127 = vector.broadcast %add3A_126 : i32 to vector<16xi32>
    %add3A_128 = arith.addi %iota3A, %add3A_127 : vector<16xi32>
    %get3A_129 = arith.constant 18 : i32
    %get3A_130 = arith.index_cast %get3A_129 : i32 to index
    %get3A_131 = arith.constant 0 : index
    %get3A_132 = tpu.vector_load %arg6[%get3A_130, %get3A_131] {strides = array<i32>} : memref<22x16xf32, #tpu.memory_space<vmem>>, vector<16xf32>,
    tpu.vector_store_idx %arg7[%add3A_128], %get3A_132 : memref<374xf32, #tpu.memory_space<vmem>>[vector<16xi32>], vector<16xf32>,
    %add3A_133 = arith.constant 323 : i32
    %add3A_134 = vector.broadcast %add3A_133 : i32 to vector<16xi32>
    %add3A_135 = arith.addi %iota3A, %add3A_134 : vector<16xi32>
    %get3A_136 = arith.constant 19 : i32
    %get3A_137 = arith.index_cast %get3A_136 : i32 to index
    %get3A_138 = arith.constant 0 : index
    %get3A_139 = tpu.vector_load %arg6[%get3A_137, %get3A_138] {strides = array<i32>} : memref<22x16xf32, #tpu.memory_space<vmem>>, vector<16xf32>,
    tpu.vector_store_idx %arg7[%add3A_135], %get3A_139 : memref<374xf32, #tpu.memory_space<vmem>>[vector<16xi32>], vector<16xf32>,
    %add3A_140 = arith.constant 340 : i32
    %add3A_141 = vector.broadcast %add3A_140 : i32 to vector<16xi32>
    %add3A_142 = arith.addi %iota3A, %add3A_141 : vector<16xi32>
    %get3A_143 = arith.constant 20 : i32
    %get3A_144 = arith.index_cast %get3A_143 : i32 to index
    %get3A_145 = arith.constant 0 : index
    %get3A_146 = tpu.vector_load %arg6[%get3A_144, %get3A_145] {strides = array<i32>} : memref<22x16xf32, #tpu.memory_space<vmem>>, vector<16xf32>,
    tpu.vector_store_idx %arg7[%add3A_142], %get3A_146 : memref<374xf32, #tpu.memory_space<vmem>>[vector<16xi32>], vector<16xf32>,
    %add3A_147 = arith.constant 357 : i32
    %add3A_148 = vector.broadcast %add3A_147 : i32 to vector<16xi32>
    %add3A_149 = arith.addi %iota3A, %add3A_148 : vector<16xi32>
    %get3A_150 = arith.constant 21 : i32
    %get3A_151 = arith.index_cast %get3A_150 : i32 to index
    %get3A_152 = arith.constant 0 : index
    %get3A_153 = tpu.vector_load %arg6[%get3A_151, %get3A_152] {strides = array<i32>} : memref<22x16xf32, #tpu.memory_space<vmem>>, vector<16xf32>,
    tpu.vector_store_idx %arg7[%add3A_149], %get3A_153 : memref<374xf32, #tpu.memory_space<vmem>>[vector<16xi32>], vector<16xf32>,
    %add3A_154 = arith.constant 0 : i32
    %add3A_155 = arith.addi %add3A, %add3A_154 : i32
    %mul3A_156 = arith.constant 1280 : i32
    %mul3A_157 = arith.muli %add3A_155, %mul3A_156 : i32
    %multiple_of3A = tpu.assume_multiple %mul3A_157, 128 : i32
    %dma_start3A = tpu.memref_slice %arg3[%multiple_of3A] : memref<320000xi32, #tpu.memory_space<hbm>> -> memref<1280xi32, #tpu.memory_space<hbm>>
    %dma_start3A_158 = tpu.memref_slice %arg3[%multiple_of3A] : memref<320000xi32, #tpu.memory_space<hbm>> -> memref<1280xi32, #tpu.memory_space<hbm>>
    tpu.enqueue_dma source(%dma_start3A_158 : memref<1280xi32, #tpu.memory_space<hbm>>) target(%arg8 : memref<1280xi32, #tpu.memory_space<vmem>>) target_semaphore(%arg12 : memref<!tpu.dma_semaphore, #tpu.memory_space<semaphore_mem>>)
    %dma_start3A_159 = arith.constant 16 : i32
    %dma_start3A_160 = arith.constant 0 : i32
    %dma_start3A_161 = tpu.memref_slice %arg10[%dma_start3A_159, %dma_start3A_160] : memref<32x1280xf32, #tpu.memory_space<vmem>> -> memref<16x1280xf32, #tpu.memory_space<vmem>>
    %dma_start3A_162 = arith.constant 0 : i32
    %dma_start3A_163 = tpu.memref_slice %arg2[%dma_start3A_162, %multiple_of3A] : memref<16x320000xf32, #tpu.memory_space<hbm>> -> memref<16x1280xf32, #tpu.memory_space<hbm>>
    %dma_start3A_164 = arith.constant 16 : i32
    %dma_start3A_165 = arith.constant 0 : i32
    %dma_start3A_166 = tpu.memref_slice %arg10[%dma_start3A_164, %dma_start3A_165] : memref<32x1280xf32, #tpu.memory_space<vmem>> -> memref<16x1280xf32, #tpu.memory_space<vmem>>
    %dma_start3A_167 = arith.constant 0 : i32
    %dma_start3A_168 = tpu.memref_slice %arg2[%dma_start3A_167, %multiple_of3A] : memref<16x320000xf32, #tpu.memory_space<hbm>> -> memref<16x1280xf32, #tpu.memory_space<hbm>>
    tpu.enqueue_dma source(%dma_start3A_168 : memref<16x1280xf32, #tpu.memory_space<hbm>>) target(%dma_start3A_166 : memref<16x1280xf32, #tpu.memory_space<vmem>>) target_semaphore(%arg14 : memref<!tpu.dma_semaphore, #tpu.memory_space<semaphore_mem>>)
    %scan3A = arith.constant 0 : i32
    %scan3A_169 = arith.constant 0 : i32
    %scan3A_170 = arith.constant 3 : i32
    %scan3A_171 = arith.addi %scan3A_169, %scan3A_170 : i32
    %scan3A_172 = arith.constant 1 : i32
    scf.for %scan3A_217 = %scan3A_169 to %scan3A_171 step %scan3A_172  : i32 {
      %mul3A_218 = arith.constant 2 : i32
      %mul3A_219 = arith.muli %scan3A_217, %mul3A_218 : i32
      %gt3A = arith.constant 0 : i32
      %gt3A_220 = arith.cmpi sgt, %mul3A_219, %gt3A : i32
      %convert_element_type3A_221 = arith.extui %gt3A_220 : i1 to i32
      %cond3A_222 = arith.constant 0 : i32
      %cond3A_223 = arith.cmpi ne, %convert_element_type3A_221, %cond3A_222 : i32
      scf.if %cond3A_223 {
        %dma_wait3A_330 = arith.constant 0 : i32
        %dma_wait3A_331 = arith.constant 0 : i32
        %dma_wait3A_332 = tpu.memref_slice %arg5[%dma_wait3A_330, %dma_wait3A_331] : memref<32x320000xf32, #tpu.memory_space<hbm>> -> memref<32x1280xf32, #tpu.memory_space<hbm>>
        %dma_wait3A_333 = arith.constant 0 : i32
        %dma_wait3A_334 = arith.constant 0 : i32
        %dma_wait3A_335 = tpu.memref_slice %arg5[%dma_wait3A_333, %dma_wait3A_334] : memref<32x320000xf32, #tpu.memory_space<hbm>> -> memref<32x1280xf32, #tpu.memory_space<hbm>>
        tpu.wait_dma2 semaphore(%arg17 : memref<!tpu.dma_semaphore, #tpu.memory_space<semaphore_mem>>) src(%arg11 : memref<32x1280xf32, #tpu.memory_space<vmem>>) dst(%dma_wait3A_335 : memref<32x1280xf32, #tpu.memory_space<hbm>>)
      } else {
      }
      %add3A_224 = arith.constant 1 : i32
      %add3A_225 = arith.addi %mul3A_219, %add3A_224 : i32
      %mul3A_226 = arith.constant 32 : i32
      %mul3A_227 = arith.muli %add3A_225, %mul3A_226 : i32
      %add3A_228 = arith.addi %add3A, %mul3A_227 : i32
      %mul3A_229 = arith.constant 1280 : i32
      %mul3A_230 = arith.muli %add3A_228, %mul3A_229 : i32
      %multiple_of3A_231 = tpu.assume_multiple %mul3A_230, 128 : i32
      %dma_start3A_232 = tpu.memref_slice %arg3[%multiple_of3A_231] : memref<320000xi32, #tpu.memory_space<hbm>> -> memref<1280xi32, #tpu.memory_space<hbm>>
      %dma_start3A_233 = tpu.memref_slice %arg3[%multiple_of3A_231] : memref<320000xi32, #tpu.memory_space<hbm>> -> memref<1280xi32, #tpu.memory_space<hbm>>
      tpu.enqueue_dma source(%dma_start3A_233 : memref<1280xi32, #tpu.memory_space<hbm>>) target(%arg9 : memref<1280xi32, #tpu.memory_space<vmem>>) target_semaphore(%arg13 : memref<!tpu.dma_semaphore, #tpu.memory_space<semaphore_mem>>)
      %dma_start3A_234 = arith.constant 16 : i32
      %dma_start3A_235 = arith.constant 0 : i32
      %dma_start3A_236 = tpu.memref_slice %arg11[%dma_start3A_234, %dma_start3A_235] : memref<32x1280xf32, #tpu.memory_space<vmem>> -> memref<16x1280xf32, #tpu.memory_space<vmem>>
      %dma_start3A_237 = arith.constant 0 : i32
      %dma_start3A_238 = tpu.memref_slice %arg2[%dma_start3A_237, %multiple_of3A_231] : memref<16x320000xf32, #tpu.memory_space<hbm>> -> memref<16x1280xf32, #tpu.memory_space<hbm>>
      %dma_start3A_239 = arith.constant 16 : i32
      %dma_start3A_240 = arith.constant 0 : i32
      %dma_start3A_241 = tpu.memref_slice %arg11[%dma_start3A_239, %dma_start3A_240] : memref<32x1280xf32, #tpu.memory_space<vmem>> -> memref<16x1280xf32, #tpu.memory_space<vmem>>
      %dma_start3A_242 = arith.constant 0 : i32
      %dma_start3A_243 = tpu.memref_slice %arg2[%dma_start3A_242, %multiple_of3A_231] : memref<16x320000xf32, #tpu.memory_space<hbm>> -> memref<16x1280xf32, #tpu.memory_space<hbm>>
      tpu.enqueue_dma source(%dma_start3A_243 : memref<16x1280xf32, #tpu.memory_space<hbm>>) target(%dma_start3A_241 : memref<16x1280xf32, #tpu.memory_space<vmem>>) target_semaphore(%arg15 : memref<!tpu.dma_semaphore, #tpu.memory_space<semaphore_mem>>)
      %dma_wait3A_244 = arith.constant 0 : i32
      %dma_wait3A_245 = tpu.memref_slice %arg3[%dma_wait3A_244] : memref<320000xi32, #tpu.memory_space<hbm>> -> memref<1280xi32, #tpu.memory_space<hbm>>
      %dma_wait3A_246 = arith.constant 0 : i32
      %dma_wait3A_247 = tpu.memref_slice %arg3[%dma_wait3A_246] : memref<320000xi32, #tpu.memory_space<hbm>> -> memref<1280xi32, #tpu.memory_space<hbm>>
      tpu.wait_dma2 semaphore(%arg12 : memref<!tpu.dma_semaphore, #tpu.memory_space<semaphore_mem>>) src(%dma_wait3A_247 : memref<1280xi32, #tpu.memory_space<hbm>>) dst(%arg8 : memref<1280xi32, #tpu.memory_space<vmem>>)
      %parallel_loop3A_248 = arith.constant 0 : i32
      %parallel_loop3A_249 = arith.constant 80 : i32
      %parallel_loop3A_250 = arith.constant 1 : i32
      scf.for %parallel_loop3A_330 = %parallel_loop3A_248 to %parallel_loop3A_249 step %parallel_loop3A_250  : i32 {
        %parallel_loop3A_331 = arith.constant 16 : i32
        %parallel_loop3A_332 = arith.muli %parallel_loop3A_330, %parallel_loop3A_331 : i32
        %parallel_loop3A_333 = arith.index_cast %parallel_loop3A_332 : i32 to index
        %parallel_loop3A_334 = tpu.vector_load %arg8[%parallel_loop3A_333] {strides = array<i32>} : memref<1280xi32, #tpu.memory_space<vmem>>, vector<16xi32>,
        %parallel_loop3A_335 = arith.constant 17 : i32
        %parallel_loop3A_336 = vector.broadcast %parallel_loop3A_335 : i32 to vector<16xi32>
        %parallel_loop3A_337 = arith.muli %parallel_loop3A_334, %parallel_loop3A_336 : vector<16xi32>
        %parallel_loop3A_338 = arith.constant 0 : i32
        %parallel_loop3A_339 = vector.broadcast %parallel_loop3A_338 : i32 to vector<16xi32>
        %parallel_loop3A_340 = arith.addi %parallel_loop3A_337, %parallel_loop3A_339 : vector<16xi32>
        %parallel_loop3A_341 = tpu.vector_load_idx %arg7[%parallel_loop3A_340] : memref<374xf32, #tpu.memory_space<vmem>>[vector<16xi32>], vector<16xf32>,
        %parallel_loop3A_342 = arith.constant 16 : i32
        %parallel_loop3A_343 = arith.muli %parallel_loop3A_330, %parallel_loop3A_342 : i32
        %parallel_loop3A_344 = arith.constant 0 : i32
        %parallel_loop3A_345 = arith.index_cast %parallel_loop3A_344 : i32 to index
        %parallel_loop3A_346 = arith.index_cast %parallel_loop3A_343 : i32 to index
        %parallel_loop3A_347 = tpu.vector_load %arg10[%parallel_loop3A_345, %parallel_loop3A_346] {strides = array<i32>} : memref<32x1280xf32, #tpu.memory_space<vmem>>, vector<16xf32>,
        tpu.vector_store %arg10[%parallel_loop3A_345, %parallel_loop3A_346], %parallel_loop3A_341 {strides = array<i32>} : memref<32x1280xf32, #tpu.memory_space<vmem>>, vector<16xf32>,
        %parallel_loop3A_348 = arith.constant 1 : i32
        %parallel_loop3A_349 = vector.broadcast %parallel_loop3A_348 : i32 to vector<16xi32>
        %parallel_loop3A_350 = arith.addi %parallel_loop3A_337, %parallel_loop3A_349 : vector<16xi32>
        %parallel_loop3A_351 = tpu.vector_load_idx %arg7[%parallel_loop3A_350] : memref<374xf32, #tpu.memory_space<vmem>>[vector<16xi32>], vector<16xf32>,
        %parallel_loop3A_352 = arith.constant 16 : i32
        %parallel_loop3A_353 = arith.muli %parallel_loop3A_330, %parallel_loop3A_352 : i32
        %parallel_loop3A_354 = arith.constant 1 : i32
        %parallel_loop3A_355 = arith.index_cast %parallel_loop3A_354 : i32 to index
        %parallel_loop3A_356 = arith.index_cast %parallel_loop3A_353 : i32 to index
        %parallel_loop3A_357 = tpu.vector_load %arg10[%parallel_loop3A_355, %parallel_loop3A_356] {strides = array<i32>} : memref<32x1280xf32, #tpu.memory_space<vmem>>, vector<16xf32>,
        tpu.vector_store %arg10[%parallel_loop3A_355, %parallel_loop3A_356], %parallel_loop3A_351 {strides = array<i32>} : memref<32x1280xf32, #tpu.memory_space<vmem>>, vector<16xf32>,
        %parallel_loop3A_358 = arith.constant 2 : i32
        %parallel_loop3A_359 = vector.broadcast %parallel_loop3A_358 : i32 to vector<16xi32>
        %parallel_loop3A_360 = arith.addi %parallel_loop3A_337, %parallel_loop3A_359 : vector<16xi32>
        %parallel_loop3A_361 = tpu.vector_load_idx %arg7[%parallel_loop3A_360] : memref<374xf32, #tpu.memory_space<vmem>>[vector<16xi32>], vector<16xf32>,
        %parallel_loop3A_362 = arith.constant 16 : i32
        %parallel_loop3A_363 = arith.muli %parallel_loop3A_330, %parallel_loop3A_362 : i32
        %parallel_loop3A_364 = arith.constant 2 : i32
        %parallel_loop3A_365 = arith.index_cast %parallel_loop3A_364 : i32 to index
        %parallel_loop3A_366 = arith.index_cast %parallel_loop3A_363 : i32 to index
        %parallel_loop3A_367 = tpu.vector_load %arg10[%parallel_loop3A_365, %parallel_loop3A_366] {strides = array<i32>} : memref<32x1280xf32, #tpu.memory_space<vmem>>, vector<16xf32>,
        tpu.vector_store %arg10[%parallel_loop3A_365, %parallel_loop3A_366], %parallel_loop3A_361 {strides = array<i32>} : memref<32x1280xf32, #tpu.memory_space<vmem>>, vector<16xf32>,
        %parallel_loop3A_368 = arith.constant 3 : i32
        %parallel_loop3A_369 = vector.broadcast %parallel_loop3A_368 : i32 to vector<16xi32>
        %parallel_loop3A_370 = arith.addi %parallel_loop3A_337, %parallel_loop3A_369 : vector<16xi32>
        %parallel_loop3A_371 = tpu.vector_load_idx %arg7[%parallel_loop3A_370] : memref<374xf32, #tpu.memory_space<vmem>>[vector<16xi32>], vector<16xf32>,
        %parallel_loop3A_372 = arith.constant 16 : i32
        %parallel_loop3A_373 = arith.muli %parallel_loop3A_330, %parallel_loop3A_372 : i32
        %parallel_loop3A_374 = arith.constant 3 : i32
        %parallel_loop3A_375 = arith.index_cast %parallel_loop3A_374 : i32 to index
        %parallel_loop3A_376 = arith.index_cast %parallel_loop3A_373 : i32 to index
        %parallel_loop3A_377 = tpu.vector_load %arg10[%parallel_loop3A_375, %parallel_loop3A_376] {strides = array<i32>} : memref<32x1280xf32, #tpu.memory_space<vmem>>, vector<16xf32>,
        tpu.vector_store %arg10[%parallel_loop3A_375, %parallel_loop3A_376], %parallel_loop3A_371 {strides = array<i32>} : memref<32x1280xf32, #tpu.memory_space<vmem>>, vector<16xf32>,
        %parallel_loop3A_378 = arith.constant 4 : i32
        %parallel_loop3A_379 = vector.broadcast %parallel_loop3A_378 : i32 to vector<16xi32>
        %parallel_loop3A_380 = arith.addi %parallel_loop3A_337, %parallel_loop3A_379 : vector<16xi32>
        %parallel_loop3A_381 = tpu.vector_load_idx %arg7[%parallel_loop3A_380] : memref<374xf32, #tpu.memory_space<vmem>>[vector<16xi32>], vector<16xf32>,
        %parallel_loop3A_382 = arith.constant 16 : i32
        %parallel_loop3A_383 = arith.muli %parallel_loop3A_330, %parallel_loop3A_382 : i32
        %parallel_loop3A_384 = arith.constant 4 : i32
        %parallel_loop3A_385 = arith.index_cast %parallel_loop3A_384 : i32 to index
        %parallel_loop3A_386 = arith.index_cast %parallel_loop3A_383 : i32 to index
        %parallel_loop3A_387 = tpu.vector_load %arg10[%parallel_loop3A_385, %parallel_loop3A_386] {strides = array<i32>} : memref<32x1280xf32, #tpu.memory_space<vmem>>, vector<16xf32>,
        tpu.vector_store %arg10[%parallel_loop3A_385, %parallel_loop3A_386], %parallel_loop3A_381 {strides = array<i32>} : memref<32x1280xf32, #tpu.memory_space<vmem>>, vector<16xf32>,
        %parallel_loop3A_388 = arith.constant 5 : i32
        %parallel_loop3A_389 = vector.broadcast %parallel_loop3A_388 : i32 to vector<16xi32>
        %parallel_loop3A_390 = arith.addi %parallel_loop3A_337, %parallel_loop3A_389 : vector<16xi32>
        %parallel_loop3A_391 = tpu.vector_load_idx %arg7[%parallel_loop3A_390] : memref<374xf32, #tpu.memory_space<vmem>>[vector<16xi32>], vector<16xf32>,
        %parallel_loop3A_392 = arith.constant 16 : i32
        %parallel_loop3A_393 = arith.muli %parallel_loop3A_330, %parallel_loop3A_392 : i32
        %parallel_loop3A_394 = arith.constant 5 : i32
        %parallel_loop3A_395 = arith.index_cast %parallel_loop3A_394 : i32 to index
        %parallel_loop3A_396 = arith.index_cast %parallel_loop3A_393 : i32 to index
        %parallel_loop3A_397 = tpu.vector_load %arg10[%parallel_loop3A_395, %parallel_loop3A_396] {strides = array<i32>} : memref<32x1280xf32, #tpu.memory_space<vmem>>, vector<16xf32>,
        tpu.vector_store %arg10[%parallel_loop3A_395, %parallel_loop3A_396], %parallel_loop3A_391 {strides = array<i32>} : memref<32x1280xf32, #tpu.memory_space<vmem>>, vector<16xf32>,
        %parallel_loop3A_398 = arith.constant 6 : i32
        %parallel_loop3A_399 = vector.broadcast %parallel_loop3A_398 : i32 to vector<16xi32>
        %parallel_loop3A_400 = arith.addi %parallel_loop3A_337, %parallel_loop3A_399 : vector<16xi32>
        %parallel_loop3A_401 = tpu.vector_load_idx %arg7[%parallel_loop3A_400] : memref<374xf32, #tpu.memory_space<vmem>>[vector<16xi32>], vector<16xf32>,
        %parallel_loop3A_402 = arith.constant 16 : i32
        %parallel_loop3A_403 = arith.muli %parallel_loop3A_330, %parallel_loop3A_402 : i32
        %parallel_loop3A_404 = arith.constant 6 : i32
        %parallel_loop3A_405 = arith.index_cast %parallel_loop3A_404 : i32 to index
        %parallel_loop3A_406 = arith.index_cast %parallel_loop3A_403 : i32 to index
        %parallel_loop3A_407 = tpu.vector_load %arg10[%parallel_loop3A_405, %parallel_loop3A_406] {strides = array<i32>} : memref<32x1280xf32, #tpu.memory_space<vmem>>, vector<16xf32>,
        tpu.vector_store %arg10[%parallel_loop3A_405, %parallel_loop3A_406], %parallel_loop3A_401 {strides = array<i32>} : memref<32x1280xf32, #tpu.memory_space<vmem>>, vector<16xf32>,
        %parallel_loop3A_408 = arith.constant 7 : i32
        %parallel_loop3A_409 = vector.broadcast %parallel_loop3A_408 : i32 to vector<16xi32>
        %parallel_loop3A_410 = arith.addi %parallel_loop3A_337, %parallel_loop3A_409 : vector<16xi32>
        %parallel_loop3A_411 = tpu.vector_load_idx %arg7[%parallel_loop3A_410] : memref<374xf32, #tpu.memory_space<vmem>>[vector<16xi32>], vector<16xf32>,
        %parallel_loop3A_412 = arith.constant 16 : i32
        %parallel_loop3A_413 = arith.muli %parallel_loop3A_330, %parallel_loop3A_412 : i32
        %parallel_loop3A_414 = arith.constant 7 : i32
        %parallel_loop3A_415 = arith.index_cast %parallel_loop3A_414 : i32 to index
        %parallel_loop3A_416 = arith.index_cast %parallel_loop3A_413 : i32 to index
        %parallel_loop3A_417 = tpu.vector_load %arg10[%parallel_loop3A_415, %parallel_loop3A_416] {strides = array<i32>} : memref<32x1280xf32, #tpu.memory_space<vmem>>, vector<16xf32>,
        tpu.vector_store %arg10[%parallel_loop3A_415, %parallel_loop3A_416], %parallel_loop3A_411 {strides = array<i32>} : memref<32x1280xf32, #tpu.memory_space<vmem>>, vector<16xf32>,
        %parallel_loop3A_418 = arith.constant 8 : i32
        %parallel_loop3A_419 = vector.broadcast %parallel_loop3A_418 : i32 to vector<16xi32>
        %parallel_loop3A_420 = arith.addi %parallel_loop3A_337, %parallel_loop3A_419 : vector<16xi32>
        %parallel_loop3A_421 = tpu.vector_load_idx %arg7[%parallel_loop3A_420] : memref<374xf32, #tpu.memory_space<vmem>>[vector<16xi32>], vector<16xf32>,
        %parallel_loop3A_422 = arith.constant 16 : i32
        %parallel_loop3A_423 = arith.muli %parallel_loop3A_330, %parallel_loop3A_422 : i32
        %parallel_loop3A_424 = arith.constant 8 : i32
        %parallel_loop3A_425 = arith.index_cast %parallel_loop3A_424 : i32 to index
        %parallel_loop3A_426 = arith.index_cast %parallel_loop3A_423 : i32 to index
        %parallel_loop3A_427 = tpu.vector_load %arg10[%parallel_loop3A_425, %parallel_loop3A_426] {strides = array<i32>} : memref<32x1280xf32, #tpu.memory_space<vmem>>, vector<16xf32>,
        tpu.vector_store %arg10[%parallel_loop3A_425, %parallel_loop3A_426], %parallel_loop3A_421 {strides = array<i32>} : memref<32x1280xf32, #tpu.memory_space<vmem>>, vector<16xf32>,
        %parallel_loop3A_428 = arith.constant 9 : i32
        %parallel_loop3A_429 = vector.broadcast %parallel_loop3A_428 : i32 to vector<16xi32>
        %parallel_loop3A_430 = arith.addi %parallel_loop3A_337, %parallel_loop3A_429 : vector<16xi32>
        %parallel_loop3A_431 = tpu.vector_load_idx %arg7[%parallel_loop3A_430] : memref<374xf32, #tpu.memory_space<vmem>>[vector<16xi32>], vector<16xf32>,
        %parallel_loop3A_432 = arith.constant 16 : i32
        %parallel_loop3A_433 = arith.muli %parallel_loop3A_330, %parallel_loop3A_432 : i32
        %parallel_loop3A_434 = arith.constant 9 : i32
        %parallel_loop3A_435 = arith.index_cast %parallel_loop3A_434 : i32 to index
        %parallel_loop3A_436 = arith.index_cast %parallel_loop3A_433 : i32 to index
        %parallel_loop3A_437 = tpu.vector_load %arg10[%parallel_loop3A_435, %parallel_loop3A_436] {strides = array<i32>} : memref<32x1280xf32, #tpu.memory_space<vmem>>, vector<16xf32>,
        tpu.vector_store %arg10[%parallel_loop3A_435, %parallel_loop3A_436], %parallel_loop3A_431 {strides = array<i32>} : memref<32x1280xf32, #tpu.memory_space<vmem>>, vector<16xf32>,
        %parallel_loop3A_438 = arith.constant 10 : i32
        %parallel_loop3A_439 = vector.broadcast %parallel_loop3A_438 : i32 to vector<16xi32>
        %parallel_loop3A_440 = arith.addi %parallel_loop3A_337, %parallel_loop3A_439 : vector<16xi32>
        %parallel_loop3A_441 = tpu.vector_load_idx %arg7[%parallel_loop3A_440] : memref<374xf32, #tpu.memory_space<vmem>>[vector<16xi32>], vector<16xf32>,
        %parallel_loop3A_442 = arith.constant 16 : i32
        %parallel_loop3A_443 = arith.muli %parallel_loop3A_330, %parallel_loop3A_442 : i32
        %parallel_loop3A_444 = arith.constant 10 : i32
        %parallel_loop3A_445 = arith.index_cast %parallel_loop3A_444 : i32 to index
        %parallel_loop3A_446 = arith.index_cast %parallel_loop3A_443 : i32 to index
        %parallel_loop3A_447 = tpu.vector_load %arg10[%parallel_loop3A_445, %parallel_loop3A_446] {strides = array<i32>} : memref<32x1280xf32, #tpu.memory_space<vmem>>, vector<16xf32>,
        tpu.vector_store %arg10[%parallel_loop3A_445, %parallel_loop3A_446], %parallel_loop3A_441 {strides = array<i32>} : memref<32x1280xf32, #tpu.memory_space<vmem>>, vector<16xf32>,
        %parallel_loop3A_448 = arith.constant 11 : i32
        %parallel_loop3A_449 = vector.broadcast %parallel_loop3A_448 : i32 to vector<16xi32>
        %parallel_loop3A_450 = arith.addi %parallel_loop3A_337, %parallel_loop3A_449 : vector<16xi32>
        %parallel_loop3A_451 = tpu.vector_load_idx %arg7[%parallel_loop3A_450] : memref<374xf32, #tpu.memory_space<vmem>>[vector<16xi32>], vector<16xf32>,
        %parallel_loop3A_452 = arith.constant 16 : i32
        %parallel_loop3A_453 = arith.muli %parallel_loop3A_330, %parallel_loop3A_452 : i32
        %parallel_loop3A_454 = arith.constant 11 : i32
        %parallel_loop3A_455 = arith.index_cast %parallel_loop3A_454 : i32 to index
        %parallel_loop3A_456 = arith.index_cast %parallel_loop3A_453 : i32 to index
        %parallel_loop3A_457 = tpu.vector_load %arg10[%parallel_loop3A_455, %parallel_loop3A_456] {strides = array<i32>} : memref<32x1280xf32, #tpu.memory_space<vmem>>, vector<16xf32>,
        tpu.vector_store %arg10[%parallel_loop3A_455, %parallel_loop3A_456], %parallel_loop3A_451 {strides = array<i32>} : memref<32x1280xf32, #tpu.memory_space<vmem>>, vector<16xf32>,
        %parallel_loop3A_458 = arith.constant 12 : i32
        %parallel_loop3A_459 = vector.broadcast %parallel_loop3A_458 : i32 to vector<16xi32>
        %parallel_loop3A_460 = arith.addi %parallel_loop3A_337, %parallel_loop3A_459 : vector<16xi32>
        %parallel_loop3A_461 = tpu.vector_load_idx %arg7[%parallel_loop3A_460] : memref<374xf32, #tpu.memory_space<vmem>>[vector<16xi32>], vector<16xf32>,
        %parallel_loop3A_462 = arith.constant 16 : i32
        %parallel_loop3A_463 = arith.muli %parallel_loop3A_330, %parallel_loop3A_462 : i32
        %parallel_loop3A_464 = arith.constant 12 : i32
        %parallel_loop3A_465 = arith.index_cast %parallel_loop3A_464 : i32 to index
        %parallel_loop3A_466 = arith.index_cast %parallel_loop3A_463 : i32 to index
        %parallel_loop3A_467 = tpu.vector_load %arg10[%parallel_loop3A_465, %parallel_loop3A_466] {strides = array<i32>} : memref<32x1280xf32, #tpu.memory_space<vmem>>, vector<16xf32>,
        tpu.vector_store %arg10[%parallel_loop3A_465, %parallel_loop3A_466], %parallel_loop3A_461 {strides = array<i32>} : memref<32x1280xf32, #tpu.memory_space<vmem>>, vector<16xf32>,
        %parallel_loop3A_468 = arith.constant 13 : i32
        %parallel_loop3A_469 = vector.broadcast %parallel_loop3A_468 : i32 to vector<16xi32>
        %parallel_loop3A_470 = arith.addi %parallel_loop3A_337, %parallel_loop3A_469 : vector<16xi32>
        %parallel_loop3A_471 = tpu.vector_load_idx %arg7[%parallel_loop3A_470] : memref<374xf32, #tpu.memory_space<vmem>>[vector<16xi32>], vector<16xf32>,
        %parallel_loop3A_472 = arith.constant 16 : i32
        %parallel_loop3A_473 = arith.muli %parallel_loop3A_330, %parallel_loop3A_472 : i32
        %parallel_loop3A_474 = arith.constant 13 : i32
        %parallel_loop3A_475 = arith.index_cast %parallel_loop3A_474 : i32 to index
        %parallel_loop3A_476 = arith.index_cast %parallel_loop3A_473 : i32 to index
        %parallel_loop3A_477 = tpu.vector_load %arg10[%parallel_loop3A_475, %parallel_loop3A_476] {strides = array<i32>} : memref<32x1280xf32, #tpu.memory_space<vmem>>, vector<16xf32>,
        tpu.vector_store %arg10[%parallel_loop3A_475, %parallel_loop3A_476], %parallel_loop3A_471 {strides = array<i32>} : memref<32x1280xf32, #tpu.memory_space<vmem>>, vector<16xf32>,
        %parallel_loop3A_478 = arith.constant 14 : i32
        %parallel_loop3A_479 = vector.broadcast %parallel_loop3A_478 : i32 to vector<16xi32>
        %parallel_loop3A_480 = arith.addi %parallel_loop3A_337, %parallel_loop3A_479 : vector<16xi32>
        %parallel_loop3A_481 = tpu.vector_load_idx %arg7[%parallel_loop3A_480] : memref<374xf32, #tpu.memory_space<vmem>>[vector<16xi32>], vector<16xf32>,
        %parallel_loop3A_482 = arith.constant 16 : i32
        %parallel_loop3A_483 = arith.muli %parallel_loop3A_330, %parallel_loop3A_482 : i32
        %parallel_loop3A_484 = arith.constant 14 : i32
        %parallel_loop3A_485 = arith.index_cast %parallel_loop3A_484 : i32 to index
        %parallel_loop3A_486 = arith.index_cast %parallel_loop3A_483 : i32 to index
        %parallel_loop3A_487 = tpu.vector_load %arg10[%parallel_loop3A_485, %parallel_loop3A_486] {strides = array<i32>} : memref<32x1280xf32, #tpu.memory_space<vmem>>, vector<16xf32>,
        tpu.vector_store %arg10[%parallel_loop3A_485, %parallel_loop3A_486], %parallel_loop3A_481 {strides = array<i32>} : memref<32x1280xf32, #tpu.memory_space<vmem>>, vector<16xf32>,
        %parallel_loop3A_488 = arith.constant 15 : i32
        %parallel_loop3A_489 = vector.broadcast %parallel_loop3A_488 : i32 to vector<16xi32>
        %parallel_loop3A_490 = arith.addi %parallel_loop3A_337, %parallel_loop3A_489 : vector<16xi32>
        %parallel_loop3A_491 = tpu.vector_load_idx %arg7[%parallel_loop3A_490] : memref<374xf32, #tpu.memory_space<vmem>>[vector<16xi32>], vector<16xf32>,
        %parallel_loop3A_492 = arith.constant 16 : i32
        %parallel_loop3A_493 = arith.muli %parallel_loop3A_330, %parallel_loop3A_492 : i32
        %parallel_loop3A_494 = arith.constant 15 : i32
        %parallel_loop3A_495 = arith.index_cast %parallel_loop3A_494 : i32 to index
        %parallel_loop3A_496 = arith.index_cast %parallel_loop3A_493 : i32 to index
        %parallel_loop3A_497 = tpu.vector_load %arg10[%parallel_loop3A_495, %parallel_loop3A_496] {strides = array<i32>} : memref<32x1280xf32, #tpu.memory_space<vmem>>, vector<16xf32>,
        tpu.vector_store %arg10[%parallel_loop3A_495, %parallel_loop3A_496], %parallel_loop3A_491 {strides = array<i32>} : memref<32x1280xf32, #tpu.memory_space<vmem>>, vector<16xf32>,
      } {sc.loop_unroll_factor = 2 : i64, sc.parallel_access}
      %dma_wait3A_251 = arith.constant 16 : i32
      %dma_wait3A_252 = arith.constant 0 : i32
      %dma_wait3A_253 = tpu.memref_slice %arg10[%dma_wait3A_251, %dma_wait3A_252] : memref<32x1280xf32, #tpu.memory_space<vmem>> -> memref<16x1280xf32, #tpu.memory_space<vmem>>
      %dma_wait3A_254 = arith.constant 0 : i32
      %dma_wait3A_255 = arith.constant 0 : i32
      %dma_wait3A_256 = tpu.memref_slice %arg2[%dma_wait3A_254, %dma_wait3A_255] : memref<16x320000xf32, #tpu.memory_space<hbm>> -> memref<16x1280xf32, #tpu.memory_space<hbm>>
      %dma_wait3A_257 = arith.constant 16 : i32
      %dma_wait3A_258 = arith.constant 0 : i32
      %dma_wait3A_259 = tpu.memref_slice %arg10[%dma_wait3A_257, %dma_wait3A_258] : memref<32x1280xf32, #tpu.memory_space<vmem>> -> memref<16x1280xf32, #tpu.memory_space<vmem>>
      %dma_wait3A_260 = arith.constant 0 : i32
      %dma_wait3A_261 = arith.constant 0 : i32
      %dma_wait3A_262 = tpu.memref_slice %arg2[%dma_wait3A_260, %dma_wait3A_261] : memref<16x320000xf32, #tpu.memory_space<hbm>> -> memref<16x1280xf32, #tpu.memory_space<hbm>>
      tpu.wait_dma2 semaphore(%arg14 : memref<!tpu.dma_semaphore, #tpu.memory_space<semaphore_mem>>) src(%dma_wait3A_262 : memref<16x1280xf32, #tpu.memory_space<hbm>>) dst(%dma_wait3A_259 : memref<16x1280xf32, #tpu.memory_space<vmem>>)
      %mul3A_263 = arith.constant 32 : i32
      %mul3A_264 = arith.muli %mul3A_219, %mul3A_263 : i32
      %add3A_265 = arith.addi %add3A, %mul3A_264 : i32
      %mul3A_266 = arith.constant 1280 : i32
      %mul3A_267 = arith.muli %add3A_265, %mul3A_266 : i32
      %multiple_of3A_268 = tpu.assume_multiple %mul3A_267, 128 : i32
      %dma_start3A_269 = arith.constant 0 : i32
      %dma_start3A_270 = tpu.memref_slice %arg5[%dma_start3A_269, %multiple_of3A_268] : memref<32x320000xf32, #tpu.memory_space<hbm>> -> memref<32x1280xf32, #tpu.memory_space<hbm>>
      %dma_start3A_271 = arith.constant 0 : i32
      %dma_start3A_272 = tpu.memref_slice %arg5[%dma_start3A_271, %multiple_of3A_268] : memref<32x320000xf32, #tpu.memory_space<hbm>> -> memref<32x1280xf32, #tpu.memory_space<hbm>>
      tpu.enqueue_dma source(%arg10 : memref<32x1280xf32, #tpu.memory_space<vmem>>) target(%dma_start3A_272 : memref<32x1280xf32, #tpu.memory_space<hbm>>) target_semaphore(%arg16 : memref<!tpu.dma_semaphore, #tpu.memory_space<semaphore_mem>>)
      %dma_wait3A_273 = arith.constant 0 : i32
      %dma_wait3A_274 = arith.constant 0 : i32
      %dma_wait3A_275 = tpu.memref_slice %arg5[%dma_wait3A_273, %dma_wait3A_274] : memref<32x320000xf32, #tpu.memory_space<hbm>> -> memref<32x1280xf32, #tpu.memory_space<hbm>>
      %dma_wait3A_276 = arith.constant 0 : i32
      %dma_wait3A_277 = arith.constant 0 : i32
      %dma_wait3A_278 = tpu.memref_slice %arg5[%dma_wait3A_276, %dma_wait3A_277] : memref<32x320000xf32, #tpu.memory_space<hbm>> -> memref<32x1280xf32, #tpu.memory_space<hbm>>
      tpu.wait_dma2 semaphore(%arg16 : memref<!tpu.dma_semaphore, #tpu.memory_space<semaphore_mem>>) src(%arg10 : memref<32x1280xf32, #tpu.memory_space<vmem>>) dst(%dma_wait3A_278 : memref<32x1280xf32, #tpu.memory_space<hbm>>)
      %add3A_279 = arith.constant 2 : i32
      %add3A_280 = arith.addi %mul3A_219, %add3A_279 : i32
      %mul3A_281 = arith.constant 32 : i32
      %mul3A_282 = arith.muli %add3A_280, %mul3A_281 : i32
      %add3A_283 = arith.addi %add3A, %mul3A_282 : i32
      %mul3A_284 = arith.constant 1280 : i32
      %mul3A_285 = arith.muli %add3A_283, %mul3A_284 : i32
      %multiple_of3A_286 = tpu.assume_multiple %mul3A_285, 128 : i32
      %dma_start3A_287 = tpu.memref_slice %arg3[%multiple_of3A_286] : memref<320000xi32, #tpu.memory_space<hbm>> -> memref<1280xi32, #tpu.memory_space<hbm>>
      %dma_start3A_288 = tpu.memref_slice %arg3[%multiple_of3A_286] : memref<320000xi32, #tpu.memory_space<hbm>> -> memref<1280xi32, #tpu.memory_space<hbm>>
      tpu.enqueue_dma source(%dma_start3A_288 : memref<1280xi32, #tpu.memory_space<hbm>>) target(%arg8 : memref<1280xi32, #tpu.memory_space<vmem>>) target_semaphore(%arg12 : memref<!tpu.dma_semaphore, #tpu.memory_space<semaphore_mem>>)
      %dma_start3A_289 = arith.constant 16 : i32
      %dma_start3A_290 = arith.constant 0 : i32
      %dma_start3A_291 = tpu.memref_slice %arg10[%dma_start3A_289, %dma_start3A_290] : memref<32x1280xf32, #tpu.memory_space<vmem>> -> memref<16x1280xf32, #tpu.memory_space<vmem>>
      %dma_start3A_292 = arith.constant 0 : i32
      %dma_start3A_293 = tpu.memref_slice %arg2[%dma_start3A_292, %multiple_of3A_286] : memref<16x320000xf32, #tpu.memory_space<hbm>> -> memref<16x1280xf32, #tpu.memory_space<hbm>>
      %dma_start3A_294 = arith.constant 16 : i32
      %dma_start3A_295 = arith.constant 0 : i32
      %dma_start3A_296 = tpu.memref_slice %arg10[%dma_start3A_294, %dma_start3A_295] : memref<32x1280xf32, #tpu.memory_space<vmem>> -> memref<16x1280xf32, #tpu.memory_space<vmem>>
      %dma_start3A_297 = arith.constant 0 : i32
      %dma_start3A_298 = tpu.memref_slice %arg2[%dma_start3A_297, %multiple_of3A_286] : memref<16x320000xf32, #tpu.memory_space<hbm>> -> memref<16x1280xf32, #tpu.memory_space<hbm>>
      tpu.enqueue_dma source(%dma_start3A_298 : memref<16x1280xf32, #tpu.memory_space<hbm>>) target(%dma_start3A_296 : memref<16x1280xf32, #tpu.memory_space<vmem>>) target_semaphore(%arg14 : memref<!tpu.dma_semaphore, #tpu.memory_space<semaphore_mem>>)
      %dma_wait3A_299 = arith.constant 0 : i32
      %dma_wait3A_300 = tpu.memref_slice %arg3[%dma_wait3A_299] : memref<320000xi32, #tpu.memory_space<hbm>> -> memref<1280xi32, #tpu.memory_space<hbm>>
      %dma_wait3A_301 = arith.constant 0 : i32
      %dma_wait3A_302 = tpu.memref_slice %arg3[%dma_wait3A_301] : memref<320000xi32, #tpu.memory_space<hbm>> -> memref<1280xi32, #tpu.memory_space<hbm>>
      tpu.wait_dma2 semaphore(%arg13 : memref<!tpu.dma_semaphore, #tpu.memory_space<semaphore_mem>>) src(%dma_wait3A_302 : memref<1280xi32, #tpu.memory_space<hbm>>) dst(%arg9 : memref<1280xi32, #tpu.memory_space<vmem>>)
      %parallel_loop3A_303 = arith.constant 0 : i32
      %parallel_loop3A_304 = arith.constant 80 : i32
      %parallel_loop3A_305 = arith.constant 1 : i32
      scf.for %parallel_loop3A_330 = %parallel_loop3A_303 to %parallel_loop3A_304 step %parallel_loop3A_305  : i32 {
        %parallel_loop3A_331 = arith.constant 16 : i32
        %parallel_loop3A_332 = arith.muli %parallel_loop3A_330, %parallel_loop3A_331 : i32
        %parallel_loop3A_333 = arith.index_cast %parallel_loop3A_332 : i32 to index
        %parallel_loop3A_334 = tpu.vector_load %arg9[%parallel_loop3A_333] {strides = array<i32>} : memref<1280xi32, #tpu.memory_space<vmem>>, vector<16xi32>,
        %parallel_loop3A_335 = arith.constant 17 : i32
        %parallel_loop3A_336 = vector.broadcast %parallel_loop3A_335 : i32 to vector<16xi32>
        %parallel_loop3A_337 = arith.muli %parallel_loop3A_334, %parallel_loop3A_336 : vector<16xi32>
        %parallel_loop3A_338 = arith.constant 0 : i32
        %parallel_loop3A_339 = vector.broadcast %parallel_loop3A_338 : i32 to vector<16xi32>
        %parallel_loop3A_340 = arith.addi %parallel_loop3A_337, %parallel_loop3A_339 : vector<16xi32>
        %parallel_loop3A_341 = tpu.vector_load_idx %arg7[%parallel_loop3A_340] : memref<374xf32, #tpu.memory_space<vmem>>[vector<16xi32>], vector<16xf32>,
        %parallel_loop3A_342 = arith.constant 16 : i32
        %parallel_loop3A_343 = arith.muli %parallel_loop3A_330, %parallel_loop3A_342 : i32
        %parallel_loop3A_344 = arith.constant 0 : i32
        %parallel_loop3A_345 = arith.index_cast %parallel_loop3A_344 : i32 to index
        %parallel_loop3A_346 = arith.index_cast %parallel_loop3A_343 : i32 to index
        %parallel_loop3A_347 = tpu.vector_load %arg11[%parallel_loop3A_345, %parallel_loop3A_346] {strides = array<i32>} : memref<32x1280xf32, #tpu.memory_space<vmem>>, vector<16xf32>,
        tpu.vector_store %arg11[%parallel_loop3A_345, %parallel_loop3A_346], %parallel_loop3A_341 {strides = array<i32>} : memref<32x1280xf32, #tpu.memory_space<vmem>>, vector<16xf32>,
        %parallel_loop3A_348 = arith.constant 1 : i32
        %parallel_loop3A_349 = vector.broadcast %parallel_loop3A_348 : i32 to vector<16xi32>
        %parallel_loop3A_350 = arith.addi %parallel_loop3A_337, %parallel_loop3A_349 : vector<16xi32>
        %parallel_loop3A_351 = tpu.vector_load_idx %arg7[%parallel_loop3A_350] : memref<374xf32, #tpu.memory_space<vmem>>[vector<16xi32>], vector<16xf32>,
        %parallel_loop3A_352 = arith.constant 16 : i32
        %parallel_loop3A_353 = arith.muli %parallel_loop3A_330, %parallel_loop3A_352 : i32
        %parallel_loop3A_354 = arith.constant 1 : i32
        %parallel_loop3A_355 = arith.index_cast %parallel_loop3A_354 : i32 to index
        %parallel_loop3A_356 = arith.index_cast %parallel_loop3A_353 : i32 to index
        %parallel_loop3A_357 = tpu.vector_load %arg11[%parallel_loop3A_355, %parallel_loop3A_356] {strides = array<i32>} : memref<32x1280xf32, #tpu.memory_space<vmem>>, vector<16xf32>,
        tpu.vector_store %arg11[%parallel_loop3A_355, %parallel_loop3A_356], %parallel_loop3A_351 {strides = array<i32>} : memref<32x1280xf32, #tpu.memory_space<vmem>>, vector<16xf32>,
        %parallel_loop3A_358 = arith.constant 2 : i32
        %parallel_loop3A_359 = vector.broadcast %parallel_loop3A_358 : i32 to vector<16xi32>
        %parallel_loop3A_360 = arith.addi %parallel_loop3A_337, %parallel_loop3A_359 : vector<16xi32>
        %parallel_loop3A_361 = tpu.vector_load_idx %arg7[%parallel_loop3A_360] : memref<374xf32, #tpu.memory_space<vmem>>[vector<16xi32>], vector<16xf32>,
        %parallel_loop3A_362 = arith.constant 16 : i32
        %parallel_loop3A_363 = arith.muli %parallel_loop3A_330, %parallel_loop3A_362 : i32
        %parallel_loop3A_364 = arith.constant 2 : i32
        %parallel_loop3A_365 = arith.index_cast %parallel_loop3A_364 : i32 to index
        %parallel_loop3A_366 = arith.index_cast %parallel_loop3A_363 : i32 to index
        %parallel_loop3A_367 = tpu.vector_load %arg11[%parallel_loop3A_365, %parallel_loop3A_366] {strides = array<i32>} : memref<32x1280xf32, #tpu.memory_space<vmem>>, vector<16xf32>,
        tpu.vector_store %arg11[%parallel_loop3A_365, %parallel_loop3A_366], %parallel_loop3A_361 {strides = array<i32>} : memref<32x1280xf32, #tpu.memory_space<vmem>>, vector<16xf32>,
        %parallel_loop3A_368 = arith.constant 3 : i32
        %parallel_loop3A_369 = vector.broadcast %parallel_loop3A_368 : i32 to vector<16xi32>
        %parallel_loop3A_370 = arith.addi %parallel_loop3A_337, %parallel_loop3A_369 : vector<16xi32>
        %parallel_loop3A_371 = tpu.vector_load_idx %arg7[%parallel_loop3A_370] : memref<374xf32, #tpu.memory_space<vmem>>[vector<16xi32>], vector<16xf32>,
        %parallel_loop3A_372 = arith.constant 16 : i32
        %parallel_loop3A_373 = arith.muli %parallel_loop3A_330, %parallel_loop3A_372 : i32
        %parallel_loop3A_374 = arith.constant 3 : i32
        %parallel_loop3A_375 = arith.index_cast %parallel_loop3A_374 : i32 to index
        %parallel_loop3A_376 = arith.index_cast %parallel_loop3A_373 : i32 to index
        %parallel_loop3A_377 = tpu.vector_load %arg11[%parallel_loop3A_375, %parallel_loop3A_376] {strides = array<i32>} : memref<32x1280xf32, #tpu.memory_space<vmem>>, vector<16xf32>,
        tpu.vector_store %arg11[%parallel_loop3A_375, %parallel_loop3A_376], %parallel_loop3A_371 {strides = array<i32>} : memref<32x1280xf32, #tpu.memory_space<vmem>>, vector<16xf32>,
        %parallel_loop3A_378 = arith.constant 4 : i32
        %parallel_loop3A_379 = vector.broadcast %parallel_loop3A_378 : i32 to vector<16xi32>
        %parallel_loop3A_380 = arith.addi %parallel_loop3A_337, %parallel_loop3A_379 : vector<16xi32>
        %parallel_loop3A_381 = tpu.vector_load_idx %arg7[%parallel_loop3A_380] : memref<374xf32, #tpu.memory_space<vmem>>[vector<16xi32>], vector<16xf32>,
        %parallel_loop3A_382 = arith.constant 16 : i32
        %parallel_loop3A_383 = arith.muli %parallel_loop3A_330, %parallel_loop3A_382 : i32
        %parallel_loop3A_384 = arith.constant 4 : i32
        %parallel_loop3A_385 = arith.index_cast %parallel_loop3A_384 : i32 to index
        %parallel_loop3A_386 = arith.index_cast %parallel_loop3A_383 : i32 to index
        %parallel_loop3A_387 = tpu.vector_load %arg11[%parallel_loop3A_385, %parallel_loop3A_386] {strides = array<i32>} : memref<32x1280xf32, #tpu.memory_space<vmem>>, vector<16xf32>,
        tpu.vector_store %arg11[%parallel_loop3A_385, %parallel_loop3A_386], %parallel_loop3A_381 {strides = array<i32>} : memref<32x1280xf32, #tpu.memory_space<vmem>>, vector<16xf32>,
        %parallel_loop3A_388 = arith.constant 5 : i32
        %parallel_loop3A_389 = vector.broadcast %parallel_loop3A_388 : i32 to vector<16xi32>
        %parallel_loop3A_390 = arith.addi %parallel_loop3A_337, %parallel_loop3A_389 : vector<16xi32>
        %parallel_loop3A_391 = tpu.vector_load_idx %arg7[%parallel_loop3A_390] : memref<374xf32, #tpu.memory_space<vmem>>[vector<16xi32>], vector<16xf32>,
        %parallel_loop3A_392 = arith.constant 16 : i32
        %parallel_loop3A_393 = arith.muli %parallel_loop3A_330, %parallel_loop3A_392 : i32
        %parallel_loop3A_394 = arith.constant 5 : i32
        %parallel_loop3A_395 = arith.index_cast %parallel_loop3A_394 : i32 to index
        %parallel_loop3A_396 = arith.index_cast %parallel_loop3A_393 : i32 to index
        %parallel_loop3A_397 = tpu.vector_load %arg11[%parallel_loop3A_395, %parallel_loop3A_396] {strides = array<i32>} : memref<32x1280xf32, #tpu.memory_space<vmem>>, vector<16xf32>,
        tpu.vector_store %arg11[%parallel_loop3A_395, %parallel_loop3A_396], %parallel_loop3A_391 {strides = array<i32>} : memref<32x1280xf32, #tpu.memory_space<vmem>>, vector<16xf32>,
        %parallel_loop3A_398 = arith.constant 6 : i32
        %parallel_loop3A_399 = vector.broadcast %parallel_loop3A_398 : i32 to vector<16xi32>
        %parallel_loop3A_400 = arith.addi %parallel_loop3A_337, %parallel_loop3A_399 : vector<16xi32>
        %parallel_loop3A_401 = tpu.vector_load_idx %arg7[%parallel_loop3A_400] : memref<374xf32, #tpu.memory_space<vmem>>[vector<16xi32>], vector<16xf32>,
        %parallel_loop3A_402 = arith.constant 16 : i32
        %parallel_loop3A_403 = arith.muli %parallel_loop3A_330, %parallel_loop3A_402 : i32
        %parallel_loop3A_404 = arith.constant 6 : i32
        %parallel_loop3A_405 = arith.index_cast %parallel_loop3A_404 : i32 to index
        %parallel_loop3A_406 = arith.index_cast %parallel_loop3A_403 : i32 to index
        %parallel_loop3A_407 = tpu.vector_load %arg11[%parallel_loop3A_405, %parallel_loop3A_406] {strides = array<i32>} : memref<32x1280xf32, #tpu.memory_space<vmem>>, vector<16xf32>,
        tpu.vector_store %arg11[%parallel_loop3A_405, %parallel_loop3A_406], %parallel_loop3A_401 {strides = array<i32>} : memref<32x1280xf32, #tpu.memory_space<vmem>>, vector<16xf32>,
        %parallel_loop3A_408 = arith.constant 7 : i32
        %parallel_loop3A_409 = vector.broadcast %parallel_loop3A_408 : i32 to vector<16xi32>
        %parallel_loop3A_410 = arith.addi %parallel_loop3A_337, %parallel_loop3A_409 : vector<16xi32>
        %parallel_loop3A_411 = tpu.vector_load_idx %arg7[%parallel_loop3A_410] : memref<374xf32, #tpu.memory_space<vmem>>[vector<16xi32>], vector<16xf32>,
        %parallel_loop3A_412 = arith.constant 16 : i32
        %parallel_loop3A_413 = arith.muli %parallel_loop3A_330, %parallel_loop3A_412 : i32
        %parallel_loop3A_414 = arith.constant 7 : i32
        %parallel_loop3A_415 = arith.index_cast %parallel_loop3A_414 : i32 to index
        %parallel_loop3A_416 = arith.index_cast %parallel_loop3A_413 : i32 to index
        %parallel_loop3A_417 = tpu.vector_load %arg11[%parallel_loop3A_415, %parallel_loop3A_416] {strides = array<i32>} : memref<32x1280xf32, #tpu.memory_space<vmem>>, vector<16xf32>,
        tpu.vector_store %arg11[%parallel_loop3A_415, %parallel_loop3A_416], %parallel_loop3A_411 {strides = array<i32>} : memref<32x1280xf32, #tpu.memory_space<vmem>>, vector<16xf32>,
        %parallel_loop3A_418 = arith.constant 8 : i32
        %parallel_loop3A_419 = vector.broadcast %parallel_loop3A_418 : i32 to vector<16xi32>
        %parallel_loop3A_420 = arith.addi %parallel_loop3A_337, %parallel_loop3A_419 : vector<16xi32>
        %parallel_loop3A_421 = tpu.vector_load_idx %arg7[%parallel_loop3A_420] : memref<374xf32, #tpu.memory_space<vmem>>[vector<16xi32>], vector<16xf32>,
        %parallel_loop3A_422 = arith.constant 16 : i32
        %parallel_loop3A_423 = arith.muli %parallel_loop3A_330, %parallel_loop3A_422 : i32
        %parallel_loop3A_424 = arith.constant 8 : i32
        %parallel_loop3A_425 = arith.index_cast %parallel_loop3A_424 : i32 to index
        %parallel_loop3A_426 = arith.index_cast %parallel_loop3A_423 : i32 to index
        %parallel_loop3A_427 = tpu.vector_load %arg11[%parallel_loop3A_425, %parallel_loop3A_426] {strides = array<i32>} : memref<32x1280xf32, #tpu.memory_space<vmem>>, vector<16xf32>,
        tpu.vector_store %arg11[%parallel_loop3A_425, %parallel_loop3A_426], %parallel_loop3A_421 {strides = array<i32>} : memref<32x1280xf32, #tpu.memory_space<vmem>>, vector<16xf32>,
        %parallel_loop3A_428 = arith.constant 9 : i32
        %parallel_loop3A_429 = vector.broadcast %parallel_loop3A_428 : i32 to vector<16xi32>
        %parallel_loop3A_430 = arith.addi %parallel_loop3A_337, %parallel_loop3A_429 : vector<16xi32>
        %parallel_loop3A_431 = tpu.vector_load_idx %arg7[%parallel_loop3A_430] : memref<374xf32, #tpu.memory_space<vmem>>[vector<16xi32>], vector<16xf32>,
        %parallel_loop3A_432 = arith.constant 16 : i32
        %parallel_loop3A_433 = arith.muli %parallel_loop3A_330, %parallel_loop3A_432 : i32
        %parallel_loop3A_434 = arith.constant 9 : i32
        %parallel_loop3A_435 = arith.index_cast %parallel_loop3A_434 : i32 to index
        %parallel_loop3A_436 = arith.index_cast %parallel_loop3A_433 : i32 to index
        %parallel_loop3A_437 = tpu.vector_load %arg11[%parallel_loop3A_435, %parallel_loop3A_436] {strides = array<i32>} : memref<32x1280xf32, #tpu.memory_space<vmem>>, vector<16xf32>,
        tpu.vector_store %arg11[%parallel_loop3A_435, %parallel_loop3A_436], %parallel_loop3A_431 {strides = array<i32>} : memref<32x1280xf32, #tpu.memory_space<vmem>>, vector<16xf32>,
        %parallel_loop3A_438 = arith.constant 10 : i32
        %parallel_loop3A_439 = vector.broadcast %parallel_loop3A_438 : i32 to vector<16xi32>
        %parallel_loop3A_440 = arith.addi %parallel_loop3A_337, %parallel_loop3A_439 : vector<16xi32>
        %parallel_loop3A_441 = tpu.vector_load_idx %arg7[%parallel_loop3A_440] : memref<374xf32, #tpu.memory_space<vmem>>[vector<16xi32>], vector<16xf32>,
        %parallel_loop3A_442 = arith.constant 16 : i32
        %parallel_loop3A_443 = arith.muli %parallel_loop3A_330, %parallel_loop3A_442 : i32
        %parallel_loop3A_444 = arith.constant 10 : i32
        %parallel_loop3A_445 = arith.index_cast %parallel_loop3A_444 : i32 to index
        %parallel_loop3A_446 = arith.index_cast %parallel_loop3A_443 : i32 to index
        %parallel_loop3A_447 = tpu.vector_load %arg11[%parallel_loop3A_445, %parallel_loop3A_446] {strides = array<i32>} : memref<32x1280xf32, #tpu.memory_space<vmem>>, vector<16xf32>,
        tpu.vector_store %arg11[%parallel_loop3A_445, %parallel_loop3A_446], %parallel_loop3A_441 {strides = array<i32>} : memref<32x1280xf32, #tpu.memory_space<vmem>>, vector<16xf32>,
        %parallel_loop3A_448 = arith.constant 11 : i32
        %parallel_loop3A_449 = vector.broadcast %parallel_loop3A_448 : i32 to vector<16xi32>
        %parallel_loop3A_450 = arith.addi %parallel_loop3A_337, %parallel_loop3A_449 : vector<16xi32>
        %parallel_loop3A_451 = tpu.vector_load_idx %arg7[%parallel_loop3A_450] : memref<374xf32, #tpu.memory_space<vmem>>[vector<16xi32>], vector<16xf32>,
        %parallel_loop3A_452 = arith.constant 16 : i32
        %parallel_loop3A_453 = arith.muli %parallel_loop3A_330, %parallel_loop3A_452 : i32
        %parallel_loop3A_454 = arith.constant 11 : i32
        %parallel_loop3A_455 = arith.index_cast %parallel_loop3A_454 : i32 to index
        %parallel_loop3A_456 = arith.index_cast %parallel_loop3A_453 : i32 to index
        %parallel_loop3A_457 = tpu.vector_load %arg11[%parallel_loop3A_455, %parallel_loop3A_456] {strides = array<i32>} : memref<32x1280xf32, #tpu.memory_space<vmem>>, vector<16xf32>,
        tpu.vector_store %arg11[%parallel_loop3A_455, %parallel_loop3A_456], %parallel_loop3A_451 {strides = array<i32>} : memref<32x1280xf32, #tpu.memory_space<vmem>>, vector<16xf32>,
        %parallel_loop3A_458 = arith.constant 12 : i32
        %parallel_loop3A_459 = vector.broadcast %parallel_loop3A_458 : i32 to vector<16xi32>
        %parallel_loop3A_460 = arith.addi %parallel_loop3A_337, %parallel_loop3A_459 : vector<16xi32>
        %parallel_loop3A_461 = tpu.vector_load_idx %arg7[%parallel_loop3A_460] : memref<374xf32, #tpu.memory_space<vmem>>[vector<16xi32>], vector<16xf32>,
        %parallel_loop3A_462 = arith.constant 16 : i32
        %parallel_loop3A_463 = arith.muli %parallel_loop3A_330, %parallel_loop3A_462 : i32
        %parallel_loop3A_464 = arith.constant 12 : i32
        %parallel_loop3A_465 = arith.index_cast %parallel_loop3A_464 : i32 to index
        %parallel_loop3A_466 = arith.index_cast %parallel_loop3A_463 : i32 to index
        %parallel_loop3A_467 = tpu.vector_load %arg11[%parallel_loop3A_465, %parallel_loop3A_466] {strides = array<i32>} : memref<32x1280xf32, #tpu.memory_space<vmem>>, vector<16xf32>,
        tpu.vector_store %arg11[%parallel_loop3A_465, %parallel_loop3A_466], %parallel_loop3A_461 {strides = array<i32>} : memref<32x1280xf32, #tpu.memory_space<vmem>>, vector<16xf32>,
        %parallel_loop3A_468 = arith.constant 13 : i32
        %parallel_loop3A_469 = vector.broadcast %parallel_loop3A_468 : i32 to vector<16xi32>
        %parallel_loop3A_470 = arith.addi %parallel_loop3A_337, %parallel_loop3A_469 : vector<16xi32>
        %parallel_loop3A_471 = tpu.vector_load_idx %arg7[%parallel_loop3A_470] : memref<374xf32, #tpu.memory_space<vmem>>[vector<16xi32>], vector<16xf32>,
        %parallel_loop3A_472 = arith.constant 16 : i32
        %parallel_loop3A_473 = arith.muli %parallel_loop3A_330, %parallel_loop3A_472 : i32
        %parallel_loop3A_474 = arith.constant 13 : i32
        %parallel_loop3A_475 = arith.index_cast %parallel_loop3A_474 : i32 to index
        %parallel_loop3A_476 = arith.index_cast %parallel_loop3A_473 : i32 to index
        %parallel_loop3A_477 = tpu.vector_load %arg11[%parallel_loop3A_475, %parallel_loop3A_476] {strides = array<i32>} : memref<32x1280xf32, #tpu.memory_space<vmem>>, vector<16xf32>,
        tpu.vector_store %arg11[%parallel_loop3A_475, %parallel_loop3A_476], %parallel_loop3A_471 {strides = array<i32>} : memref<32x1280xf32, #tpu.memory_space<vmem>>, vector<16xf32>,
        %parallel_loop3A_478 = arith.constant 14 : i32
        %parallel_loop3A_479 = vector.broadcast %parallel_loop3A_478 : i32 to vector<16xi32>
        %parallel_loop3A_480 = arith.addi %parallel_loop3A_337, %parallel_loop3A_479 : vector<16xi32>
        %parallel_loop3A_481 = tpu.vector_load_idx %arg7[%parallel_loop3A_480] : memref<374xf32, #tpu.memory_space<vmem>>[vector<16xi32>], vector<16xf32>,
        %parallel_loop3A_482 = arith.constant 16 : i32
        %parallel_loop3A_483 = arith.muli %parallel_loop3A_330, %parallel_loop3A_482 : i32
        %parallel_loop3A_484 = arith.constant 14 : i32
        %parallel_loop3A_485 = arith.index_cast %parallel_loop3A_484 : i32 to index
        %parallel_loop3A_486 = arith.index_cast %parallel_loop3A_483 : i32 to index
        %parallel_loop3A_487 = tpu.vector_load %arg11[%parallel_loop3A_485, %parallel_loop3A_486] {strides = array<i32>} : memref<32x1280xf32, #tpu.memory_space<vmem>>, vector<16xf32>,
        tpu.vector_store %arg11[%parallel_loop3A_485, %parallel_loop3A_486], %parallel_loop3A_481 {strides = array<i32>} : memref<32x1280xf32, #tpu.memory_space<vmem>>, vector<16xf32>,
        %parallel_loop3A_488 = arith.constant 15 : i32
        %parallel_loop3A_489 = vector.broadcast %parallel_loop3A_488 : i32 to vector<16xi32>
        %parallel_loop3A_490 = arith.addi %parallel_loop3A_337, %parallel_loop3A_489 : vector<16xi32>
        %parallel_loop3A_491 = tpu.vector_load_idx %arg7[%parallel_loop3A_490] : memref<374xf32, #tpu.memory_space<vmem>>[vector<16xi32>], vector<16xf32>,
        %parallel_loop3A_492 = arith.constant 16 : i32
        %parallel_loop3A_493 = arith.muli %parallel_loop3A_330, %parallel_loop3A_492 : i32
        %parallel_loop3A_494 = arith.constant 15 : i32
        %parallel_loop3A_495 = arith.index_cast %parallel_loop3A_494 : i32 to index
        %parallel_loop3A_496 = arith.index_cast %parallel_loop3A_493 : i32 to index
        %parallel_loop3A_497 = tpu.vector_load %arg11[%parallel_loop3A_495, %parallel_loop3A_496] {strides = array<i32>} : memref<32x1280xf32, #tpu.memory_space<vmem>>, vector<16xf32>,
        tpu.vector_store %arg11[%parallel_loop3A_495, %parallel_loop3A_496], %parallel_loop3A_491 {strides = array<i32>} : memref<32x1280xf32, #tpu.memory_space<vmem>>, vector<16xf32>,
      } {sc.loop_unroll_factor = 2 : i64, sc.parallel_access}
      %dma_wait3A_306 = arith.constant 16 : i32
      %dma_wait3A_307 = arith.constant 0 : i32
      %dma_wait3A_308 = tpu.memref_slice %arg11[%dma_wait3A_306, %dma_wait3A_307] : memref<32x1280xf32, #tpu.memory_space<vmem>> -> memref<16x1280xf32, #tpu.memory_space<vmem>>
      %dma_wait3A_309 = arith.constant 0 : i32
      %dma_wait3A_310 = arith.constant 0 : i32
      %dma_wait3A_311 = tpu.memref_slice %arg2[%dma_wait3A_309, %dma_wait3A_310] : memref<16x320000xf32, #tpu.memory_space<hbm>> -> memref<16x1280xf32, #tpu.memory_space<hbm>>
      %dma_wait3A_312 = arith.constant 16 : i32
      %dma_wait3A_313 = arith.constant 0 : i32
      %dma_wait3A_314 = tpu.memref_slice %arg11[%dma_wait3A_312, %dma_wait3A_313] : memref<32x1280xf32, #tpu.memory_space<vmem>> -> memref<16x1280xf32, #tpu.memory_space<vmem>>
      %dma_wait3A_315 = arith.constant 0 : i32
      %dma_wait3A_316 = arith.constant 0 : i32
      %dma_wait3A_317 = tpu.memref_slice %arg2[%dma_wait3A_315, %dma_wait3A_316] : memref<16x320000xf32, #tpu.memory_space<hbm>> -> memref<16x1280xf32, #tpu.memory_space<hbm>>
      tpu.wait_dma2 semaphore(%arg15 : memref<!tpu.dma_semaphore, #tpu.memory_space<semaphore_mem>>) src(%dma_wait3A_317 : memref<16x1280xf32, #tpu.memory_space<hbm>>) dst(%dma_wait3A_314 : memref<16x1280xf32, #tpu.memory_space<vmem>>)
      %add3A_318 = arith.constant 1 : i32
      %add3A_319 = arith.addi %mul3A_219, %add3A_318 : i32
      %mul3A_320 = arith.constant 32 : i32
      %mul3A_321 = arith.muli %add3A_319, %mul3A_320 : i32
      %add3A_322 = arith.addi %add3A, %mul3A_321 : i32
      %mul3A_323 = arith.constant 1280 : i32
      %mul3A_324 = arith.muli %add3A_322, %mul3A_323 : i32
      %multiple_of3A_325 = tpu.assume_multiple %mul3A_324, 128 : i32
      %dma_start3A_326 = arith.constant 0 : i32
      %dma_start3A_327 = tpu.memref_slice %arg5[%dma_start3A_326, %multiple_of3A_325] : memref<32x320000xf32, #tpu.memory_space<hbm>> -> memref<32x1280xf32, #tpu.memory_space<hbm>>
      %dma_start3A_328 = arith.constant 0 : i32
      %dma_start3A_329 = tpu.memref_slice %arg5[%dma_start3A_328, %multiple_of3A_325] : memref<32x320000xf32, #tpu.memory_space<hbm>> -> memref<32x1280xf32, #tpu.memory_space<hbm>>
      tpu.enqueue_dma source(%arg11 : memref<32x1280xf32, #tpu.memory_space<vmem>>) target(%dma_start3A_329 : memref<32x1280xf32, #tpu.memory_space<hbm>>) target_semaphore(%arg17 : memref<!tpu.dma_semaphore, #tpu.memory_space<semaphore_mem>>)
    }
    %scan3A_173 = arith.constant 3 : i32
    %dma_wait3A = arith.constant 0 : i32
    %dma_wait3A_174 = arith.constant 0 : i32
    %dma_wait3A_175 = tpu.memref_slice %arg5[%dma_wait3A, %dma_wait3A_174] : memref<32x320000xf32, #tpu.memory_space<hbm>> -> memref<32x1280xf32, #tpu.memory_space<hbm>>
    %dma_wait3A_176 = arith.constant 0 : i32
    %dma_wait3A_177 = arith.constant 0 : i32
    %dma_wait3A_178 = tpu.memref_slice %arg5[%dma_wait3A_176, %dma_wait3A_177] : memref<32x320000xf32, #tpu.memory_space<hbm>> -> memref<32x1280xf32, #tpu.memory_space<hbm>>
    tpu.wait_dma2 semaphore(%arg17 : memref<!tpu.dma_semaphore, #tpu.memory_space<semaphore_mem>>) src(%arg11 : memref<32x1280xf32, #tpu.memory_space<vmem>>) dst(%dma_wait3A_178 : memref<32x1280xf32, #tpu.memory_space<hbm>>)
    %lt3A = arith.constant 26 : i32
    %lt3A_179 = arith.cmpi slt, %add3A, %lt3A : i32
    %convert_element_type3A = arith.extui %lt3A_179 : i1 to i32
    %cond3A = arith.constant 0 : i32
    %cond3A_180 = arith.cmpi ne, %convert_element_type3A, %cond3A : i32
    scf.if %cond3A_180 {
      %add3A_217 = arith.constant 224 : i32
      %add3A_218 = arith.addi %add3A, %add3A_217 : i32
      %mul3A_219 = arith.constant 1280 : i32
      %mul3A_220 = arith.muli %add3A_218, %mul3A_219 : i32
      %multiple_of3A_221 = tpu.assume_multiple %mul3A_220, 128 : i32
      %dma_start3A_222 = tpu.memref_slice %arg3[%multiple_of3A_221] : memref<320000xi32, #tpu.memory_space<hbm>> -> memref<1280xi32, #tpu.memory_space<hbm>>
      %dma_start3A_223 = tpu.memref_slice %arg3[%multiple_of3A_221] : memref<320000xi32, #tpu.memory_space<hbm>> -> memref<1280xi32, #tpu.memory_space<hbm>>
      tpu.enqueue_dma source(%dma_start3A_223 : memref<1280xi32, #tpu.memory_space<hbm>>) target(%arg9 : memref<1280xi32, #tpu.memory_space<vmem>>) target_semaphore(%arg13 : memref<!tpu.dma_semaphore, #tpu.memory_space<semaphore_mem>>)
      %dma_start3A_224 = arith.constant 16 : i32
      %dma_start3A_225 = arith.constant 0 : i32
      %dma_start3A_226 = tpu.memref_slice %arg11[%dma_start3A_224, %dma_start3A_225] : memref<32x1280xf32, #tpu.memory_space<vmem>> -> memref<16x1280xf32, #tpu.memory_space<vmem>>
      %dma_start3A_227 = arith.constant 0 : i32
      %dma_start3A_228 = tpu.memref_slice %arg2[%dma_start3A_227, %multiple_of3A_221] : memref<16x320000xf32, #tpu.memory_space<hbm>> -> memref<16x1280xf32, #tpu.memory_space<hbm>>
      %dma_start3A_229 = arith.constant 16 : i32
      %dma_start3A_230 = arith.constant 0 : i32
      %dma_start3A_231 = tpu.memref_slice %arg11[%dma_start3A_229, %dma_start3A_230] : memref<32x1280xf32, #tpu.memory_space<vmem>> -> memref<16x1280xf32, #tpu.memory_space<vmem>>
      %dma_start3A_232 = arith.constant 0 : i32
      %dma_start3A_233 = tpu.memref_slice %arg2[%dma_start3A_232, %multiple_of3A_221] : memref<16x320000xf32, #tpu.memory_space<hbm>> -> memref<16x1280xf32, #tpu.memory_space<hbm>>
      tpu.enqueue_dma source(%dma_start3A_233 : memref<16x1280xf32, #tpu.memory_space<hbm>>) target(%dma_start3A_231 : memref<16x1280xf32, #tpu.memory_space<vmem>>) target_semaphore(%arg15 : memref<!tpu.dma_semaphore, #tpu.memory_space<semaphore_mem>>)
    } else {
    }
    %dma_wait3A_181 = arith.constant 0 : i32
    %dma_wait3A_182 = tpu.memref_slice %arg3[%dma_wait3A_181] : memref<320000xi32, #tpu.memory_space<hbm>> -> memref<1280xi32, #tpu.memory_space<hbm>>
    %dma_wait3A_183 = arith.constant 0 : i32
    %dma_wait3A_184 = tpu.memref_slice %arg3[%dma_wait3A_183] : memref<320000xi32, #tpu.memory_space<hbm>> -> memref<1280xi32, #tpu.memory_space<hbm>>
    tpu.wait_dma2 semaphore(%arg12 : memref<!tpu.dma_semaphore, #tpu.memory_space<semaphore_mem>>) src(%dma_wait3A_184 : memref<1280xi32, #tpu.memory_space<hbm>>) dst(%arg8 : memref<1280xi32, #tpu.memory_space<vmem>>)
    %parallel_loop3A = arith.constant 0 : i32
    %parallel_loop3A_185 = arith.constant 80 : i32
    %parallel_loop3A_186 = arith.constant 1 : i32
    scf.for %parallel_loop3A_217 = %parallel_loop3A to %parallel_loop3A_185 step %parallel_loop3A_186  : i32 {
      %parallel_loop3A_218 = arith.constant 16 : i32
      %parallel_loop3A_219 = arith.muli %parallel_loop3A_217, %parallel_loop3A_218 : i32
      %parallel_loop3A_220 = arith.index_cast %parallel_loop3A_219 : i32 to index
      %parallel_loop3A_221 = tpu.vector_load %arg8[%parallel_loop3A_220] {strides = array<i32>} : memref<1280xi32, #tpu.memory_space<vmem>>, vector<16xi32>,
      %parallel_loop3A_222 = arith.constant 17 : i32
      %parallel_loop3A_223 = vector.broadcast %parallel_loop3A_222 : i32 to vector<16xi32>
      %parallel_loop3A_224 = arith.muli %parallel_loop3A_221, %parallel_loop3A_223 : vector<16xi32>
      %parallel_loop3A_225 = arith.constant 0 : i32
      %parallel_loop3A_226 = vector.broadcast %parallel_loop3A_225 : i32 to vector<16xi32>
      %parallel_loop3A_227 = arith.addi %parallel_loop3A_224, %parallel_loop3A_226 : vector<16xi32>
      %parallel_loop3A_228 = tpu.vector_load_idx %arg7[%parallel_loop3A_227] : memref<374xf32, #tpu.memory_space<vmem>>[vector<16xi32>], vector<16xf32>,
      %parallel_loop3A_229 = arith.constant 16 : i32
      %parallel_loop3A_230 = arith.muli %parallel_loop3A_217, %parallel_loop3A_229 : i32
      %parallel_loop3A_231 = arith.constant 0 : i32
      %parallel_loop3A_232 = arith.index_cast %parallel_loop3A_231 : i32 to index
      %parallel_loop3A_233 = arith.index_cast %parallel_loop3A_230 : i32 to index
      %parallel_loop3A_234 = tpu.vector_load %arg10[%parallel_loop3A_232, %parallel_loop3A_233] {strides = array<i32>} : memref<32x1280xf32, #tpu.memory_space<vmem>>, vector<16xf32>,
      tpu.vector_store %arg10[%parallel_loop3A_232, %parallel_loop3A_233], %parallel_loop3A_228 {strides = array<i32>} : memref<32x1280xf32, #tpu.memory_space<vmem>>, vector<16xf32>,
      %parallel_loop3A_235 = arith.constant 1 : i32
      %parallel_loop3A_236 = vector.broadcast %parallel_loop3A_235 : i32 to vector<16xi32>
      %parallel_loop3A_237 = arith.addi %parallel_loop3A_224, %parallel_loop3A_236 : vector<16xi32>
      %parallel_loop3A_238 = tpu.vector_load_idx %arg7[%parallel_loop3A_237] : memref<374xf32, #tpu.memory_space<vmem>>[vector<16xi32>], vector<16xf32>,
      %parallel_loop3A_239 = arith.constant 16 : i32
      %parallel_loop3A_240 = arith.muli %parallel_loop3A_217, %parallel_loop3A_239 : i32
      %parallel_loop3A_241 = arith.constant 1 : i32
      %parallel_loop3A_242 = arith.index_cast %parallel_loop3A_241 : i32 to index
      %parallel_loop3A_243 = arith.index_cast %parallel_loop3A_240 : i32 to index
      %parallel_loop3A_244 = tpu.vector_load %arg10[%parallel_loop3A_242, %parallel_loop3A_243] {strides = array<i32>} : memref<32x1280xf32, #tpu.memory_space<vmem>>, vector<16xf32>,
      tpu.vector_store %arg10[%parallel_loop3A_242, %parallel_loop3A_243], %parallel_loop3A_238 {strides = array<i32>} : memref<32x1280xf32, #tpu.memory_space<vmem>>, vector<16xf32>,
      %parallel_loop3A_245 = arith.constant 2 : i32
      %parallel_loop3A_246 = vector.broadcast %parallel_loop3A_245 : i32 to vector<16xi32>
      %parallel_loop3A_247 = arith.addi %parallel_loop3A_224, %parallel_loop3A_246 : vector<16xi32>
      %parallel_loop3A_248 = tpu.vector_load_idx %arg7[%parallel_loop3A_247] : memref<374xf32, #tpu.memory_space<vmem>>[vector<16xi32>], vector<16xf32>,
      %parallel_loop3A_249 = arith.constant 16 : i32
      %parallel_loop3A_250 = arith.muli %parallel_loop3A_217, %parallel_loop3A_249 : i32
      %parallel_loop3A_251 = arith.constant 2 : i32
      %parallel_loop3A_252 = arith.index_cast %parallel_loop3A_251 : i32 to index
      %parallel_loop3A_253 = arith.index_cast %parallel_loop3A_250 : i32 to index
      %parallel_loop3A_254 = tpu.vector_load %arg10[%parallel_loop3A_252, %parallel_loop3A_253] {strides = array<i32>} : memref<32x1280xf32, #tpu.memory_space<vmem>>, vector<16xf32>,
      tpu.vector_store %arg10[%parallel_loop3A_252, %parallel_loop3A_253], %parallel_loop3A_248 {strides = array<i32>} : memref<32x1280xf32, #tpu.memory_space<vmem>>, vector<16xf32>,
      %parallel_loop3A_255 = arith.constant 3 : i32
      %parallel_loop3A_256 = vector.broadcast %parallel_loop3A_255 : i32 to vector<16xi32>
      %parallel_loop3A_257 = arith.addi %parallel_loop3A_224, %parallel_loop3A_256 : vector<16xi32>
      %parallel_loop3A_258 = tpu.vector_load_idx %arg7[%parallel_loop3A_257] : memref<374xf32, #tpu.memory_space<vmem>>[vector<16xi32>], vector<16xf32>,
      %parallel_loop3A_259 = arith.constant 16 : i32
      %parallel_loop3A_260 = arith.muli %parallel_loop3A_217, %parallel_loop3A_259 : i32
      %parallel_loop3A_261 = arith.constant 3 : i32
      %parallel_loop3A_262 = arith.index_cast %parallel_loop3A_261 : i32 to index
      %parallel_loop3A_263 = arith.index_cast %parallel_loop3A_260 : i32 to index
      %parallel_loop3A_264 = tpu.vector_load %arg10[%parallel_loop3A_262, %parallel_loop3A_263] {strides = array<i32>} : memref<32x1280xf32, #tpu.memory_space<vmem>>, vector<16xf32>,
      tpu.vector_store %arg10[%parallel_loop3A_262, %parallel_loop3A_263], %parallel_loop3A_258 {strides = array<i32>} : memref<32x1280xf32, #tpu.memory_space<vmem>>, vector<16xf32>,
      %parallel_loop3A_265 = arith.constant 4 : i32
      %parallel_loop3A_266 = vector.broadcast %parallel_loop3A_265 : i32 to vector<16xi32>
      %parallel_loop3A_267 = arith.addi %parallel_loop3A_224, %parallel_loop3A_266 : vector<16xi32>
      %parallel_loop3A_268 = tpu.vector_load_idx %arg7[%parallel_loop3A_267] : memref<374xf32, #tpu.memory_space<vmem>>[vector<16xi32>], vector<16xf32>,
      %parallel_loop3A_269 = arith.constant 16 : i32
      %parallel_loop3A_270 = arith.muli %parallel_loop3A_217, %parallel_loop3A_269 : i32
      %parallel_loop3A_271 = arith.constant 4 : i32
      %parallel_loop3A_272 = arith.index_cast %parallel_loop3A_271 : i32 to index
      %parallel_loop3A_273 = arith.index_cast %parallel_loop3A_270 : i32 to index
      %parallel_loop3A_274 = tpu.vector_load %arg10[%parallel_loop3A_272, %parallel_loop3A_273] {strides = array<i32>} : memref<32x1280xf32, #tpu.memory_space<vmem>>, vector<16xf32>,
      tpu.vector_store %arg10[%parallel_loop3A_272, %parallel_loop3A_273], %parallel_loop3A_268 {strides = array<i32>} : memref<32x1280xf32, #tpu.memory_space<vmem>>, vector<16xf32>,
      %parallel_loop3A_275 = arith.constant 5 : i32
      %parallel_loop3A_276 = vector.broadcast %parallel_loop3A_275 : i32 to vector<16xi32>
      %parallel_loop3A_277 = arith.addi %parallel_loop3A_224, %parallel_loop3A_276 : vector<16xi32>
      %parallel_loop3A_278 = tpu.vector_load_idx %arg7[%parallel_loop3A_277] : memref<374xf32, #tpu.memory_space<vmem>>[vector<16xi32>], vector<16xf32>,
      %parallel_loop3A_279 = arith.constant 16 : i32
      %parallel_loop3A_280 = arith.muli %parallel_loop3A_217, %parallel_loop3A_279 : i32
      %parallel_loop3A_281 = arith.constant 5 : i32
      %parallel_loop3A_282 = arith.index_cast %parallel_loop3A_281 : i32 to index
      %parallel_loop3A_283 = arith.index_cast %parallel_loop3A_280 : i32 to index
      %parallel_loop3A_284 = tpu.vector_load %arg10[%parallel_loop3A_282, %parallel_loop3A_283] {strides = array<i32>} : memref<32x1280xf32, #tpu.memory_space<vmem>>, vector<16xf32>,
      tpu.vector_store %arg10[%parallel_loop3A_282, %parallel_loop3A_283], %parallel_loop3A_278 {strides = array<i32>} : memref<32x1280xf32, #tpu.memory_space<vmem>>, vector<16xf32>,
      %parallel_loop3A_285 = arith.constant 6 : i32
      %parallel_loop3A_286 = vector.broadcast %parallel_loop3A_285 : i32 to vector<16xi32>
      %parallel_loop3A_287 = arith.addi %parallel_loop3A_224, %parallel_loop3A_286 : vector<16xi32>
      %parallel_loop3A_288 = tpu.vector_load_idx %arg7[%parallel_loop3A_287] : memref<374xf32, #tpu.memory_space<vmem>>[vector<16xi32>], vector<16xf32>,
      %parallel_loop3A_289 = arith.constant 16 : i32
      %parallel_loop3A_290 = arith.muli %parallel_loop3A_217, %parallel_loop3A_289 : i32
      %parallel_loop3A_291 = arith.constant 6 : i32
      %parallel_loop3A_292 = arith.index_cast %parallel_loop3A_291 : i32 to index
      %parallel_loop3A_293 = arith.index_cast %parallel_loop3A_290 : i32 to index
      %parallel_loop3A_294 = tpu.vector_load %arg10[%parallel_loop3A_292, %parallel_loop3A_293] {strides = array<i32>} : memref<32x1280xf32, #tpu.memory_space<vmem>>, vector<16xf32>,
      tpu.vector_store %arg10[%parallel_loop3A_292, %parallel_loop3A_293], %parallel_loop3A_288 {strides = array<i32>} : memref<32x1280xf32, #tpu.memory_space<vmem>>, vector<16xf32>,
      %parallel_loop3A_295 = arith.constant 7 : i32
      %parallel_loop3A_296 = vector.broadcast %parallel_loop3A_295 : i32 to vector<16xi32>
      %parallel_loop3A_297 = arith.addi %parallel_loop3A_224, %parallel_loop3A_296 : vector<16xi32>
      %parallel_loop3A_298 = tpu.vector_load_idx %arg7[%parallel_loop3A_297] : memref<374xf32, #tpu.memory_space<vmem>>[vector<16xi32>], vector<16xf32>,
      %parallel_loop3A_299 = arith.constant 16 : i32
      %parallel_loop3A_300 = arith.muli %parallel_loop3A_217, %parallel_loop3A_299 : i32
      %parallel_loop3A_301 = arith.constant 7 : i32
      %parallel_loop3A_302 = arith.index_cast %parallel_loop3A_301 : i32 to index
      %parallel_loop3A_303 = arith.index_cast %parallel_loop3A_300 : i32 to index
      %parallel_loop3A_304 = tpu.vector_load %arg10[%parallel_loop3A_302, %parallel_loop3A_303] {strides = array<i32>} : memref<32x1280xf32, #tpu.memory_space<vmem>>, vector<16xf32>,
      tpu.vector_store %arg10[%parallel_loop3A_302, %parallel_loop3A_303], %parallel_loop3A_298 {strides = array<i32>} : memref<32x1280xf32, #tpu.memory_space<vmem>>, vector<16xf32>,
      %parallel_loop3A_305 = arith.constant 8 : i32
      %parallel_loop3A_306 = vector.broadcast %parallel_loop3A_305 : i32 to vector<16xi32>
      %parallel_loop3A_307 = arith.addi %parallel_loop3A_224, %parallel_loop3A_306 : vector<16xi32>
      %parallel_loop3A_308 = tpu.vector_load_idx %arg7[%parallel_loop3A_307] : memref<374xf32, #tpu.memory_space<vmem>>[vector<16xi32>], vector<16xf32>,
      %parallel_loop3A_309 = arith.constant 16 : i32
      %parallel_loop3A_310 = arith.muli %parallel_loop3A_217, %parallel_loop3A_309 : i32
      %parallel_loop3A_311 = arith.constant 8 : i32
      %parallel_loop3A_312 = arith.index_cast %parallel_loop3A_311 : i32 to index
      %parallel_loop3A_313 = arith.index_cast %parallel_loop3A_310 : i32 to index
      %parallel_loop3A_314 = tpu.vector_load %arg10[%parallel_loop3A_312, %parallel_loop3A_313] {strides = array<i32>} : memref<32x1280xf32, #tpu.memory_space<vmem>>, vector<16xf32>,
      tpu.vector_store %arg10[%parallel_loop3A_312, %parallel_loop3A_313], %parallel_loop3A_308 {strides = array<i32>} : memref<32x1280xf32, #tpu.memory_space<vmem>>, vector<16xf32>,
      %parallel_loop3A_315 = arith.constant 9 : i32
      %parallel_loop3A_316 = vector.broadcast %parallel_loop3A_315 : i32 to vector<16xi32>
      %parallel_loop3A_317 = arith.addi %parallel_loop3A_224, %parallel_loop3A_316 : vector<16xi32>
      %parallel_loop3A_318 = tpu.vector_load_idx %arg7[%parallel_loop3A_317] : memref<374xf32, #tpu.memory_space<vmem>>[vector<16xi32>], vector<16xf32>,
      %parallel_loop3A_319 = arith.constant 16 : i32
      %parallel_loop3A_320 = arith.muli %parallel_loop3A_217, %parallel_loop3A_319 : i32
      %parallel_loop3A_321 = arith.constant 9 : i32
      %parallel_loop3A_322 = arith.index_cast %parallel_loop3A_321 : i32 to index
      %parallel_loop3A_323 = arith.index_cast %parallel_loop3A_320 : i32 to index
      %parallel_loop3A_324 = tpu.vector_load %arg10[%parallel_loop3A_322, %parallel_loop3A_323] {strides = array<i32>} : memref<32x1280xf32, #tpu.memory_space<vmem>>, vector<16xf32>,
      tpu.vector_store %arg10[%parallel_loop3A_322, %parallel_loop3A_323], %parallel_loop3A_318 {strides = array<i32>} : memref<32x1280xf32, #tpu.memory_space<vmem>>, vector<16xf32>,
      %parallel_loop3A_325 = arith.constant 10 : i32
      %parallel_loop3A_326 = vector.broadcast %parallel_loop3A_325 : i32 to vector<16xi32>
      %parallel_loop3A_327 = arith.addi %parallel_loop3A_224, %parallel_loop3A_326 : vector<16xi32>
      %parallel_loop3A_328 = tpu.vector_load_idx %arg7[%parallel_loop3A_327] : memref<374xf32, #tpu.memory_space<vmem>>[vector<16xi32>], vector<16xf32>,
      %parallel_loop3A_329 = arith.constant 16 : i32
      %parallel_loop3A_330 = arith.muli %parallel_loop3A_217, %parallel_loop3A_329 : i32
      %parallel_loop3A_331 = arith.constant 10 : i32
      %parallel_loop3A_332 = arith.index_cast %parallel_loop3A_331 : i32 to index
      %parallel_loop3A_333 = arith.index_cast %parallel_loop3A_330 : i32 to index
      %parallel_loop3A_334 = tpu.vector_load %arg10[%parallel_loop3A_332, %parallel_loop3A_333] {strides = array<i32>} : memref<32x1280xf32, #tpu.memory_space<vmem>>, vector<16xf32>,
      tpu.vector_store %arg10[%parallel_loop3A_332, %parallel_loop3A_333], %parallel_loop3A_328 {strides = array<i32>} : memref<32x1280xf32, #tpu.memory_space<vmem>>, vector<16xf32>,
      %parallel_loop3A_335 = arith.constant 11 : i32
      %parallel_loop3A_336 = vector.broadcast %parallel_loop3A_335 : i32 to vector<16xi32>
      %parallel_loop3A_337 = arith.addi %parallel_loop3A_224, %parallel_loop3A_336 : vector<16xi32>
      %parallel_loop3A_338 = tpu.vector_load_idx %arg7[%parallel_loop3A_337] : memref<374xf32, #tpu.memory_space<vmem>>[vector<16xi32>], vector<16xf32>,
      %parallel_loop3A_339 = arith.constant 16 : i32
      %parallel_loop3A_340 = arith.muli %parallel_loop3A_217, %parallel_loop3A_339 : i32
      %parallel_loop3A_341 = arith.constant 11 : i32
      %parallel_loop3A_342 = arith.index_cast %parallel_loop3A_341 : i32 to index
      %parallel_loop3A_343 = arith.index_cast %parallel_loop3A_340 : i32 to index
      %parallel_loop3A_344 = tpu.vector_load %arg10[%parallel_loop3A_342, %parallel_loop3A_343] {strides = array<i32>} : memref<32x1280xf32, #tpu.memory_space<vmem>>, vector<16xf32>,
      tpu.vector_store %arg10[%parallel_loop3A_342, %parallel_loop3A_343], %parallel_loop3A_338 {strides = array<i32>} : memref<32x1280xf32, #tpu.memory_space<vmem>>, vector<16xf32>,
      %parallel_loop3A_345 = arith.constant 12 : i32
      %parallel_loop3A_346 = vector.broadcast %parallel_loop3A_345 : i32 to vector<16xi32>
      %parallel_loop3A_347 = arith.addi %parallel_loop3A_224, %parallel_loop3A_346 : vector<16xi32>
      %parallel_loop3A_348 = tpu.vector_load_idx %arg7[%parallel_loop3A_347] : memref<374xf32, #tpu.memory_space<vmem>>[vector<16xi32>], vector<16xf32>,
      %parallel_loop3A_349 = arith.constant 16 : i32
      %parallel_loop3A_350 = arith.muli %parallel_loop3A_217, %parallel_loop3A_349 : i32
      %parallel_loop3A_351 = arith.constant 12 : i32
      %parallel_loop3A_352 = arith.index_cast %parallel_loop3A_351 : i32 to index
      %parallel_loop3A_353 = arith.index_cast %parallel_loop3A_350 : i32 to index
      %parallel_loop3A_354 = tpu.vector_load %arg10[%parallel_loop3A_352, %parallel_loop3A_353] {strides = array<i32>} : memref<32x1280xf32, #tpu.memory_space<vmem>>, vector<16xf32>,
      tpu.vector_store %arg10[%parallel_loop3A_352, %parallel_loop3A_353], %parallel_loop3A_348 {strides = array<i32>} : memref<32x1280xf32, #tpu.memory_space<vmem>>, vector<16xf32>,
      %parallel_loop3A_355 = arith.constant 13 : i32
      %parallel_loop3A_356 = vector.broadcast %parallel_loop3A_355 : i32 to vector<16xi32>
      %parallel_loop3A_357 = arith.addi %parallel_loop3A_224, %parallel_loop3A_356 : vector<16xi32>
      %parallel_loop3A_358 = tpu.vector_load_idx %arg7[%parallel_loop3A_357] : memref<374xf32, #tpu.memory_space<vmem>>[vector<16xi32>], vector<16xf32>,
      %parallel_loop3A_359 = arith.constant 16 : i32
      %parallel_loop3A_360 = arith.muli %parallel_loop3A_217, %parallel_loop3A_359 : i32
      %parallel_loop3A_361 = arith.constant 13 : i32
      %parallel_loop3A_362 = arith.index_cast %parallel_loop3A_361 : i32 to index
      %parallel_loop3A_363 = arith.index_cast %parallel_loop3A_360 : i32 to index
      %parallel_loop3A_364 = tpu.vector_load %arg10[%parallel_loop3A_362, %parallel_loop3A_363] {strides = array<i32>} : memref<32x1280xf32, #tpu.memory_space<vmem>>, vector<16xf32>,
      tpu.vector_store %arg10[%parallel_loop3A_362, %parallel_loop3A_363], %parallel_loop3A_358 {strides = array<i32>} : memref<32x1280xf32, #tpu.memory_space<vmem>>, vector<16xf32>,
      %parallel_loop3A_365 = arith.constant 14 : i32
      %parallel_loop3A_366 = vector.broadcast %parallel_loop3A_365 : i32 to vector<16xi32>
      %parallel_loop3A_367 = arith.addi %parallel_loop3A_224, %parallel_loop3A_366 : vector<16xi32>
      %parallel_loop3A_368 = tpu.vector_load_idx %arg7[%parallel_loop3A_367] : memref<374xf32, #tpu.memory_space<vmem>>[vector<16xi32>], vector<16xf32>,
      %parallel_loop3A_369 = arith.constant 16 : i32
      %parallel_loop3A_370 = arith.muli %parallel_loop3A_217, %parallel_loop3A_369 : i32
      %parallel_loop3A_371 = arith.constant 14 : i32
      %parallel_loop3A_372 = arith.index_cast %parallel_loop3A_371 : i32 to index
      %parallel_loop3A_373 = arith.index_cast %parallel_loop3A_370 : i32 to index
      %parallel_loop3A_374 = tpu.vector_load %arg10[%parallel_loop3A_372, %parallel_loop3A_373] {strides = array<i32>} : memref<32x1280xf32, #tpu.memory_space<vmem>>, vector<16xf32>,
      tpu.vector_store %arg10[%parallel_loop3A_372, %parallel_loop3A_373], %parallel_loop3A_368 {strides = array<i32>} : memref<32x1280xf32, #tpu.memory_space<vmem>>, vector<16xf32>,
      %parallel_loop3A_375 = arith.constant 15 : i32
      %parallel_loop3A_376 = vector.broadcast %parallel_loop3A_375 : i32 to vector<16xi32>
      %parallel_loop3A_377 = arith.addi %parallel_loop3A_224, %parallel_loop3A_376 : vector<16xi32>
      %parallel_loop3A_378 = tpu.vector_load_idx %arg7[%parallel_loop3A_377] : memref<374xf32, #tpu.memory_space<vmem>>[vector<16xi32>], vector<16xf32>,
      %parallel_loop3A_379 = arith.constant 16 : i32
      %parallel_loop3A_380 = arith.muli %parallel_loop3A_217, %parallel_loop3A_379 : i32
      %parallel_loop3A_381 = arith.constant 15 : i32
      %parallel_loop3A_382 = arith.index_cast %parallel_loop3A_381 : i32 to index
      %parallel_loop3A_383 = arith.index_cast %parallel_loop3A_380 : i32 to index
      %parallel_loop3A_384 = tpu.vector_load %arg10[%parallel_loop3A_382, %parallel_loop3A_383] {strides = array<i32>} : memref<32x1280xf32, #tpu.memory_space<vmem>>, vector<16xf32>,
      tpu.vector_store %arg10[%parallel_loop3A_382, %parallel_loop3A_383], %parallel_loop3A_378 {strides = array<i32>} : memref<32x1280xf32, #tpu.memory_space<vmem>>, vector<16xf32>,
    } {sc.loop_unroll_factor = 2 : i64, sc.parallel_access}
    %dma_wait3A_187 = arith.constant 16 : i32
    %dma_wait3A_188 = arith.constant 0 : i32
    %dma_wait3A_189 = tpu.memref_slice %arg10[%dma_wait3A_187, %dma_wait3A_188] : memref<32x1280xf32, #tpu.memory_space<vmem>> -> memref<16x1280xf32, #tpu.memory_space<vmem>>
    %dma_wait3A_190 = arith.constant 0 : i32
    %dma_wait3A_191 = arith.constant 0 : i32
    %dma_wait3A_192 = tpu.memref_slice %arg2[%dma_wait3A_190, %dma_wait3A_191] : memref<16x320000xf32, #tpu.memory_space<hbm>> -> memref<16x1280xf32, #tpu.memory_space<hbm>>
    %dma_wait3A_193 = arith.constant 16 : i32
    %dma_wait3A_194 = arith.constant 0 : i32
    %dma_wait3A_195 = tpu.memref_slice %arg10[%dma_wait3A_193, %dma_wait3A_194] : memref<32x1280xf32, #tpu.memory_space<vmem>> -> memref<16x1280xf32, #tpu.memory_space<vmem>>
    %dma_wait3A_196 = arith.constant 0 : i32
    %dma_wait3A_197 = arith.constant 0 : i32
    %dma_wait3A_198 = tpu.memref_slice %arg2[%dma_wait3A_196, %dma_wait3A_197] : memref<16x320000xf32, #tpu.memory_space<hbm>> -> memref<16x1280xf32, #tpu.memory_space<hbm>>
    tpu.wait_dma2 semaphore(%arg14 : memref<!tpu.dma_semaphore, #tpu.memory_space<semaphore_mem>>) src(%dma_wait3A_198 : memref<16x1280xf32, #tpu.memory_space<hbm>>) dst(%dma_wait3A_195 : memref<16x1280xf32, #tpu.memory_space<vmem>>)
    %add3A_199 = arith.constant 192 : i32
    %add3A_200 = arith.addi %add3A, %add3A_199 : i32
    %mul3A_201 = arith.constant 1280 : i32
    %mul3A_202 = arith.muli %add3A_200, %mul3A_201 : i32
    %multiple_of3A_203 = tpu.assume_multiple %mul3A_202, 128 : i32
    %dma_start3A_204 = arith.constant 0 : i32
    %dma_start3A_205 = tpu.memref_slice %arg5[%dma_start3A_204, %multiple_of3A_203] : memref<32x320000xf32, #tpu.memory_space<hbm>> -> memref<32x1280xf32, #tpu.memory_space<hbm>>
    %dma_start3A_206 = arith.constant 0 : i32
    %dma_start3A_207 = tpu.memref_slice %arg5[%dma_start3A_206, %multiple_of3A_203] : memref<32x320000xf32, #tpu.memory_space<hbm>> -> memref<32x1280xf32, #tpu.memory_space<hbm>>
    tpu.enqueue_dma source(%arg10 : memref<32x1280xf32, #tpu.memory_space<vmem>>) target(%dma_start3A_207 : memref<32x1280xf32, #tpu.memory_space<hbm>>) target_semaphore(%arg16 : memref<!tpu.dma_semaphore, #tpu.memory_space<semaphore_mem>>)
    %lt3A_208 = arith.constant 26 : i32
    %lt3A_209 = arith.cmpi slt, %add3A, %lt3A_208 : i32
    %convert_element_type3A_210 = arith.extui %lt3A_209 : i1 to i32
    %cond3A_211 = arith.constant 0 : i32
    %cond3A_212 = arith.cmpi ne, %convert_element_type3A_210, %cond3A_211 : i32
    scf.if %cond3A_212 {
      %dma_wait3A_217 = arith.constant 0 : i32
      %dma_wait3A_218 = arith.constant 0 : i32
      %dma_wait3A_219 = tpu.memref_slice %arg5[%dma_wait3A_217, %dma_wait3A_218] : memref<32x320000xf32, #tpu.memory_space<hbm>> -> memref<32x1280xf32, #tpu.memory_space<hbm>>
      %dma_wait3A_220 = arith.constant 0 : i32
      %dma_wait3A_221 = arith.constant 0 : i32
      %dma_wait3A_222 = tpu.memref_slice %arg5[%dma_wait3A_220, %dma_wait3A_221] : memref<32x320000xf32, #tpu.memory_space<hbm>> -> memref<32x1280xf32, #tpu.memory_space<hbm>>
      tpu.wait_dma2 semaphore(%arg16 : memref<!tpu.dma_semaphore, #tpu.memory_space<semaphore_mem>>) src(%arg10 : memref<32x1280xf32, #tpu.memory_space<vmem>>) dst(%dma_wait3A_222 : memref<32x1280xf32, #tpu.memory_space<hbm>>)
      %dma_wait3A_223 = arith.constant 0 : i32
      %dma_wait3A_224 = tpu.memref_slice %arg3[%dma_wait3A_223] : memref<320000xi32, #tpu.memory_space<hbm>> -> memref<1280xi32, #tpu.memory_space<hbm>>
      %dma_wait3A_225 = arith.constant 0 : i32
      %dma_wait3A_226 = tpu.memref_slice %arg3[%dma_wait3A_225] : memref<320000xi32, #tpu.memory_space<hbm>> -> memref<1280xi32, #tpu.memory_space<hbm>>
      tpu.wait_dma2 semaphore(%arg13 : memref<!tpu.dma_semaphore, #tpu.memory_space<semaphore_mem>>) src(%dma_wait3A_226 : memref<1280xi32, #tpu.memory_space<hbm>>) dst(%arg9 : memref<1280xi32, #tpu.memory_space<vmem>>)
      %parallel_loop3A_227 = arith.constant 0 : i32
      %parallel_loop3A_228 = arith.constant 80 : i32
      %parallel_loop3A_229 = arith.constant 1 : i32
      scf.for %parallel_loop3A_257 = %parallel_loop3A_227 to %parallel_loop3A_228 step %parallel_loop3A_229  : i32 {
        %parallel_loop3A_258 = arith.constant 16 : i32
        %parallel_loop3A_259 = arith.muli %parallel_loop3A_257, %parallel_loop3A_258 : i32
        %parallel_loop3A_260 = arith.index_cast %parallel_loop3A_259 : i32 to index
        %parallel_loop3A_261 = tpu.vector_load %arg9[%parallel_loop3A_260] {strides = array<i32>} : memref<1280xi32, #tpu.memory_space<vmem>>, vector<16xi32>,
        %parallel_loop3A_262 = arith.constant 17 : i32
        %parallel_loop3A_263 = vector.broadcast %parallel_loop3A_262 : i32 to vector<16xi32>
        %parallel_loop3A_264 = arith.muli %parallel_loop3A_261, %parallel_loop3A_263 : vector<16xi32>
        %parallel_loop3A_265 = arith.constant 0 : i32
        %parallel_loop3A_266 = vector.broadcast %parallel_loop3A_265 : i32 to vector<16xi32>
        %parallel_loop3A_267 = arith.addi %parallel_loop3A_264, %parallel_loop3A_266 : vector<16xi32>
        %parallel_loop3A_268 = tpu.vector_load_idx %arg7[%parallel_loop3A_267] : memref<374xf32, #tpu.memory_space<vmem>>[vector<16xi32>], vector<16xf32>,
        %parallel_loop3A_269 = arith.constant 16 : i32
        %parallel_loop3A_270 = arith.muli %parallel_loop3A_257, %parallel_loop3A_269 : i32
        %parallel_loop3A_271 = arith.constant 0 : i32
        %parallel_loop3A_272 = arith.index_cast %parallel_loop3A_271 : i32 to index
        %parallel_loop3A_273 = arith.index_cast %parallel_loop3A_270 : i32 to index
        %parallel_loop3A_274 = tpu.vector_load %arg11[%parallel_loop3A_272, %parallel_loop3A_273] {strides = array<i32>} : memref<32x1280xf32, #tpu.memory_space<vmem>>, vector<16xf32>,
        tpu.vector_store %arg11[%parallel_loop3A_272, %parallel_loop3A_273], %parallel_loop3A_268 {strides = array<i32>} : memref<32x1280xf32, #tpu.memory_space<vmem>>, vector<16xf32>,
        %parallel_loop3A_275 = arith.constant 1 : i32
        %parallel_loop3A_276 = vector.broadcast %parallel_loop3A_275 : i32 to vector<16xi32>
        %parallel_loop3A_277 = arith.addi %parallel_loop3A_264, %parallel_loop3A_276 : vector<16xi32>
        %parallel_loop3A_278 = tpu.vector_load_idx %arg7[%parallel_loop3A_277] : memref<374xf32, #tpu.memory_space<vmem>>[vector<16xi32>], vector<16xf32>,
        %parallel_loop3A_279 = arith.constant 16 : i32
        %parallel_loop3A_280 = arith.muli %parallel_loop3A_257, %parallel_loop3A_279 : i32
        %parallel_loop3A_281 = arith.constant 1 : i32
        %parallel_loop3A_282 = arith.index_cast %parallel_loop3A_281 : i32 to index
        %parallel_loop3A_283 = arith.index_cast %parallel_loop3A_280 : i32 to index
        %parallel_loop3A_284 = tpu.vector_load %arg11[%parallel_loop3A_282, %parallel_loop3A_283] {strides = array<i32>} : memref<32x1280xf32, #tpu.memory_space<vmem>>, vector<16xf32>,
        tpu.vector_store %arg11[%parallel_loop3A_282, %parallel_loop3A_283], %parallel_loop3A_278 {strides = array<i32>} : memref<32x1280xf32, #tpu.memory_space<vmem>>, vector<16xf32>,
        %parallel_loop3A_285 = arith.constant 2 : i32
        %parallel_loop3A_286 = vector.broadcast %parallel_loop3A_285 : i32 to vector<16xi32>
        %parallel_loop3A_287 = arith.addi %parallel_loop3A_264, %parallel_loop3A_286 : vector<16xi32>
        %parallel_loop3A_288 = tpu.vector_load_idx %arg7[%parallel_loop3A_287] : memref<374xf32, #tpu.memory_space<vmem>>[vector<16xi32>], vector<16xf32>,
        %parallel_loop3A_289 = arith.constant 16 : i32
        %parallel_loop3A_290 = arith.muli %parallel_loop3A_257, %parallel_loop3A_289 : i32
        %parallel_loop3A_291 = arith.constant 2 : i32
        %parallel_loop3A_292 = arith.index_cast %parallel_loop3A_291 : i32 to index
        %parallel_loop3A_293 = arith.index_cast %parallel_loop3A_290 : i32 to index
        %parallel_loop3A_294 = tpu.vector_load %arg11[%parallel_loop3A_292, %parallel_loop3A_293] {strides = array<i32>} : memref<32x1280xf32, #tpu.memory_space<vmem>>, vector<16xf32>,
        tpu.vector_store %arg11[%parallel_loop3A_292, %parallel_loop3A_293], %parallel_loop3A_288 {strides = array<i32>} : memref<32x1280xf32, #tpu.memory_space<vmem>>, vector<16xf32>,
        %parallel_loop3A_295 = arith.constant 3 : i32
        %parallel_loop3A_296 = vector.broadcast %parallel_loop3A_295 : i32 to vector<16xi32>
        %parallel_loop3A_297 = arith.addi %parallel_loop3A_264, %parallel_loop3A_296 : vector<16xi32>
        %parallel_loop3A_298 = tpu.vector_load_idx %arg7[%parallel_loop3A_297] : memref<374xf32, #tpu.memory_space<vmem>>[vector<16xi32>], vector<16xf32>,
        %parallel_loop3A_299 = arith.constant 16 : i32
        %parallel_loop3A_300 = arith.muli %parallel_loop3A_257, %parallel_loop3A_299 : i32
        %parallel_loop3A_301 = arith.constant 3 : i32
        %parallel_loop3A_302 = arith.index_cast %parallel_loop3A_301 : i32 to index
        %parallel_loop3A_303 = arith.index_cast %parallel_loop3A_300 : i32 to index
        %parallel_loop3A_304 = tpu.vector_load %arg11[%parallel_loop3A_302, %parallel_loop3A_303] {strides = array<i32>} : memref<32x1280xf32, #tpu.memory_space<vmem>>, vector<16xf32>,
        tpu.vector_store %arg11[%parallel_loop3A_302, %parallel_loop3A_303], %parallel_loop3A_298 {strides = array<i32>} : memref<32x1280xf32, #tpu.memory_space<vmem>>, vector<16xf32>,
        %parallel_loop3A_305 = arith.constant 4 : i32
        %parallel_loop3A_306 = vector.broadcast %parallel_loop3A_305 : i32 to vector<16xi32>
        %parallel_loop3A_307 = arith.addi %parallel_loop3A_264, %parallel_loop3A_306 : vector<16xi32>
        %parallel_loop3A_308 = tpu.vector_load_idx %arg7[%parallel_loop3A_307] : memref<374xf32, #tpu.memory_space<vmem>>[vector<16xi32>], vector<16xf32>,
        %parallel_loop3A_309 = arith.constant 16 : i32
        %parallel_loop3A_310 = arith.muli %parallel_loop3A_257, %parallel_loop3A_309 : i32
        %parallel_loop3A_311 = arith.constant 4 : i32
        %parallel_loop3A_312 = arith.index_cast %parallel_loop3A_311 : i32 to index
        %parallel_loop3A_313 = arith.index_cast %parallel_loop3A_310 : i32 to index
        %parallel_loop3A_314 = tpu.vector_load %arg11[%parallel_loop3A_312, %parallel_loop3A_313] {strides = array<i32>} : memref<32x1280xf32, #tpu.memory_space<vmem>>, vector<16xf32>,
        tpu.vector_store %arg11[%parallel_loop3A_312, %parallel_loop3A_313], %parallel_loop3A_308 {strides = array<i32>} : memref<32x1280xf32, #tpu.memory_space<vmem>>, vector<16xf32>,
        %parallel_loop3A_315 = arith.constant 5 : i32
        %parallel_loop3A_316 = vector.broadcast %parallel_loop3A_315 : i32 to vector<16xi32>
        %parallel_loop3A_317 = arith.addi %parallel_loop3A_264, %parallel_loop3A_316 : vector<16xi32>
        %parallel_loop3A_318 = tpu.vector_load_idx %arg7[%parallel_loop3A_317] : memref<374xf32, #tpu.memory_space<vmem>>[vector<16xi32>], vector<16xf32>,
        %parallel_loop3A_319 = arith.constant 16 : i32
        %parallel_loop3A_320 = arith.muli %parallel_loop3A_257, %parallel_loop3A_319 : i32
        %parallel_loop3A_321 = arith.constant 5 : i32
        %parallel_loop3A_322 = arith.index_cast %parallel_loop3A_321 : i32 to index
        %parallel_loop3A_323 = arith.index_cast %parallel_loop3A_320 : i32 to index
        %parallel_loop3A_324 = tpu.vector_load %arg11[%parallel_loop3A_322, %parallel_loop3A_323] {strides = array<i32>} : memref<32x1280xf32, #tpu.memory_space<vmem>>, vector<16xf32>,
        tpu.vector_store %arg11[%parallel_loop3A_322, %parallel_loop3A_323], %parallel_loop3A_318 {strides = array<i32>} : memref<32x1280xf32, #tpu.memory_space<vmem>>, vector<16xf32>,
        %parallel_loop3A_325 = arith.constant 6 : i32
        %parallel_loop3A_326 = vector.broadcast %parallel_loop3A_325 : i32 to vector<16xi32>
        %parallel_loop3A_327 = arith.addi %parallel_loop3A_264, %parallel_loop3A_326 : vector<16xi32>
        %parallel_loop3A_328 = tpu.vector_load_idx %arg7[%parallel_loop3A_327] : memref<374xf32, #tpu.memory_space<vmem>>[vector<16xi32>], vector<16xf32>,
        %parallel_loop3A_329 = arith.constant 16 : i32
        %parallel_loop3A_330 = arith.muli %parallel_loop3A_257, %parallel_loop3A_329 : i32
        %parallel_loop3A_331 = arith.constant 6 : i32
        %parallel_loop3A_332 = arith.index_cast %parallel_loop3A_331 : i32 to index
        %parallel_loop3A_333 = arith.index_cast %parallel_loop3A_330 : i32 to index
        %parallel_loop3A_334 = tpu.vector_load %arg11[%parallel_loop3A_332, %parallel_loop3A_333] {strides = array<i32>} : memref<32x1280xf32, #tpu.memory_space<vmem>>, vector<16xf32>,
        tpu.vector_store %arg11[%parallel_loop3A_332, %parallel_loop3A_333], %parallel_loop3A_328 {strides = array<i32>} : memref<32x1280xf32, #tpu.memory_space<vmem>>, vector<16xf32>,
        %parallel_loop3A_335 = arith.constant 7 : i32
        %parallel_loop3A_336 = vector.broadcast %parallel_loop3A_335 : i32 to vector<16xi32>
        %parallel_loop3A_337 = arith.addi %parallel_loop3A_264, %parallel_loop3A_336 : vector<16xi32>
        %parallel_loop3A_338 = tpu.vector_load_idx %arg7[%parallel_loop3A_337] : memref<374xf32, #tpu.memory_space<vmem>>[vector<16xi32>], vector<16xf32>,
        %parallel_loop3A_339 = arith.constant 16 : i32
        %parallel_loop3A_340 = arith.muli %parallel_loop3A_257, %parallel_loop3A_339 : i32
        %parallel_loop3A_341 = arith.constant 7 : i32
        %parallel_loop3A_342 = arith.index_cast %parallel_loop3A_341 : i32 to index
        %parallel_loop3A_343 = arith.index_cast %parallel_loop3A_340 : i32 to index
        %parallel_loop3A_344 = tpu.vector_load %arg11[%parallel_loop3A_342, %parallel_loop3A_343] {strides = array<i32>} : memref<32x1280xf32, #tpu.memory_space<vmem>>, vector<16xf32>,
        tpu.vector_store %arg11[%parallel_loop3A_342, %parallel_loop3A_343], %parallel_loop3A_338 {strides = array<i32>} : memref<32x1280xf32, #tpu.memory_space<vmem>>, vector<16xf32>,
        %parallel_loop3A_345 = arith.constant 8 : i32
        %parallel_loop3A_346 = vector.broadcast %parallel_loop3A_345 : i32 to vector<16xi32>
        %parallel_loop3A_347 = arith.addi %parallel_loop3A_264, %parallel_loop3A_346 : vector<16xi32>
        %parallel_loop3A_348 = tpu.vector_load_idx %arg7[%parallel_loop3A_347] : memref<374xf32, #tpu.memory_space<vmem>>[vector<16xi32>], vector<16xf32>,
        %parallel_loop3A_349 = arith.constant 16 : i32
        %parallel_loop3A_350 = arith.muli %parallel_loop3A_257, %parallel_loop3A_349 : i32
        %parallel_loop3A_351 = arith.constant 8 : i32
        %parallel_loop3A_352 = arith.index_cast %parallel_loop3A_351 : i32 to index
        %parallel_loop3A_353 = arith.index_cast %parallel_loop3A_350 : i32 to index
        %parallel_loop3A_354 = tpu.vector_load %arg11[%parallel_loop3A_352, %parallel_loop3A_353] {strides = array<i32>} : memref<32x1280xf32, #tpu.memory_space<vmem>>, vector<16xf32>,
        tpu.vector_store %arg11[%parallel_loop3A_352, %parallel_loop3A_353], %parallel_loop3A_348 {strides = array<i32>} : memref<32x1280xf32, #tpu.memory_space<vmem>>, vector<16xf32>,
        %parallel_loop3A_355 = arith.constant 9 : i32
        %parallel_loop3A_356 = vector.broadcast %parallel_loop3A_355 : i32 to vector<16xi32>
        %parallel_loop3A_357 = arith.addi %parallel_loop3A_264, %parallel_loop3A_356 : vector<16xi32>
        %parallel_loop3A_358 = tpu.vector_load_idx %arg7[%parallel_loop3A_357] : memref<374xf32, #tpu.memory_space<vmem>>[vector<16xi32>], vector<16xf32>,
        %parallel_loop3A_359 = arith.constant 16 : i32
        %parallel_loop3A_360 = arith.muli %parallel_loop3A_257, %parallel_loop3A_359 : i32
        %parallel_loop3A_361 = arith.constant 9 : i32
        %parallel_loop3A_362 = arith.index_cast %parallel_loop3A_361 : i32 to index
        %parallel_loop3A_363 = arith.index_cast %parallel_loop3A_360 : i32 to index
        %parallel_loop3A_364 = tpu.vector_load %arg11[%parallel_loop3A_362, %parallel_loop3A_363] {strides = array<i32>} : memref<32x1280xf32, #tpu.memory_space<vmem>>, vector<16xf32>,
        tpu.vector_store %arg11[%parallel_loop3A_362, %parallel_loop3A_363], %parallel_loop3A_358 {strides = array<i32>} : memref<32x1280xf32, #tpu.memory_space<vmem>>, vector<16xf32>,
        %parallel_loop3A_365 = arith.constant 10 : i32
        %parallel_loop3A_366 = vector.broadcast %parallel_loop3A_365 : i32 to vector<16xi32>
        %parallel_loop3A_367 = arith.addi %parallel_loop3A_264, %parallel_loop3A_366 : vector<16xi32>
        %parallel_loop3A_368 = tpu.vector_load_idx %arg7[%parallel_loop3A_367] : memref<374xf32, #tpu.memory_space<vmem>>[vector<16xi32>], vector<16xf32>,
        %parallel_loop3A_369 = arith.constant 16 : i32
        %parallel_loop3A_370 = arith.muli %parallel_loop3A_257, %parallel_loop3A_369 : i32
        %parallel_loop3A_371 = arith.constant 10 : i32
        %parallel_loop3A_372 = arith.index_cast %parallel_loop3A_371 : i32 to index
        %parallel_loop3A_373 = arith.index_cast %parallel_loop3A_370 : i32 to index
        %parallel_loop3A_374 = tpu.vector_load %arg11[%parallel_loop3A_372, %parallel_loop3A_373] {strides = array<i32>} : memref<32x1280xf32, #tpu.memory_space<vmem>>, vector<16xf32>,
        tpu.vector_store %arg11[%parallel_loop3A_372, %parallel_loop3A_373], %parallel_loop3A_368 {strides = array<i32>} : memref<32x1280xf32, #tpu.memory_space<vmem>>, vector<16xf32>,
        %parallel_loop3A_375 = arith.constant 11 : i32
        %parallel_loop3A_376 = vector.broadcast %parallel_loop3A_375 : i32 to vector<16xi32>
        %parallel_loop3A_377 = arith.addi %parallel_loop3A_264, %parallel_loop3A_376 : vector<16xi32>
        %parallel_loop3A_378 = tpu.vector_load_idx %arg7[%parallel_loop3A_377] : memref<374xf32, #tpu.memory_space<vmem>>[vector<16xi32>], vector<16xf32>,
        %parallel_loop3A_379 = arith.constant 16 : i32
        %parallel_loop3A_380 = arith.muli %parallel_loop3A_257, %parallel_loop3A_379 : i32
        %parallel_loop3A_381 = arith.constant 11 : i32
        %parallel_loop3A_382 = arith.index_cast %parallel_loop3A_381 : i32 to index
        %parallel_loop3A_383 = arith.index_cast %parallel_loop3A_380 : i32 to index
        %parallel_loop3A_384 = tpu.vector_load %arg11[%parallel_loop3A_382, %parallel_loop3A_383] {strides = array<i32>} : memref<32x1280xf32, #tpu.memory_space<vmem>>, vector<16xf32>,
        tpu.vector_store %arg11[%parallel_loop3A_382, %parallel_loop3A_383], %parallel_loop3A_378 {strides = array<i32>} : memref<32x1280xf32, #tpu.memory_space<vmem>>, vector<16xf32>,
        %parallel_loop3A_385 = arith.constant 12 : i32
        %parallel_loop3A_386 = vector.broadcast %parallel_loop3A_385 : i32 to vector<16xi32>
        %parallel_loop3A_387 = arith.addi %parallel_loop3A_264, %parallel_loop3A_386 : vector<16xi32>
        %parallel_loop3A_388 = tpu.vector_load_idx %arg7[%parallel_loop3A_387] : memref<374xf32, #tpu.memory_space<vmem>>[vector<16xi32>], vector<16xf32>,
        %parallel_loop3A_389 = arith.constant 16 : i32
        %parallel_loop3A_390 = arith.muli %parallel_loop3A_257, %parallel_loop3A_389 : i32
        %parallel_loop3A_391 = arith.constant 12 : i32
        %parallel_loop3A_392 = arith.index_cast %parallel_loop3A_391 : i32 to index
        %parallel_loop3A_393 = arith.index_cast %parallel_loop3A_390 : i32 to index
        %parallel_loop3A_394 = tpu.vector_load %arg11[%parallel_loop3A_392, %parallel_loop3A_393] {strides = array<i32>} : memref<32x1280xf32, #tpu.memory_space<vmem>>, vector<16xf32>,
        tpu.vector_store %arg11[%parallel_loop3A_392, %parallel_loop3A_393], %parallel_loop3A_388 {strides = array<i32>} : memref<32x1280xf32, #tpu.memory_space<vmem>>, vector<16xf32>,
        %parallel_loop3A_395 = arith.constant 13 : i32
        %parallel_loop3A_396 = vector.broadcast %parallel_loop3A_395 : i32 to vector<16xi32>
        %parallel_loop3A_397 = arith.addi %parallel_loop3A_264, %parallel_loop3A_396 : vector<16xi32>
        %parallel_loop3A_398 = tpu.vector_load_idx %arg7[%parallel_loop3A_397] : memref<374xf32, #tpu.memory_space<vmem>>[vector<16xi32>], vector<16xf32>,
        %parallel_loop3A_399 = arith.constant 16 : i32
        %parallel_loop3A_400 = arith.muli %parallel_loop3A_257, %parallel_loop3A_399 : i32
        %parallel_loop3A_401 = arith.constant 13 : i32
        %parallel_loop3A_402 = arith.index_cast %parallel_loop3A_401 : i32 to index
        %parallel_loop3A_403 = arith.index_cast %parallel_loop3A_400 : i32 to index
        %parallel_loop3A_404 = tpu.vector_load %arg11[%parallel_loop3A_402, %parallel_loop3A_403] {strides = array<i32>} : memref<32x1280xf32, #tpu.memory_space<vmem>>, vector<16xf32>,
        tpu.vector_store %arg11[%parallel_loop3A_402, %parallel_loop3A_403], %parallel_loop3A_398 {strides = array<i32>} : memref<32x1280xf32, #tpu.memory_space<vmem>>, vector<16xf32>,
        %parallel_loop3A_405 = arith.constant 14 : i32
        %parallel_loop3A_406 = vector.broadcast %parallel_loop3A_405 : i32 to vector<16xi32>
        %parallel_loop3A_407 = arith.addi %parallel_loop3A_264, %parallel_loop3A_406 : vector<16xi32>
        %parallel_loop3A_408 = tpu.vector_load_idx %arg7[%parallel_loop3A_407] : memref<374xf32, #tpu.memory_space<vmem>>[vector<16xi32>], vector<16xf32>,
        %parallel_loop3A_409 = arith.constant 16 : i32
        %parallel_loop3A_410 = arith.muli %parallel_loop3A_257, %parallel_loop3A_409 : i32
        %parallel_loop3A_411 = arith.constant 14 : i32
        %parallel_loop3A_412 = arith.index_cast %parallel_loop3A_411 : i32 to index
        %parallel_loop3A_413 = arith.index_cast %parallel_loop3A_410 : i32 to index
        %parallel_loop3A_414 = tpu.vector_load %arg11[%parallel_loop3A_412, %parallel_loop3A_413] {strides = array<i32>} : memref<32x1280xf32, #tpu.memory_space<vmem>>, vector<16xf32>,
        tpu.vector_store %arg11[%parallel_loop3A_412, %parallel_loop3A_413], %parallel_loop3A_408 {strides = array<i32>} : memref<32x1280xf32, #tpu.memory_space<vmem>>, vector<16xf32>,
        %parallel_loop3A_415 = arith.constant 15 : i32
        %parallel_loop3A_416 = vector.broadcast %parallel_loop3A_415 : i32 to vector<16xi32>
        %parallel_loop3A_417 = arith.addi %parallel_loop3A_264, %parallel_loop3A_416 : vector<16xi32>
        %parallel_loop3A_418 = tpu.vector_load_idx %arg7[%parallel_loop3A_417] : memref<374xf32, #tpu.memory_space<vmem>>[vector<16xi32>], vector<16xf32>,
        %parallel_loop3A_419 = arith.constant 16 : i32
        %parallel_loop3A_420 = arith.muli %parallel_loop3A_257, %parallel_loop3A_419 : i32
        %parallel_loop3A_421 = arith.constant 15 : i32
        %parallel_loop3A_422 = arith.index_cast %parallel_loop3A_421 : i32 to index
        %parallel_loop3A_423 = arith.index_cast %parallel_loop3A_420 : i32 to index
        %parallel_loop3A_424 = tpu.vector_load %arg11[%parallel_loop3A_422, %parallel_loop3A_423] {strides = array<i32>} : memref<32x1280xf32, #tpu.memory_space<vmem>>, vector<16xf32>,
        tpu.vector_store %arg11[%parallel_loop3A_422, %parallel_loop3A_423], %parallel_loop3A_418 {strides = array<i32>} : memref<32x1280xf32, #tpu.memory_space<vmem>>, vector<16xf32>,
      } {sc.loop_unroll_factor = 2 : i64, sc.parallel_access}
      %dma_wait3A_230 = arith.constant 16 : i32
      %dma_wait3A_231 = arith.constant 0 : i32
      %dma_wait3A_232 = tpu.memref_slice %arg11[%dma_wait3A_230, %dma_wait3A_231] : memref<32x1280xf32, #tpu.memory_space<vmem>> -> memref<16x1280xf32, #tpu.memory_space<vmem>>
      %dma_wait3A_233 = arith.constant 0 : i32
      %dma_wait3A_234 = arith.constant 0 : i32
      %dma_wait3A_235 = tpu.memref_slice %arg2[%dma_wait3A_233, %dma_wait3A_234] : memref<16x320000xf32, #tpu.memory_space<hbm>> -> memref<16x1280xf32, #tpu.memory_space<hbm>>
      %dma_wait3A_236 = arith.constant 16 : i32
      %dma_wait3A_237 = arith.constant 0 : i32
      %dma_wait3A_238 = tpu.memref_slice %arg11[%dma_wait3A_236, %dma_wait3A_237] : memref<32x1280xf32, #tpu.memory_space<vmem>> -> memref<16x1280xf32, #tpu.memory_space<vmem>>
      %dma_wait3A_239 = arith.constant 0 : i32
      %dma_wait3A_240 = arith.constant 0 : i32
      %dma_wait3A_241 = tpu.memref_slice %arg2[%dma_wait3A_239, %dma_wait3A_240] : memref<16x320000xf32, #tpu.memory_space<hbm>> -> memref<16x1280xf32, #tpu.memory_space<hbm>>
      tpu.wait_dma2 semaphore(%arg15 : memref<!tpu.dma_semaphore, #tpu.memory_space<semaphore_mem>>) src(%dma_wait3A_241 : memref<16x1280xf32, #tpu.memory_space<hbm>>) dst(%dma_wait3A_238 : memref<16x1280xf32, #tpu.memory_space<vmem>>)
      %add3A_242 = arith.constant 224 : i32
      %add3A_243 = arith.addi %add3A, %add3A_242 : i32
      %mul3A_244 = arith.constant 1280 : i32
      %mul3A_245 = arith.muli %add3A_243, %mul3A_244 : i32
      %multiple_of3A_246 = tpu.assume_multiple %mul3A_245, 128 : i32
      %dma_start3A_247 = arith.constant 0 : i32
      %dma_start3A_248 = tpu.memref_slice %arg5[%dma_start3A_247, %multiple_of3A_246] : memref<32x320000xf32, #tpu.memory_space<hbm>> -> memref<32x1280xf32, #tpu.memory_space<hbm>>
      %dma_start3A_249 = arith.constant 0 : i32
      %dma_start3A_250 = tpu.memref_slice %arg5[%dma_start3A_249, %multiple_of3A_246] : memref<32x320000xf32, #tpu.memory_space<hbm>> -> memref<32x1280xf32, #tpu.memory_space<hbm>>
      tpu.enqueue_dma source(%arg11 : memref<32x1280xf32, #tpu.memory_space<vmem>>) target(%dma_start3A_250 : memref<32x1280xf32, #tpu.memory_space<hbm>>) target_semaphore(%arg17 : memref<!tpu.dma_semaphore, #tpu.memory_space<semaphore_mem>>)
      %dma_wait3A_251 = arith.constant 0 : i32
      %dma_wait3A_252 = arith.constant 0 : i32
      %dma_wait3A_253 = tpu.memref_slice %arg5[%dma_wait3A_251, %dma_wait3A_252] : memref<32x320000xf32, #tpu.memory_space<hbm>> -> memref<32x1280xf32, #tpu.memory_space<hbm>>
      %dma_wait3A_254 = arith.constant 0 : i32
      %dma_wait3A_255 = arith.constant 0 : i32
      %dma_wait3A_256 = tpu.memref_slice %arg5[%dma_wait3A_254, %dma_wait3A_255] : memref<32x320000xf32, #tpu.memory_space<hbm>> -> memref<32x1280xf32, #tpu.memory_space<hbm>>
      tpu.wait_dma2 semaphore(%arg17 : memref<!tpu.dma_semaphore, #tpu.memory_space<semaphore_mem>>) src(%arg11 : memref<32x1280xf32, #tpu.memory_space<vmem>>) dst(%dma_wait3A_256 : memref<32x1280xf32, #tpu.memory_space<hbm>>)
    } else {
    }
    %ge3A = arith.constant 26 : i32
    %ge3A_213 = arith.cmpi sge, %add3A, %ge3A : i32
    %convert_element_type3A_214 = arith.extui %ge3A_213 : i1 to i32
    %cond3A_215 = arith.constant 0 : i32
    %cond3A_216 = arith.cmpi ne, %convert_element_type3A_214, %cond3A_215 : i32
    scf.if %cond3A_216 {
      %dma_wait3A_217 = arith.constant 0 : i32
      %dma_wait3A_218 = arith.constant 0 : i32
      %dma_wait3A_219 = tpu.memref_slice %arg5[%dma_wait3A_217, %dma_wait3A_218] : memref<32x320000xf32, #tpu.memory_space<hbm>> -> memref<32x1280xf32, #tpu.memory_space<hbm>>
      %dma_wait3A_220 = arith.constant 0 : i32
      %dma_wait3A_221 = arith.constant 0 : i32
      %dma_wait3A_222 = tpu.memref_slice %arg5[%dma_wait3A_220, %dma_wait3A_221] : memref<32x320000xf32, #tpu.memory_space<hbm>> -> memref<32x1280xf32, #tpu.memory_space<hbm>>
      tpu.wait_dma2 semaphore(%arg16 : memref<!tpu.dma_semaphore, #tpu.memory_space<semaphore_mem>>) src(%arg10 : memref<32x1280xf32, #tpu.memory_space<vmem>>) dst(%dma_wait3A_222 : memref<32x1280xf32, #tpu.memory_space<hbm>>)
    } else {
    }
    return
  }
}

module attributes {stable_mosaic.version = 14 : i64} {
  func.func @_tc_node_body(%arg0: i32, %arg1: memref<1x1x1024xi32, #tpu.memory_space<vmem>>, %arg2: memref<1024x128xf32, #tpu.memory_space<vmem>>, %arg3: memref<128x64xf32, #tpu.memory_space<vmem>>, %arg4: memref<192x1024xf32, #tpu.memory_space<vmem>>) attributes {dimension_semantics = [#tpu.dimension_semantics<arbitrary>], iteration_bounds = array<i64: 10>, scalar_prefetch = 0 : i64, scratch_operands = 0 : i64, tpu.core_type = #tpu.core_type<tc>, window_params = [{transform_indices = @transform_0, window_bounds = array<i64: 1, 1, 1024>}, {transform_indices = @transform_1, window_bounds = array<i64: 1024, 128>}, {pipeline_mode = #tpu.pipeline_mode<synchronous>, transform_indices = @transform_2, window_bounds = array<i64: 128, 64>}, {transform_indices = @transform_3, window_bounds = array<i64: 192, 1024>}]} {
    %get3A = arith.constant 0 : index
    %get3A_0 = arith.constant 0 : index
    %get3A_1 = arith.constant 0 : index
    %get3A_2 = vector.load %arg1[%get3A, %get3A_0, %get3A_1] : memref<1x1x1024xi32, #tpu.memory_space<vmem>>, vector<1x1x1024xi32>
    %get3A_3 = vector.shape_cast %get3A_2 : vector<1x1x1024xi32> to vector<1024xi32>
    %iota3A = tpu.iota {dimensions = array<i32: 0>} : vector<128x1024xi32>
    %broadcast_in_dim3A = vector.shape_cast %get3A_3 : vector<1024xi32> to vector<1x1024xi32>
    %eq3A = vector.broadcast %broadcast_in_dim3A : vector<1x1024xi32> to vector<128x1024xi32>
    %eq3A_4 = arith.cmpi eq, %iota3A, %eq3A : vector<128x1024xi32>
    %convert_element_type3A = arith.extui %eq3A_4 : vector<128x1024xi1> to vector<128x1024xi32>
    %convert_element_type3A_5 = arith.sitofp %convert_element_type3A : vector<128x1024xi32> to vector<128x1024xf32>
    %get3A_6 = arith.constant 0 : index
    %get3A_7 = arith.constant 0 : index
    %get3A_8 = vector.load %arg3[%get3A_6, %get3A_7] : memref<128x64xf32, #tpu.memory_space<vmem>>, vector<128x64xf32>
    %dot_general3A = arith.constant dense<0.000000e+00> : vector<64x1024xf32>
    %dot_general3A_9 = tpu.matmul %get3A_8, %convert_element_type3A_5, %dot_general3A {dimension_numbers = #tpu.dot_dimension_numbers<[0], [0], [1], [1], [0, 1, 1, 1], [], []>, precision = #tpu.contract_precision<fp32>, transpose_lhs_hint = false} : vector<128x64xf32>, vector<128x1024xf32>, vector<64x1024xf32> -> vector<64x1024xf32>
    %swap3A = arith.constant 0 : index
    %swap3A_10 = arith.constant 0 : index
    %swap3A_11 = vector.load %arg4[%swap3A, %swap3A_10] : memref<192x1024xf32, #tpu.memory_space<vmem>>, vector<64x1024xf32>
    tpu.vector_store %arg4[%swap3A, %swap3A_10], %dot_general3A_9 {strides = array<i32>} : memref<192x1024xf32, #tpu.memory_space<vmem>>, vector<64x1024xf32>,
    %get3A_12 = arith.constant 0 : index
    %get3A_13 = arith.constant 0 : index
    %get3A_14 = vector.load %arg2[%get3A_12, %get3A_13] : memref<1024x128xf32, #tpu.memory_space<vmem>>, vector<1024x128xf32>
    %transpose3A = tpu.transpose %get3A_14, [1, 0] : vector<1024x128xf32> -> vector<128x1024xf32>
    %swap3A_15 = arith.constant 64 : index
    %swap3A_16 = arith.constant 0 : index
    %swap3A_17 = vector.load %arg4[%swap3A_15, %swap3A_16] : memref<192x1024xf32, #tpu.memory_space<vmem>>, vector<128x1024xf32>
    tpu.vector_store %arg4[%swap3A_15, %swap3A_16], %transpose3A {strides = array<i32>} : memref<192x1024xf32, #tpu.memory_space<vmem>>, vector<128x1024xf32>,
    return
  }
  func.func @transform_0(%arg0: i32) -> (i32, i32, i32) {
    %c0_i32 = arith.constant 0 : i32
    %c0_i32_0 = arith.constant 0 : i32
    %c0_i32_1 = arith.constant 0 : i32
    return %arg0, %c0_i32, %c0_i32_0 : i32, i32, i32
  }
  func.func @transform_1(%arg0: i32) -> (i32, i32) {
    %c0_i32 = arith.constant 0 : i32
    %c0_i32_0 = arith.constant 0 : i32
    return %arg0, %c0_i32 : i32, i32
  }
  func.func @transform_2(%arg0: i32) -> (i32, i32) {
    %c0_i32 = arith.constant 0 : i32
    %c0_i32_0 = arith.constant 0 : i32
    %c0_i32_1 = arith.constant 0 : i32
    return %c0_i32, %c0_i32_0 : i32, i32
  }
  func.func @transform_3(%arg0: i32) -> (i32, i32) {
    %c0_i32 = arith.constant 0 : i32
    %c0_i32_0 = arith.constant 0 : i32
    return %c0_i32, %arg0 : i32, i32
  }
}

</mosaic_0001>

<sc_bundles>
// kernel: kernel.4.cloned.1.call-start
scs
__scs_entry_jumppad:
0x0: {  	(pc) =	sbr.rel $0x88, $3  }
0x1: {  	(tag) =	ssettag $0x0;
	lr =	simm.s32 $0x1  }
0x2: {  	[smem:$0x3F9B] =	sst lr;
	_ =	strace $0xD0000000  }
0x3: {  	_ = 	snop  }
0x4: {  	_ = 	snop  }
0x5: {  	_ = 	snop  }
0x6: {  	_ = 	snop  }
0x7: {  	_ = 	snop  }
__scs_overlays_trampoline_lowered:
0x8: {  	[smem:$0x3FAA] =	sst s0  }
0x9: {  	[smem:$0x3FAB] =	sst s1  }
0xa: {  	[smem:$0x3FAC] =	sst s2  }
0xb: {  	[smem:$0x3FAD] =	sst s3  }
0xc: {  	[smem:$0x3FAE] =	sst s4  }
0xd: {  	[smem:$0x3FAF] =	sst s5  }
0xe: {  	[smem:$0x3FB0] =	sst s6  }
0xf: {  	[smem:$0x3FB1] =	sst s7  }
0x10: {  	[smem:$0x3FB2] =	sst s8  }
0x11: {  	[smem:$0x3FB3] =	sst s9;
	s0 =	simm.s32 @!p0 $0x0  }
0x12: {  	s1 =	sld [smem:$0x3F99];
	s0 =	simm.s32 @p0 $0x1  }
0x13: {  	[smem:$0x3FB4] =	sst s0;
	s0 =	simm.s32 @!p1 $0x0  }
0x14: {  	s2 =	sld [smem:$0x3F98];
	s0 =	simm.s32 @p1 $0x1  }
0x15: {  	[smem:$0x3FB5] =	sst s0;
	s0 =	simm.s32 @!p2 $0x0  }
0x16: {  	s3 =	sld [smem:$0x3FDB];
	s0 =	simm.s32 @p2 $0x1  }
0x17: {  	s4 =	simm.s32 $0x1BF5;
	[smem:$0x3FB7] =	sst s0  }
0x18: {  	s0 =	sld [smem:$0x3F9A];
	_ =	swait.ge [sflag:s4], $0x0  }
0x19: {  	s7 =	sld [smem:$0x3F9B]  }
0x1a: {  	s8 =	sadd.s32 $0xFFFFE003, lr  }
0x1b: {  	s9 =	sadd.s32 $0xFFFFFEF7, lr;
	s5 =	simm.s32 $0xFFFFFFFF;
	p2 =	slt.u32 s8, $0xFFFFF086  }
0x1c: {  	p1 =	slt.u32 s9, $0xF7A;
	s5 =	simm.s32 @!p2 $0x0  }
0x1d: {  	s5 =	simm.s32 @p1 $0x1;
	p0 =	seq.s32 s7, s2  }
0x1e: {  	s7 =	smul.u32 @!p0 $0xF7A, s2;
	p2 =	seq.s32 @!p0 s5, $0x0  }
0x1f: {  	s9 =	smul.u32 $0xF7A, s1;
	s8 =	simm.s32 @!p0 $0x1BF5;
	p2 =	por !p2, p0  }
0x20: {  	[sflag:s8] =	ssyncset.s32 @!p0 $0xFFFFF086;
	s6 =	sadd.s32 @!p0 s3, s7;
	s7 =	simm.s32 @!p0 $0x108  }
0x21: {  	s3 =	sadd.s32 s3, s9;
	s6 =	sadd.s32 @!p0 $0x88, s6;
	s7 =	simm.s32 @p2 $0x1082  }
0x22: {  	[simem:s7], [sflag:s8] =	dma.local @!p0 [hbm:s6], $0xF7A  }
0x23: {  	s9 =	sor.u32 $0xD0000000, s2;
	s6 =	simm.s32 $0x108;
	_ =	swait.ge @!p0 [sflag:s8], $0x0  }
0x24: {  	s3 =	sadd.s32 $0x88, s3;
	s6 =	simm.s32 @!p1 $0x1082;
	[sflag:s4] =	ssyncset.s32 $0xFFFFF086  }
0x25: {  	[simem:s6], [sflag:s4] =	dma.local [hbm:s3], $0xF7A  }
0x26: {  	[smem:$0x3F9B] =	sst s1;
	(tag) =	ssettag s2;
	_ =	strace s9  }
0x27: {  	s1 =	sld [smem:$0x3FAB]  }
0x28: {  	s2 =	sld [smem:$0x3FAC]  }
0x29: {  	s4 =	sld [smem:$0x3FAE]  }
0x2a: {  	p0 =	seq.s32 s5, $0x0;
	s5 =	sld [smem:$0x3FAF]  }
0x2b: {  	s6 =	sld [smem:$0x3FB0]  }
0x2c: {  	s7 =	sld [smem:$0x3FB1]  }
0x2d: {  	s3 =	simm.s32 $0x108;
	s8 =	sld [smem:$0x3FB2]  }
0x2e: {  	s3 =	simm.s32 @!p0 $0x1082;
	s9 =	sld [smem:$0x3FB3]  }
0x2f: {  	lr =	sadd.s32 s0, s3;
	s0 =	sld [smem:$0x3FAA]  }
0x30: {  	s3 =	sld [smem:$0x3FAD]  }
0x31: {  	[smem:$0x3FB6] =	sst s10  }
0x32: {  	s10 =	sld [smem:$0x3FB4];
	_ =	sdelay $0x3  }
0x33: {  	p0 =	seq.s32 s10, $0x1;
	s10 =	sld [smem:$0x3FB6];
	_ =	sdelay $0x3  }
0x34: {  	[smem:$0x3FB6] =	sst s10  }
0x35: {  	s10 =	sld [smem:$0x3FB5];
	_ =	sdelay $0x3  }
0x36: {  	p1 =	seq.s32 s10, $0x1;
	s10 =	sld [smem:$0x3FB6];
	_ =	sdelay $0x3  }
0x37: {  	[smem:$0x3FB6] =	sst s10  }
0x38: {  	s10 =	sld [smem:$0x3FB7]  }
0x39: {  	_ = 	snop;
	(pc) =	sbr.ind lr, $3  }
0x3a: {  	_ = 	snop  }
0x3b: {  	_ = 	snop  }
0x3c: {  	p2 =	seq.s32 s10, $0x1;
	s10 =	sld [smem:$0x3FB6]  }
0x3d: {  	_ =	shalt  }
0x3e: {  	_ =	shalt  }
0x3f: {  	_ =	shalt  }
0x40: {  	_ =	shalt  }
0x41: {  	_ =	shalt  }
0x42: {  	_ =	shalt  }
0x43: {  	_ =	shalt  }
0x44: {  	_ =	shalt  }
0x45: {  	_ =	shalt  }
0x46: {  	_ =	shalt  }
0x47: {  	_ =	shalt  }
0x48: {  	_ =	shalt  }
0x49: {  	_ =	shalt  }
0x4a: {  	_ =	shalt  }
0x4b: {  	_ =	shalt  }
0x4c: {  	_ =	shalt  }
0x4d: {  	_ =	shalt  }
0x4e: {  	_ =	shalt  }
0x4f: {  	_ =	shalt  }
0x50: {  	_ =	shalt  }
0x51: {  	_ =	shalt  }
0x52: {  	_ =	shalt  }
0x53: {  	_ =	shalt  }
0x54: {  	_ =	shalt  }
0x55: {  	_ =	shalt  }
0x56: {  	_ =	shalt  }
0x57: {  	_ =	shalt  }
0x58: {  	_ =	shalt  }
0x59: {  	_ =	shalt  }
0x5a: {  	_ =	shalt  }
0x5b: {  	_ =	shalt  }
0x5c: {  	_ =	shalt  }
0x5d: {  	_ =	shalt  }
0x5e: {  	_ =	shalt  }
0x5f: {  	_ =	shalt  }
0x60: {  	_ =	shalt  }
0x61: {  	_ =	shalt  }
0x62: {  	_ =	shalt  }
0x63: {  	_ =	shalt  }
0x64: {  	_ =	shalt  }
0x65: {  	_ =	shalt  }
0x66: {  	_ =	shalt  }
0x67: {  	_ =	shalt  }
0x68: {  	_ =	shalt  }
0x69: {  	_ =	shalt  }
0x6a: {  	_ =	shalt  }
0x6b: {  	_ =	shalt  }
0x6c: {  	_ =	shalt  }
0x6d: {  	_ =	shalt  }
0x6e: {  	_ =	shalt  }
0x6f: {  	_ =	shalt  }
0x70: {  	_ =	shalt  }
0x71: {  	_ =	shalt  }
0x72: {  	_ =	shalt  }
0x73: {  	_ =	shalt  }
0x74: {  	_ =	shalt  }
0x75: {  	_ =	shalt  }
0x76: {  	_ =	shalt  }
0x77: {  	_ =	shalt  }
0x78: {  	_ =	shalt  }
0x79: {  	_ =	shalt  }
0x7a: {  	_ =	shalt  }
0x7b: {  	_ =	shalt  }
0x7c: {  	_ =	shalt  }
0x7d: {  	_ =	shalt  }
0x7e: {  	_ =	shalt  }
0x7f: {  	_ =	shalt  }
0x80: {  	_ =	shalt  }
0x81: {  	_ =	shalt  }
0x82: {  	_ =	shalt  }
0x83: {  	_ =	shalt  }
0x84: {  	_ =	shalt  }
0x85: {  	_ =	shalt  }
0x86: {  	_ =	shalt  }
0x87: {  	_ =	shalt  }
.Lfunc_end0:
.L_simem_size_0:
called_computation_lowered:
.L_overlay_start_0:
0x88: {  	s2 =	sld [smem:$0x3FD9]  }
0x89: {  	s3 =	sld [smem:$0x3FFE];
	_ =	sdelay $0x1  }
0x8a: {  	s1 =	srdreg.scid  }
0x8b: {  	s0 =	sand.u32 $0x1, s1  }
0x8c: {  	s14 =	sshll.u32 s0, $0xA;
	s2 =	sadd.s32 s3, s2  }
0x8d: {  	s2 =	sadd.s32 s2, s14  }
0x8e: {  	[smem:$0x3FC2] =	sst s2  }
0x8f: {  	_ = 	snop  }
0x90: {  	s2 =	sld [smem:$0x3FD0];
	_ =	sdelay $0x1  }
0x91: {  	s15 =	sld [smem:$0x3FC8]  }
0x92: {  	s5 =	simm.s32 $0xA;
	s6 =	simm.s32 $0x10;
	s4 =	sld [smem:$0x3FC6]  }
0x93: {  	[smem:s6], [sflag:s5] =	dma.local [hbm:s2], $0x1  }
0x94: {  	_ =	swait.eq [sflag:s5], $0x1  }
0x95: {  	[sflag:s5] =	ssyncset.done $0x0  }
0x96: {  	[sflag:s5] =	ssyncadd.s32 $0xFFFFFFFF  }
0x97: {  	s16 =	sld [smem:$0x11];
	(tm) =	ssettm $0x1  }
0x98: {  	s17 =	sld [smem:$0x3FFB];
	_ =	sdelay $0x3  }
0x99: {  	_ =	strace s17  }
0x9a: {  	s5 =	sld [smem:$0x3FFC];
	_ =	sdelay $0x3  }
0x9b: {  	_ =	strace s5  }
0x9c: {  	s5 =	sld [smem:$0x3FFD];
	_ =	sdelay $0x3  }
0x9d: {  	_ =	strace s5  }
0x9e: {  	_ =	strace $0x8FFFFFFF  }
0x9f: {  	s18 =	sld [smem:$0x3FDB];
	_ =	sdelay $0x1  }
0xa0: {  	s19 =	simm.s32 $_scs_section_size  }
0xa1: {  	s7 =	simm.s32 $_size__tile_overlayer_lowered;
	s8 =	simm.s32 $_tile_overlayer_lowered  }
0xa2: {  	s22 =	simm.s32 $0x1BFF;
	s21 =	sshll.u32 s8, $0x1;
	s5 =	sadd.s32 s19, s18  }
0xa3: {  	s9 =	simm.s32 $0x0;
	s20 =	sshll.u32 s7, $0x1;
	s7 =	sadd.s32 s21, s5  }
0xa4: {  	[timem:s9], [sflag:s22] =	dma.local [hbm:s7], s20  }
0xa5: {  	_ =	swait.ge [sflag:s22], s20  }
0xa6: {  	s6 =	ssub.s32 $0x0, s20;
	[sflag:s22] =	ssyncset.done $0x0  }
0xa7: {  	[sflag:s22] =	ssyncadd.s32 s6;
	_ =	sdelay $0x1  }
0xa8: {  	s23 =	simm.s32 $0x1B8B  }
0xa9: {  	_ =	swait.ge [sflag:s23], $0x1  }
0xaa: {  	[sflag:s23] =	ssyncset.done $0x0  }
0xab: {  	s25 =	simm.s32 $0x1B8E;
	s24 =	sld [smem:$0x3FFE];
	[sflag:s23] =	ssyncadd.s32 $0xFFFFFFFF  }
0xac: {  	s26 =	simm.s32 $execute0_lowered;
	[smem:$0x3FD2] =	sst s25  }
0xad: {  	s7 =	sshll.u32 s26, $0x1;
	_ =	strace $0x80000046;
	[dreg:$0x1] =	wrdreg $0xFFFFFFFF  }
0xae: {  	s28 =	simm.s32 $_size_execute0_lowered;
	s5 =	sadd.s32 s5, s7;
	[dreg:$0x0] =	wrdreg $0x0  }
0xaf: {  	s7 =	sshll.u32 s28, $0x1;
	[dreg:$0x2] =	wrdreg s5  }
0xb0: {  	[dreg:$0x3] =	wrdreg s7  }
0xb1: {  	[dreg:$0x4] =	wrdreg $0xC0  }
0xb2: {  	_ =	task [dreg:s9], $0x5FFFF  }
0xb3: {  	[dreg:$0x1] =	wrdreg $0xFFFFFFFF  }
0xb4: {  	[dreg:$0x0] =	wrdreg $0x60  }
0xb5: {  	[dreg:$0x2] =	wrdreg s15  }
0xb6: {  	[dreg:$0x3] =	wrdreg s4  }
0xb7: {  	[dreg:$0x4] =	wrdreg s24  }
0xb8: {  	[dreg:$0x5] =	wrdreg s16  }
0xb9: {  	[dreg:$0x6] =	wrdreg $0x9  }
0xba: {  	_ =	task.clear_ibuf [dreg:s9], $0x7FFFF;
	_ =	strace $0x90000046  }
0xbb: {  	s29 =	simm.s32 $0x9;
	_ =	strace $0x80000048  }
0xbc: {  	_ =	swait.ge [sflag:s29], $0x1  }
0xbd: {  	[sflag:s29] =	ssyncadd.s32 $0xFFFFFFFF  }
0xbe: {  	_ =	strace $0x90000048  }
0xbf: {  	_ =	sfence  }
0xc0: {  	s30 =	sld [smem:$0x0];
	_ =	sdelay $0x2  }
0xc1: {  	s31 =	sshll.u32 s1, $0xD;
	s1 =	sshrl.u32 s1, $0x2  }
0xc2: {  	s3 =	sand.u32 $0x4000, s31;
	s1 =	sadd.s32 s1, s30  }
0xc3: {  	s0 =	sor.u32 s3, s0;
	s1 =	sshll.u32 s1, $0x11  }
0xc4: {  	s0 =	sor.u32 s1, s0  }
0xc5: {  	s0 =	sadd.s32 $0x8F2B, s0  }
0xc6: {  	[sflag:s0] =	ssyncadd.remote.s32 $0x1  }
0xc7: {  	_ =	sfence.sel $0xFFFF  }
0xc8: {  	[dreg:$0x0] =	wrdreg $0xFFFFFFFF;
	(pc) =	sbr.abs _section_cstart, $3  }
0xc9: {  	[dreg:$0x1] =	wrdreg $0xFFFFFFFF  }
0xca: {  	_ =	task.clear_ibuf [dreg:s9], $0x2FFFF;
	_ =	strace $0x9FFFFFFF  }
0xcb: {  	(tm) =	ssettm $0x7FFFFFFF  }
tec
execute0_lowered:
.L_overlay_start_1:
0x0: {  	(tag) =	ssettag $0x1  }
0x1: {  	s31 =	rddreg [dreg:$0x0]  }
0x2: {  	s6 =	rddreg [dreg:$0x1]  }
0x3: {  	s0 =	rddreg [dreg:$0x2]  }
0x4: {  	s1 =	srdreg.scid;
	s5 =	stileid.u32  }
0x5: {  	s7 =	rddreg [dreg:$0x3];
	s1 =	sand.u32 $0x1, s1;
	s2 =	sshll.u32 s5, $0x1  }
0x6: {  	s3 =	simm.s32 $0x0;
	s17 =	simm.s32 $0xC00;
	s8 =	sor.u32 s1, s2  }
0x7: {  	[smem:$0x7FF] =	sst s3;
	s0 =	sadd.s32 $0xA00, s0;
	s2 =	smul.u32 $0xA0, s8  }
0x8: {  	s1 =	ssub.s32 $0x2, s1;
	_ =	strace $0x80000047;
	s4 =	smul.u32 $0x500, s8  }
0x9: {  	[dreg:$0x6] =	wrdreg s0;
	s21 =	sshrl.u32 s1, $0x1;
	s23 =	smul.u32 $0x2800, s8  }
0xa: {  	[dreg:$0x5] =	wrdreg s8;
	s26 =	sor.u32 $0x40, s8;
	s22 =	ssub.s32 s1, s21  }
0xb: {  	v0 =	vlaneseq.u32;
	[dreg:$0x9] =	wrdreg s26;
	s2 =	sadd.s32 s6, s2;
	s24 =	sadd.s32 s31, s4  }
0xc: {  	v1 =	vadd.s32 $0x11, v0;
	v2 =	vadd.s32 $0x22, v0;
	v3 =	vadd.s32 $0x33, v0;
	s25 =	sadd.s32 $0x46000, s4;
	s1 =	sshrl.u32 s23, $0x3;
	[dreg:$0x7] =	wrdreg s2  }
0xd: {  	v4 =	vadd.s32 $0x44, v0;
	v5 =	vadd.s32 $0x55, v0;
	v6 =	vadd.s32 $0x66, v0;
	s0 =	smax.u32 s22, $0x1;
	[dreg:$0x8] =	wrdreg s24;
	s28 =	sshrl.u32 s25, $0x3  }
.Ltmp0:
0xe: {  	v7 =	vadd.s32 $0x77, v0;
	v8 =	vadd.s32 $0x88, v0;
	v9 =	vadd.s32 $0x99, v0;
	s2 =	sadd.s32 s31, s25;
	[dreg:$0xe] =	wrdreg s0;
	(pc) =	sbr.rel .LBB2_1-.Ltmp0, $4  }
0xf: {  	v10 =	vadd.s32 $0xAA, v0;
	v11 =	vadd.s32 $0xBB, v0;
	v12 =	vadd.s32 $0xCC, v0;
	s1 =	sadd.s32 s7, s1;
	s3 =	sadd.s32 s6, s28;
	[dreg:$0xb] =	wrdreg s2  }
0x10: {  	s30 =	simm.s32 $0x2800;
	v13 =	vadd.s32 $0xDD, v0;
	v14 =	vadd.s32 $0xEE, v0;
	v15 =	vadd.s32 $0xFF, v0;
	s29 =	sadd.s32 $0x3C000, s1;
	[dreg:$0xa] =	wrdreg s3  }
0x11: {  	p0 =	sgt.u32 s5, $0xC;
	v16 =	vor.u32 $0x110, v0;
	v17 =	vadd.s32 $0x121, v0;
	v18 =	vadd.s32 $0x132, v0;
	s1 =	sadd.s32 $0x46000, s1;
	[dreg:$0xc] =	wrdreg s29  }
0x12: {  	v19 =	vadd.s32 $0x143, v0;
	v20 =	vadd.s32 $0x154, v0;
	v21 =	vadd.s32 $0x165, v0;
	s4 =	simm.s32 $0x271000;
	[dreg:$0xd] =	wrdreg s1;
	s1 =	simm.s32 $0x0  }
.LBB2_13:
0x13: {  	s1 =	sadd.s32 $0x1, s1;
	s0 =	rddreg [dreg:$0xe]  }
0x14: {  	p1 =	sne.s32 s1, s0  }
.Ltmp1:
0x15: {  	_ = 	snop;
	(pc) =	sbr.rel @!p1 .LBB2_14-.Ltmp1, $1  }
0x16: {  	_ =	sdelay $0x3  }
.LBB2_1:
0x17: {  	[dreg:$0xf] =	wrdreg s1  }
0x18: {  	s0 =	simm.s32 $0x0;
	s24 =	rddreg [dreg:$0x6];
	s25 =	simm.s32 $0x7  }
0x19: {  	[tilespmem:s0], [sflag:$0x7] =	stream.linear.gather [hbm4b:s24+s0], $0xB00, $0x38;
	[tilespmem:$0x15780] =	vst v63  }
0x1a: {  	_ =	swait.ge [sflag:s25], $0xB00  }
0x1b: {  	[sflag:s25] =	ssyncset.done $0x0  }
0x1c: {  	[sflag:s25] =	ssyncadd.s32 $0xFFFFF500  }
0x1d: {  	v22 =	vld [tilespmem:$0x0];
	_ =	sdelay $0x4  }
0x1e: {  	[tilespmem:v0+s17+$0x0] =	vst.idx.msk $0xffff, v22  }
0x1f: {  	v22 =	vld [tilespmem:$0x80];
	_ =	sdelay $0x4  }
0x20: {  	[tilespmem:v1+s17+$0x0] =	vst.idx.msk $0xffff, v22  }
0x21: {  	v22 =	vld [tilespmem:$0x100];
	_ =	sdelay $0x4  }
0x22: {  	[tilespmem:v2+s17+$0x0] =	vst.idx.msk $0xffff, v22  }
0x23: {  	v22 =	vld [tilespmem:$0x180];
	_ =	sdelay $0x4  }
0x24: {  	[tilespmem:v3+s17+$0x0] =	vst.idx.msk $0xffff, v22  }
0x25: {  	v22 =	vld [tilespmem:$0x200];
	_ =	sdelay $0x4  }
0x26: {  	[tilespmem:v4+s17+$0x0] =	vst.idx.msk $0xffff, v22  }
0x27: {  	v22 =	vld [tilespmem:$0x280];
	_ =	sdelay $0x4  }
0x28: {  	[tilespmem:v5+s17+$0x0] =	vst.idx.msk $0xffff, v22  }
0x29: {  	v22 =	vld [tilespmem:$0x300];
	_ =	sdelay $0x4  }
0x2a: {  	[tilespmem:v6+s17+$0x0] =	vst.idx.msk $0xffff, v22  }
0x2b: {  	v22 =	vld [tilespmem:$0x380];
	_ =	sdelay $0x4  }
0x2c: {  	[tilespmem:v7+s17+$0x0] =	vst.idx.msk $0xffff, v22  }
0x2d: {  	v22 =	vld [tilespmem:$0x400];
	_ =	sdelay $0x4  }
0x2e: {  	[tilespmem:v8+s17+$0x0] =	vst.idx.msk $0xffff, v22  }
0x2f: {  	v22 =	vld [tilespmem:$0x480];
	_ =	sdelay $0x4  }
0x30: {  	[tilespmem:v9+s17+$0x0] =	vst.idx.msk $0xffff, v22  }
0x31: {  	v22 =	vld [tilespmem:$0x500];
	_ =	sdelay $0x4  }
0x32: {  	[tilespmem:v10+s17+$0x0] =	vst.idx.msk $0xffff, v22  }
0x33: {  	v22 =	vld [tilespmem:$0x580];
	_ =	sdelay $0x4  }
0x34: {  	[tilespmem:v11+s17+$0x0] =	vst.idx.msk $0xffff, v22  }
0x35: {  	v22 =	vld [tilespmem:$0x600];
	_ =	sdelay $0x4  }
0x36: {  	[tilespmem:v12+s17+$0x0] =	vst.idx.msk $0xffff, v22  }
0x37: {  	v22 =	vld [tilespmem:$0x680];
	_ =	sdelay $0x4  }
0x38: {  	[tilespmem:v13+s17+$0x0] =	vst.idx.msk $0xffff, v22  }
0x39: {  	v22 =	vld [tilespmem:$0x700];
	_ =	sdelay $0x4  }
0x3a: {  	[tilespmem:v14+s17+$0x0] =	vst.idx.msk $0xffff, v22  }
0x3b: {  	v22 =	vld [tilespmem:$0x780];
	_ =	sdelay $0x4  }
0x3c: {  	[tilespmem:v15+s17+$0x0] =	vst.idx.msk $0xffff, v22  }
0x3d: {  	v22 =	vld [tilespmem:$0x800];
	_ =	sdelay $0x4  }
0x3e: {  	[tilespmem:v16+s17+$0x0] =	vst.idx.msk $0xffff, v22  }
0x3f: {  	v22 =	vld [tilespmem:$0x880];
	_ =	sdelay $0x4  }
0x40: {  	[tilespmem:v17+s17+$0x0] =	vst.idx.msk $0xffff, v22  }
0x41: {  	v22 =	vld [tilespmem:$0x900];
	_ =	sdelay $0x4  }
0x42: {  	[tilespmem:v18+s17+$0x0] =	vst.idx.msk $0xffff, v22  }
0x43: {  	v22 =	vld [tilespmem:$0x980];
	_ =	sdelay $0x4  }
0x44: {  	[tilespmem:v19+s17+$0x0] =	vst.idx.msk $0xffff, v22  }
0x45: {  	v22 =	vld [tilespmem:$0xA00];
	_ =	sdelay $0x4  }
0x46: {  	[tilespmem:v20+s17+$0x0] =	vst.idx.msk $0xffff, v22  }
0x47: {  	v22 =	vld [tilespmem:$0xA80];
	_ =	sdelay $0x4  }
0x48: {  	s2 =	simm.s32 $0xD80;
	s26 =	rddreg [dreg:$0x7];
	[tilespmem:v21+s17+$0x0] =	vst.idx.msk $0xffff, v22  }
0x49: {  	[tilespmem:s2], [sflag:$0x1] =	stream.linear.gather [hbm4b:s26+s0], $0x500, $0x38;
	[tilespmem:$0x15780] =	vst v63  }
0x4a: {  	s29 =	simm.s32 $0x6780;
	s14 =	simm.s32 $0x0;
	s28 =	rddreg [dreg:$0x8]  }
0x4b: {  	[tilespmem:s29], [sflag:$0x3] =	stream.strided.gather [hbm4b:s28+s30], $0x5000, s4, s30, $0x38;
	[tilespmem:$0x15780] =	vst v63  }
.LBB2_2:
0x4c: {  	p1 =	seq.s32 s14, $0x0;
	s2 =	sshll.u32 s14, $0x6;
	s1 =	rddreg [dreg:$0x5]  }
0x4d: {  	s0 =	simm.s32 @!p1 $0x6;
	[dreg:$0x11] =	wrdreg s2  }
0x4e: {  	s8 =	sor.u32 s2, s1;
	_ =	swait.ge @!p1 [sflag:s0], $0xA000  }
0x4f: {  	s1 =	sor.u32 $0x20, s8;
	[sflag:s0] =	ssyncset.done @!p1 $0x0  }
0x50: {  	s25 =	smul.u32 $0xA0, s1;
	[sflag:s0] =	ssyncadd.s32 @!p1 $0xFFFF6000  }
0x51: {  	s3 =	simm.s32 $0x0;
	s29 =	simm.s32 $0x1280;
	s0 =	rddreg [dreg:$0x1]  }
0x52: {  	s5 =	simm.s32 $0x1;
	s26 =	smul.u32 $0x500, s1;
	s0 =	sadd.s32 s0, s25  }
0x53: {  	[tilespmem:s29], [sflag:$0x2] =	stream.linear.gather [hbm4b:s0+s3], $0x500, $0x38;
	[tilespmem:$0x15780] =	vst v63  }
0x54: {  	s2 =	simm.s32 $0x10780;
	[dreg:$0x10] =	wrdreg s26;
	s1 =	sadd.s32 s31, s26  }
0x55: {  	[tilespmem:s2], [sflag:$0x4] =	stream.strided.gather [hbm4b:s1+s30], $0x5000, s4, s30, $0x38;
	[tilespmem:$0x15780] =	vst v63  }
0x56: {  	s21 =	sand.u32 $0x60, s3;
	_ =	swait.ge [sflag:s5], $0x500  }
0x57: {  	s6 =	sand.u32 $0x780, s3;
	s26 =	sor.u32 $0x10, s21;
	[sflag:s5] =	ssyncset.done $0x0  }
0x58: {  	s0 =	sor.u32 s26, s6;
	[sflag:s5] =	ssyncadd.s32 $0xFFFFFB00  }
0x59: {  	v22 =	vld [tilespmem:s0+$0xD80];
	_ =	sdelay $0x1  }
0x5a: {  	s7 =	simm.s32 $0xD80  }
0x5b: {  	v23 =	vld [tilespmem:s7+$0x0];
	_ =	sdelay $0x1  }
0x5c: {  	v29 =	vmul.u32 $0x11, v22;
	_ =	sdelay $0x2  }
0x5d: {  	v24 =	vmul.u32 $0x11, v23;
	_ =	sdelay $0x2  }
0x5e: {  	v22 =	vld.idx.msk [tilespmem:v29+s17+$0x0], $0xffff  }
0x5f: {  	v23 =	vadd.s32 $0x1, v29  }
0x60: {  	s1 =	sand.u32 $0x3C00, s3  }
0x61: {  	s9 =	sadd.s32 $0x1780, s1;
	v25 =	vld.idx.msk [tilespmem:v24+s17+$0x0], $0xffff  }
0x62: {  	s10 =	sor.u32 s26, s9;
	v26 =	vadd.s32 $0x1, v24  }
0x63: {  	[tilespmem:s10+$0x0] =	vst v22  }
0x64: {  	v22 =	vld.idx.msk [tilespmem:v23+s17+$0x0], $0xffff  }
0x65: {  	s6 =	sor.u32 s21, s9;
	v23 =	vadd.s32 $0x2, v29  }
0x66: {  	[tilespmem:s6+$0x0] =	vst v25  }
0x67: {  	v25 =	vld.idx.msk [tilespmem:v26+s17+$0x0], $0xffff  }
0x68: {  	v26 =	vadd.s32 $0x2, v24  }
0x69: {  	[tilespmem:s10+$0x80] =	vst v22  }
0x6a: {  	v22 =	vld.idx.msk [tilespmem:v23+s17+$0x0], $0xffff  }
0x6b: {  	s13 =	simm.s32 $0x20;
	v23 =	vadd.s32 $0x3, v29  }
0x6c: {  	s11 =	sand.u32 $0x60, s13;
	[tilespmem:s6+$0x80] =	vst v25  }
0x6d: {  	s9 =	sor.u32 $0x10, s11;
	s0 =	sand.u32 $0x780, s13;
	v25 =	vld.idx.msk [tilespmem:v26+s17+$0x0], $0xffff  }
0x6e: {  	s0 =	sor.u32 s9, s0;
	v26 =	vadd.s32 $0x3, v24  }
0x6f: {  	v27 =	vld [tilespmem:s0+$0xD80];
	[tilespmem:s10+$0x100] =	vst v22  }
0x70: {  	v22 =	vld.idx.msk [tilespmem:v23+s17+$0x0], $0xffff  }
0x71: {  	s15 =	simm.s32 $0xDA0;
	v28 =	vadd.s32 $0x4, v29  }
0x72: {  	v30 =	vld [tilespmem:s15+$0x0];
	[tilespmem:s6+$0x100] =	vst v25  }
0x73: {  	v25 =	vld.idx.msk [tilespmem:v26+s17+$0x0], $0xffff  }
0x74: {  	v26 =	vadd.s32 $0x4, v24  }
0x75: {  	v23 =	vmul.u32 $0x11, v27;
	[tilespmem:s10+$0x180] =	vst v22  }
0x76: {  	v27 =	vld.idx.msk [tilespmem:v28+s17+$0x0], $0xffff  }
0x77: {  	v28 =	vadd.s32 $0x5, v29  }
0x78: {  	v22 =	vmul.u32 $0x11, v30;
	[tilespmem:s6+$0x180] =	vst v25  }
0x79: {  	v25 =	vld.idx.msk [tilespmem:v26+s17+$0x0], $0xffff  }
0x7a: {  	v26 =	vadd.s32 $0x5, v24  }
0x7b: {  	v30 =	vld.idx.msk [tilespmem:v23+s17+$0x0], $0xffff;
	[tilespmem:s10+$0x200] =	vst v27  }
0x7c: {  	s16 =	simm.s32 $0x100;
	v27 =	vld.idx.msk [tilespmem:v28+s17+$0x0], $0xffff;
	v28 =	vadd.s32 $0x1, v23  }
0x7d: {  	s12 =	sand.u32 $0x3C00, s16;
	v31 =	vadd.s32 $0x6, v29  }
0x7e: {  	s0 =	sadd.s32 $0x1780, s12;
	v32 =	vld.idx.msk [tilespmem:v22+s17+$0x0], $0xffff;
	[tilespmem:s6+$0x200] =	vst v25  }
0x7f: {  	s2 =	sor.u32 s9, s0;
	v25 =	vld.idx.msk [tilespmem:v26+s17+$0x0], $0xffff;
	v26 =	vadd.s32 $0x1, v22  }
0x80: {  	[tilespmem:s2+$0x0] =	vst v30;
	v30 =	vadd.s32 $0x6, v24  }
0x81: {  	v28 =	vld.idx.msk [tilespmem:v28+s17+$0x0], $0xffff;
	[tilespmem:s10+$0x280] =	vst v27  }
0x82: {  	s3 =	sand.u32 $0x3, s3;
	s0 =	sor.u32 s11, s0;
	v27 =	vld.idx.msk [tilespmem:v31+s17+$0x0], $0xffff;
	v31 =	vadd.s32 $0x2, v23  }
0x83: {  	s3 =	sshll.u32 s3, $0x5;
	v57 =	vadd.s32 $0x7, v29;
	[tilespmem:s0+$0x0] =	vst v32  }
0x84: {  	s3 =	sadd.s32 $0x0, s3;
	v26 =	vld.idx.msk [tilespmem:v26+s17+$0x0], $0xffff;
	[tilespmem:s6+$0x280] =	vst v25  }
0x85: {  	s18 =	sadd.s32 $0x10, s3;
	v25 =	vld.idx.msk [tilespmem:v30+s17+$0x0], $0xffff;
	v30 =	vadd.s32 $0x2, v22  }
0x86: {  	s19 =	sor.u32 $0x300, s18;
	[tilespmem:s2+$0x80] =	vst v28;
	v28 =	vadd.s32 $0x7, v24  }
0x87: {  	v31 =	vld.idx.msk [tilespmem:v31+s17+$0x0], $0xffff;
	[tilespmem:s19+$0x1780] =	vst v27  }
0x88: {  	s20 =	simm.s32 $0x40;
	v58 =	vadd.s32 $0x3, v23;
	v27 =	vld.idx.msk [tilespmem:v57+s17+$0x0], $0xffff  }
0x89: {  	s13 =	sand.u32 $0x60, s20;
	s10 =	sor.u32 $0x300, s3;
	[tilespmem:s0+$0x80] =	vst v26;
	v26 =	vadd.s32 $0x8, v29  }
0x8a: {  	s15 =	sor.u32 $0x10, s13;
	s6 =	sand.u32 $0x780, s20;
	v30 =	vld.idx.msk [tilespmem:v30+s17+$0x0], $0xffff;
	[tilespmem:s10+$0x1780] =	vst v25  }
0x8b: {  	s6 =	sor.u32 s15, s6;
	v25 =	vld.idx.msk [tilespmem:v28+s17+$0x0], $0xffff;
	v28 =	vadd.s32 $0x3, v22  }
0x8c: {  	s4 =	sor.u32 $0x380, s18;
	v33 =	vld [tilespmem:s6+$0xD80];
	[tilespmem:s2+$0x100] =	vst v31;
	v31 =	vadd.s32 $0x8, v24  }
0x8d: {  	v32 =	vld.idx.msk [tilespmem:v58+s17+$0x0], $0xffff;
	[tilespmem:s4+$0x1780] =	vst v27  }
0x8e: {  	s22 =	simm.s32 $0xDC0;
	v27 =	vadd.s32 $0x4, v23;
	v26 =	vld.idx.msk [tilespmem:v26+s17+$0x0], $0xffff  }
0x8f: {  	v34 =	vld [tilespmem:s22+$0x0];
	s3 =	sor.u32 $0x380, s3;
	[tilespmem:s0+$0x100] =	vst v30;
	v30 =	vadd.s32 $0x9, v29  }
0x90: {  	v28 =	vld.idx.msk [tilespmem:v28+s17+$0x0], $0xffff;
	[tilespmem:s3+$0x1780] =	vst v25  }
0x91: {  	s23 =	sadd.s32 $0x3F80, s1;
	v35 =	vadd.s32 $0x4, v22;
	v31 =	vld.idx.msk [tilespmem:v31+s17+$0x0], $0xffff  }
0x92: {  	s24 =	sor.u32 s26, s23;
	v59 =	vadd.s32 $0x9, v24;
	v25 =	vmul.u32 $0x11, v33;
	[tilespmem:s2+$0x180] =	vst v32  }
0x93: {  	v27 =	vld.idx.msk [tilespmem:v27+s17+$0x0], $0xffff;
	[tilespmem:s24+$0x0] =	vst v26  }
0x94: {  	v60 =	vadd.s32 $0x5, v23;
	s19 =	simm.s32 $0xDE0;
	v30 =	vld.idx.msk [tilespmem:v30+s17+$0x0], $0xffff  }
0x95: {  	v38 =	vld [tilespmem:s19+$0x0];
	s3 =	sor.u32 s21, s23;
	v26 =	vmul.u32 $0x11, v34;
	[tilespmem:s0+$0x180] =	vst v28;
	v28 =	vadd.s32 $0xA, v29  }
0x96: {  	v61 =	vld.idx.msk [tilespmem:v35+s17+$0x0], $0xffff;
	[tilespmem:s3+$0x0] =	vst v31  }
0x97: {  	s25 =	sor.u32 $0x4000, s1;
	v62 =	vadd.s32 $0x5, v22;
	v31 =	vld.idx.msk [tilespmem:v59+s17+$0x0], $0xffff  }
0x98: {  	s29 =	sor.u32 s26, s25;
	v63 =	vld.idx.msk [tilespmem:v25+s17+$0x0], $0xffff;
	[tilespmem:s2+$0x200] =	vst v27;
	v27 =	vadd.s32 $0xA, v24  }
0x99: {  	s22 =	simm.s32 $0x200;
	v33 =	vld.idx.msk [tilespmem:v60+s17+$0x0], $0xffff;
	[tilespmem:s29+$0x0] =	vst v30;
	v30 =	vadd.s32 $0x1, v25  }
0x9a: {  	s16 =	sand.u32 $0x3C00, s22;
	v36 =	vadd.s32 $0x6, v23;
	v28 =	vld.idx.msk [tilespmem:v28+s17+$0x0], $0xffff  }
0x9b: {  	s5 =	sadd.s32 $0x1780, s16;
	v40 =	vadd.s32 $0xB, v29;
	s3 =	sor.u32 s21, s25;
	v37 =	vld.idx.msk [tilespmem:v26+s17+$0x0], $0xffff;
	[tilespmem:s0+$0x200] =	vst v61  }
0x9c: {  	s6 =	sor.u32 s15, s5;
	v32 =	vld.idx.msk [tilespmem:v62+s17+$0x0], $0xffff;
	[tilespmem:s3+$0x0] =	vst v31;
	v31 =	vadd.s32 $0x1, v26  }
0x9d: {  	s7 =	sor.u32 $0x4080, s1;
	v41 =	vadd.s32 $0x6, v22;
	[tilespmem:s6+$0x0] =	vst v63;
	v27 =	vld.idx.msk [tilespmem:v27+s17+$0x0], $0xffff  }
0x9e: {  	s18 =	simm.s32 $0x1;
	v42 =	vadd.s32 $0xB, v24;
	s10 =	sor.u32 s26, s7;
	v30 =	vld.idx.msk [tilespmem:v30+s17+$0x0], $0xffff;
	[tilespmem:s2+$0x280] =	vst v33  }
0x9f: {  	s31 =	sor.u32 s13, s5;
	s2 =	sand.u32 $0x3, s18;
	v33 =	vld.idx.msk [tilespmem:v36+s17+$0x0], $0xffff;
	[tilespmem:s10+$0x0] =	vst v28;
	v28 =	vadd.s32 $0x2, v25  }
0xa0: {  	v43 =	vadd.s32 $0x7, v23;
	[tilespmem:s31+$0x0] =	vst v37;
	s2 =	sshll.u32 s2, $0x5;
	v34 =	vld.idx.msk [tilespmem:v40+s17+$0x0], $0xffff  }
0xa1: {  	v44 =	vadd.s32 $0xC, v29;
	s3 =	sor.u32 s21, s7;
	s2 =	sadd.s32 $0x100, s2;
	v31 =	vld.idx.msk [tilespmem:v31+s17+$0x0], $0xffff;
	[tilespmem:s0+$0x280] =	vst v32  }
0xa2: {  	s20 =	sadd.s32 $0x10, s2;
	v35 =	vld.idx.msk [tilespmem:v41+s17+$0x0], $0xffff;
	[tilespmem:s3+$0x0] =	vst v27  }
0xa3: {  	s24 =	sor.u32 $0x4100, s1;
	s18 =	simm.s32 $0x60;
	v27 =	vadd.s32 $0x2, v26;
	s23 =	sor.u32 $0x300, s20;
	[tilespmem:s6+$0x80] =	vst v30;
	v30 =	vld.idx.msk [tilespmem:v42+s17+$0x0], $0xffff  }
0xa4: {  	v45 =	vadd.s32 $0x7, v22;
	s25 =	sor.u32 s26, s24;
	s0 =	sand.u32 $0x60, s18;
	v28 =	vld.idx.msk [tilespmem:v28+s17+$0x0], $0xffff;
	[tilespmem:s23+$0x1780] =	vst v33  }
0xa5: {  	v48 =	vadd.s32 $0xC, v24;
	s3 =	sor.u32 $0x10, s0;
	s23 =	sand.u32 $0x780, s18;
	v33 =	vld.idx.msk [tilespmem:v43+s17+$0x0], $0xffff;
	[tilespmem:s25+$0x0] =	vst v34  }
0xa6: {  	v46 =	vadd.s32 $0x3, v25;
	s29 =	sor.u32 s3, s23;
	v32 =	vld.idx.msk [tilespmem:v44+s17+$0x0], $0xffff  }
0xa7: {  	s19 =	sor.u32 $0x300, s2;
	[tilespmem:s31+$0x80] =	vst v31;
	v31 =	vadd.s32 $0x8, v23;
	v39 =	vld [tilespmem:s29+$0xD80]  }
0xa8: {  	v47 =	vadd.s32 $0xD, v29;
	s10 =	sor.u32 s21, s24;
	v27 =	vld.idx.msk [tilespmem:v27+s17+$0x0], $0xffff;
	[tilespmem:s19+$0x1780] =	vst v35  }
0xa9: {  	v40 =	vadd.s32 $0x3, v26;
	v36 =	vld.idx.msk [tilespmem:v45+s17+$0x0], $0xffff;
	[tilespmem:s10+$0x0] =	vst v30  }
0xaa: {  	v49 =	vadd.s32 $0x8, v22;
	s5 =	sor.u32 $0x4180, s1;
	s4 =	sor.u32 $0x380, s20;
	[tilespmem:s6+$0x100] =	vst v28;
	v28 =	vmul.u32 $0x11, v38;
	v37 =	vld.idx.msk [tilespmem:v48+s17+$0x0], $0xffff  }
0xab: {  	s7 =	sor.u32 s26, s5;
	v34 =	vld.idx.msk [tilespmem:v46+s17+$0x0], $0xffff;
	[tilespmem:s4+$0x1780] =	vst v33  }
0xac: {  	v41 =	vadd.s32 $0xD, v24;
	v31 =	vld.idx.msk [tilespmem:v31+s17+$0x0], $0xffff;
	[tilespmem:s7+$0x0] =	vst v32  }
0xad: {  	v50 =	vadd.s32 $0x4, v25;
	s2 =	sor.u32 $0x380, s2;
	v51 =	vld.idx.msk [tilespmem:v47+s17+$0x0], $0xffff;
	[tilespmem:s31+$0x100] =	vst v27  }
0xae: {  	v52 =	vadd.s32 $0x9, v23;
	v40 =	vld.idx.msk [tilespmem:v40+s17+$0x0], $0xffff;
	[tilespmem:s2+$0x1780] =	vst v36  }
0xaf: {  	v53 =	vadd.s32 $0xE, v29;
	s19 =	sor.u32 s21, s5;
	v27 =	vmul.u32 $0x11, v39;
	v38 =	vld.idx.msk [tilespmem:v49+s17+$0x0], $0xffff  }
0xb0: {  	s10 =	sadd.s32 $0x3F80, s12;
	[tilespmem:s19+$0x0] =	vst v37;
	v30 =	vld.idx.msk [tilespmem:v28+s17+$0x0], $0xffff  }
0xb1: {  	v42 =	vadd.s32 $0x4, v26;
	s23 =	sor.u32 $0x4200, s1;
	s20 =	sor.u32 s9, s10;
	[tilespmem:s6+$0x180] =	vst v34;
	v37 =	vld.idx.msk [tilespmem:v41+s17+$0x0], $0xffff  }
0xb2: {  	v54 =	vadd.s32 $0x9, v22;
	s24 =	sor.u32 s26, s23;
	v32 =	vld.idx.msk [tilespmem:v50+s17+$0x0], $0xffff;
	[tilespmem:s20+$0x0] =	vst v31  }
0xb3: {  	v55 =	vadd.s32 $0x5, v25;
	v31 =	vld.idx.msk [tilespmem:v52+s17+$0x0], $0xffff;
	[tilespmem:s24+$0x0] =	vst v51  }
0xb4: {  	v57 =	vadd.s32 $0xA, v23;
	s2 =	sor.u32 s11, s10;
	v56 =	vld.idx.msk [tilespmem:v53+s17+$0x0], $0xffff;
	[tilespmem:s31+$0x180] =	vst v40  }
0xb5: {  	v29 =	vadd.s32 $0xF, v29;
	s10 =	sor.u32 s21, s23;
	v60 =	vld.idx.msk [tilespmem:v27+s17+$0x0], $0xffff;
	[tilespmem:s2+$0x0] =	vst v38  }
0xb6: {  	v59 =	vadd.s32 $0xE, v24;
	s25 =	sor.u32 $0x4000, s12;
	v58 =	vld.idx.msk [tilespmem:v42+s17+$0x0], $0xffff;
	s2 =	simm.s32 $0x300;
	[tilespmem:s10+$0x0] =	vst v37  }
0xb7: {  	v61 =	vadd.s32 $0x5, v26;
	s29 =	sor.u32 s9, s25;
	s5 =	sor.u32 $0x4280, s1;
	v34 =	vld.idx.msk [tilespmem:v54+s17+$0x0], $0xffff;
	s23 =	sand.u32 $0x3C00, s2;
	[tilespmem:s6+$0x200] =	vst v32  }
0xb8: {  	v62 =	vadd.s32 $0xA, v22;
	s4 =	sor.u32 s11, s25;
	s7 =	sor.u32 s26, s5;
	s25 =	sadd.s32 $0x1780, s23;
	v33 =	vld.idx.msk [tilespmem:v55+s17+$0x0], $0xffff;
	[tilespmem:s29+$0x0] =	vst v31  }
0xb9: {  	v31 =	vadd.s32 $0x1, v27;
	s24 =	sor.u32 s3, s25;
	v36 =	vld.idx.msk [tilespmem:v57+s17+$0x0], $0xffff;
	[tilespmem:s7+$0x0] =	vst v56  }
0xba: {  	v63 =	vadd.s32 $0x6, v25;
	[tilespmem:s24+$0x0] =	vst v60;
	v43 =	vld.idx.msk [tilespmem:v29+s17+$0x0], $0xffff  }
0xbb: {  	v44 =	vadd.s32 $0xB, v23;
	[tilespmem:s31+$0x200] =	vst v58;
	v29 =	vld.idx.msk [tilespmem:v59+s17+$0x0], $0xffff  }
0xbc: {  	s20 =	sor.u32 $0x4080, s12;
	v35 =	vld.idx.msk [tilespmem:v61+s17+$0x0], $0xffff;
	[tilespmem:s4+$0x0] =	vst v34  }
0xbd: {  	v38 =	vadd.s32 $0x1, v28;
	s28 =	sor.u32 s0, s25;
	s25 =	sor.u32 s9, s20;
	v32 =	vld.idx.msk [tilespmem:v62+s17+$0x0], $0xffff;
	[tilespmem:s6+$0x280] =	vst v33  }
0xbe: {  	s1 =	sor.u32 $0x4300, s1;
	s30 =	sor.u32 s11, s20;
	s10 =	simm.s32 $0x6;
	v37 =	vld.idx.msk [tilespmem:v31+s17+$0x0], $0xffff;
	[tilespmem:s25+$0x0] =	vst v36;
	v36 =	vadd.s32 $0x6, v26  }
0xbf: {  	s29 =	sor.u32 s26, s1;
	s1 =	sor.u32 s21, s1;
	s6 =	simm.s32 $0x2;
	v31 =	vadd.s32 $0xB, v22;
	v34 =	vld.idx.msk [tilespmem:v63+s17+$0x0], $0xffff  }
0xc0: {  	v39 =	vadd.s32 $0x2, v27;
	s4 =	sor.u32 s21, s5;
	s21 =	simm.s32 $0xE00;
	s19 =	sand.u32 $0x3, s6;
	[tilespmem:s29+$0x0] =	vst v43;
	v33 =	vld.idx.msk [tilespmem:v44+s17+$0x0], $0xffff  }
.LBB2_3:
0xc1: {  	v40 =	vld [tilespmem:s21+$0x0];
	[tilespmem:s28+$0x0] =	vst v30;
	s19 =	sshll.u32 s19, $0x5;
	v30 =	vadd.s32 $0x7, v25;
	s26 =	smov.u32 s13;
	s13 =	smov.u32 s0  }
0xc2: {  	s29 =	smov.u32 s9;
	s9 =	smov.u32 s15;
	v38 =	vld.idx.msk [tilespmem:v38+s17+$0x0], $0xffff;
	s0 =	sadd.s32 s19, s22;
	[tilespmem:s31+$0x280] =	vst v35;
	v35 =	vadd.s32 $0xC, v23  }
0xc3: {  	v36 =	vld.idx.msk [tilespmem:v36+s17+$0x0], $0xffff;
	s20 =	sor.u32 $0x300, s0;
	s19 =	sor.u32 $0x380, s0;
	s5 =	sadd.s32 $0x10, s0;
	[tilespmem:s30+$0x0] =	vst v32;
	v32 =	vadd.s32 $0xF, v24;
	v24 =	vmovc v22;
	v22 =	vmov v26;
	v26 =	vmov v28  }
0xc4: {  	s15 =	smov.u32 s3;
	s22 =	sor.u32 $0x4100, s12;
	v28 =	vadd.s32 $0x2, v26;
	[tilespmem:s24+$0x80] =	vst v37;
	s0 =	sor.u32 $0x300, s5;
	v31 =	vld.idx.msk [tilespmem:v31+s17+$0x0], $0xffff  }
0xc5: {  	s7 =	sor.u32 s11, s22;
	v37 =	vld.idx.msk [tilespmem:v39+s17+$0x0], $0xffff;
	v39 =	vadd.s32 $0x7, v22;
	[tilespmem:s0+$0x1780] =	vst v34;
	s0 =	sor.u32 s29, s22;
	s22 =	smov.u32 s2  }
0xc6: {  	s25 =	smov.u32 s12;
	s12 =	smov.u32 s16;
	s16 =	smov.u32 s23;
	v30 =	vld.idx.msk [tilespmem:v30+s17+$0x0], $0xffff;
	[tilespmem:s0+$0x0] =	vst v33  }
0xc7: {  	s18 =	sadd.s32 $0x20, s18;
	s31 =	smov.u32 s28;
	s30 =	smov.u32 s24;
	v33 =	vadd.s32 $0x3, v27;
	v34 =	vld.idx.msk [tilespmem:v35+s17+$0x0], $0xffff;
	[tilespmem:s4+$0x0] =	vst v29  }
0xc8: {  	s0 =	sand.u32 $0x60, s18;
	v29 =	vadd.s32 $0x8, v25;
	[tilespmem:s31+$0x80] =	vst v38;
	v32 =	vld.idx.msk [tilespmem:v32+s17+$0x0], $0xffff  }
0xc9: {  	s3 =	sor.u32 $0x10, s0;
	s4 =	sand.u32 $0x780, s18;
	v35 =	vld.idx.msk [tilespmem:v28+s17+$0x0], $0xffff;
	[tilespmem:s20+$0x1780] =	vst v36;
	v36 =	vadd.s32 $0xD, v23  }
0xca: {  	s4 =	sor.u32 s3, s4;
	v38 =	vld.idx.msk [tilespmem:v39+s17+$0x0], $0xffff;
	[tilespmem:s7+$0x0] =	vst v31;
	v31 =	vadd.s32 $0xC, v24  }
0xcb: {  	s10 =	sadd.s32 $0x2, s10;
	v41 =	vadd.s32 $0x3, v26;
	v39 =	vld [tilespmem:s4+$0xD80];
	[tilespmem:s30+$0x100] =	vst v37;
	s4 =	sor.u32 $0x380, s5;
	s5 =	sor.u32 $0x4180, s25  }
0xcc: {  	p1 =	slt.u32 s10, $0x4E;
	v28 =	vmul.u32 $0x11, v40;
	v37 =	vadd.s32 $0x8, v22;
	v33 =	vld.idx.msk [tilespmem:v33+s17+$0x0], $0xffff;
	[tilespmem:s4+$0x1780] =	vst v30;
	s4 =	sor.u32 s11, s5;
	s5 =	sor.u32 s29, s5  }
0xcd: {  	v29 =	vld.idx.msk [tilespmem:v29+s17+$0x0], $0xffff;
	[tilespmem:s5+$0x0] =	vst v34  }
0xce: {  	v34 =	vadd.s32 $0x4, v27;
	v36 =	vld.idx.msk [tilespmem:v36+s17+$0x0], $0xffff;
	[tilespmem:s1+$0x0] =	vst v32  }
0xcf: {  	v32 =	vadd.s32 $0x9, v25;
	[tilespmem:s31+$0x100] =	vst v35;
	v31 =	vld.idx.msk [tilespmem:v31+s17+$0x0], $0xffff  }
0xd0: {  	v35 =	vld.idx.msk [tilespmem:v41+s17+$0x0], $0xffff;
	[tilespmem:s19+$0x1780] =	vst v38;
	v38 =	vadd.s32 $0xE, v23  }
0xd1: {  	v40 =	vadd.s32 $0xD, v24;
	s1 =	sadd.s32 $0x3F80, s12;
	v37 =	vld.idx.msk [tilespmem:v37+s17+$0x0], $0xffff  }
0xd2: {  	s7 =	sor.u32 $0x4200, s25;
	s5 =	sor.u32 s26, s1;
	s1 =	sor.u32 s9, s1;
	v41 =	vadd.s32 $0x4, v26;
	v30 =	vld.idx.msk [tilespmem:v28+s17+$0x0], $0xffff;
	[tilespmem:s30+$0x180] =	vst v33  }
0xd3: {  	v33 =	vmul.u32 $0x11, v39;
	v39 =	vadd.s32 $0x9, v22;
	v34 =	vld.idx.msk [tilespmem:v34+s17+$0x0], $0xffff;
	[tilespmem:s1+$0x0] =	vst v29;
	s1 =	sor.u32 s11, s7;
	s7 =	sor.u32 s29, s7  }
0xd4: {  	v29 =	vld.idx.msk [tilespmem:v32+s17+$0x0], $0xffff;
	[tilespmem:s7+$0x0] =	vst v36  }
0xd5: {  	v32 =	vadd.s32 $0x5, v27;
	[tilespmem:s4+$0x0] =	vst v31;
	v31 =	vld.idx.msk [tilespmem:v38+s17+$0x0], $0xffff  }
0xd6: {  	[tilespmem:s31+$0x180] =	vst v35;
	v35 =	vadd.s32 $0xA, v25;
	v36 =	vld.idx.msk [tilespmem:v40+s17+$0x0], $0xffff  }
0xd7: {  	v38 =	vld.idx.msk [tilespmem:v41+s17+$0x0], $0xffff;
	[tilespmem:s5+$0x0] =	vst v37;
	v37 =	vadd.s32 $0xF, v23;
	v23 =	vmovc v25;
	v25 =	vmov v27;
	v27 =	vmov v33  }
0xd8: {  	s4 =	sor.u32 $0x4000, s12;
	v40 =	vadd.s32 $0xE, v24;
	v39 =	vld.idx.msk [tilespmem:v39+s17+$0x0], $0xffff  }
0xd9: {  	s7 =	sor.u32 $0x4280, s25;
	v41 =	vadd.s32 $0x5, v26;
	s5 =	sor.u32 s26, s4;
	s4 =	sor.u32 s9, s4;
	v33 =	vld.idx.msk [tilespmem:v33+s17+$0x0], $0xffff;
	[tilespmem:s30+$0x200] =	vst v34  }
0xda: {  	v34 =	vld.idx.msk [tilespmem:v32+s17+$0x0], $0xffff;
	v32 =	vadd.s32 $0xA, v22;
	[tilespmem:s4+$0x0] =	vst v29;
	s4 =	sor.u32 s11, s7;
	s7 =	sor.u32 s29, s7  }
0xdb: {  	s2 =	sadd.s32 $0x100, s2;
	v42 =	vadd.s32 $0x1, v27;
	v43 =	vld.idx.msk [tilespmem:v35+s17+$0x0], $0xffff;
	[tilespmem:s7+$0x0] =	vst v31  }
0xdc: {  	s23 =	sand.u32 $0x3C00, s2;
	v31 =	vadd.s32 $0x6, v25;
	[tilespmem:s1+$0x0] =	vst v36;
	v44 =	vld.idx.msk [tilespmem:v37+s17+$0x0], $0xffff  }
0xdd: {  	v45 =	vadd.s32 $0xB, v23;
	s1 =	sadd.s32 $0x1780, s23;
	[tilespmem:s31+$0x200] =	vst v38;
	v29 =	vld.idx.msk [tilespmem:v40+s17+$0x0], $0xffff  }
.Ltmp2:
0xde: {  	s28 =	sor.u32 s0, s1;
	s24 =	sor.u32 s3, s1;
	v35 =	vld.idx.msk [tilespmem:v41+s17+$0x0], $0xffff;
	[tilespmem:s5+$0x0] =	vst v39;
	(pc) =	sbr.rel @p1 .LBB2_3-.Ltmp2, $4  }
0xdf: {  	v38 =	vadd.s32 $0x1, v28;
	s1 =	sor.u32 $0x4080, s12;
	[tilespmem:s24+$0x0] =	vst v33;
	v32 =	vld.idx.msk [tilespmem:v32+s17+$0x0], $0xffff  }
0xe0: {  	v36 =	vadd.s32 $0x6, v26;
	s5 =	sor.u32 $0x4300, s25;
	v37 =	vld.idx.msk [tilespmem:v42+s17+$0x0], $0xffff;
	[tilespmem:s30+$0x280] =	vst v34;
	s30 =	sor.u32 s26, s1;
	s1 =	sor.u32 s9, s1  }
0xe1: {  	s6 =	sadd.s32 $0x1, s6;
	v34 =	vld.idx.msk [tilespmem:v31+s17+$0x0], $0xffff;
	v31 =	vadd.s32 $0xB, v22;
	[tilespmem:s1+$0x0] =	vst v43;
	s1 =	sor.u32 s11, s5;
	s5 =	sor.u32 s29, s5  }
0xe2: {  	s21 =	sadd.s32 $0x20, s21;
	s19 =	sand.u32 $0x3, s6;
	v39 =	vadd.s32 $0x2, v27;
	s11 =	smov.u32 s26;
	v33 =	vld.idx.msk [tilespmem:v45+s17+$0x0], $0xffff;
	[tilespmem:s5+$0x0] =	vst v44  }
0xe3: {  	_ =	sdelay $0x2  }
0xe4: {  	[tilespmem:s28+$0x0] =	vst v30  }
0xe5: {  	v30 =	vld.idx.msk [tilespmem:v38+s17+$0x0], $0xffff  }
0xe6: {  	v52 =	vadd.s32 $0x2, v28;
	_ =	sdelay $0x2  }
0xe7: {  	[tilespmem:s24+$0x80] =	vst v37  }
0xe8: {  	v37 =	vld.idx.msk [tilespmem:v39+s17+$0x0], $0xffff;
	[tilespmem:s28+$0x80] =	vst v30  }
0xe9: {  	v30 =	vadd.s32 $0x3, v27;
	v38 =	vld.idx.msk [tilespmem:v52+s17+$0x0], $0xffff  }
0xea: {  	v53 =	vadd.s32 $0x3, v28;
	_ =	sdelay $0x2  }
0xeb: {  	[tilespmem:s24+$0x100] =	vst v37  }
0xec: {  	v30 =	vld.idx.msk [tilespmem:v30+s17+$0x0], $0xffff;
	[tilespmem:s28+$0x100] =	vst v38  }
0xed: {  	v54 =	vadd.s32 $0x4, v27;
	v38 =	vld.idx.msk [tilespmem:v53+s17+$0x0], $0xffff  }
0xee: {  	v55 =	vadd.s32 $0x4, v28;
	_ =	sdelay $0x2  }
0xef: {  	[tilespmem:s24+$0x180] =	vst v30  }
0xf0: {  	v30 =	vld.idx.msk [tilespmem:v54+s17+$0x0], $0xffff;
	[tilespmem:s28+$0x180] =	vst v38  }
0xf1: {  	v56 =	vadd.s32 $0x5, v27;
	v38 =	vld.idx.msk [tilespmem:v55+s17+$0x0], $0xffff  }
0xf2: {  	v57 =	vadd.s32 $0x5, v28;
	_ =	sdelay $0x2  }
0xf3: {  	[tilespmem:s24+$0x200] =	vst v30  }
0xf4: {  	v30 =	vld.idx.msk [tilespmem:v56+s17+$0x0], $0xffff;
	[tilespmem:s28+$0x200] =	vst v38  }
0xf5: {  	v58 =	vadd.s32 $0x6, v27;
	v38 =	vld.idx.msk [tilespmem:v57+s17+$0x0], $0xffff  }
0xf6: {  	v59 =	vadd.s32 $0x6, v28;
	_ =	sdelay $0x1  }
0xf7: {  	[tilespmem:s31+$0x280] =	vst v35  }
0xf8: {  	s5 =	sshll.u32 s19, $0x5;
	v60 =	vadd.s32 $0x7, v25;
	s6 =	sadd.s32 $0x1, s6;
	v36 =	vld.idx.msk [tilespmem:v36+s17+$0x0], $0xffff;
	[tilespmem:s24+$0x280] =	vst v30  }
0xf9: {  	s5 =	sadd.s32 s5, s22;
	s6 =	sand.u32 $0x3, s6;
	v30 =	vadd.s32 $0x7, v26;
	v37 =	vld.idx.msk [tilespmem:v58+s17+$0x0], $0xffff;
	[tilespmem:s28+$0x280] =	vst v38  }
0xfa: {  	v61 =	vadd.s32 $0x7, v27;
	s7 =	sadd.s32 $0x10, s5;
	s6 =	sshll.u32 s6, $0x5;
	v39 =	vld.idx.msk [tilespmem:v59+s17+$0x0], $0xffff  }
0xfb: {  	v40 =	vadd.s32 $0x7, v28;
	s10 =	sor.u32 $0x300, s7;
	s2 =	sadd.s32 s6, s2  }
0xfc: {  	s22 =	sor.u32 $0x300, s5;
	[tilespmem:s10+$0x1780] =	vst v34;
	s24 =	sadd.s32 $0x10, s2  }
0xfd: {  	v34 =	vld.idx.msk [tilespmem:v60+s17+$0x0], $0xffff;
	[tilespmem:s22+$0x1780] =	vst v36;
	s25 =	sor.u32 $0x300, s24  }
0xfe: {  	v62 =	vadd.s32 $0x8, v25;
	s18 =	sor.u32 $0x300, s2;
	v30 =	vld.idx.msk [tilespmem:v30+s17+$0x0], $0xffff;
	[tilespmem:s25+$0x1780] =	vst v37  }
0xff: {  	v63 =	vadd.s32 $0x8, v26;
	v37 =	vld.idx.msk [tilespmem:v61+s17+$0x0], $0xffff;
	[tilespmem:s18+$0x1780] =	vst v39  }
0x100: {  	v44 =	vadd.s32 $0x8, v27;
	v39 =	vld.idx.msk [tilespmem:v40+s17+$0x0], $0xffff  }
0x101: {  	v45 =	vadd.s32 $0x8, v28;
	s26 =	sor.u32 $0x380, s7  }
0x102: {  	s5 =	sor.u32 $0x380, s5;
	[tilespmem:s26+$0x1780] =	vst v34  }
0x103: {  	v34 =	vld.idx.msk [tilespmem:v62+s17+$0x0], $0xffff;
	s6 =	sor.u32 $0x380, s24;
	[tilespmem:s5+$0x1780] =	vst v30  }
0x104: {  	s2 =	sor.u32 $0x380, s2;
	v30 =	vadd.s32 $0x9, v25;
	v46 =	vld.idx.msk [tilespmem:v63+s17+$0x0], $0xffff;
	[tilespmem:s6+$0x1780] =	vst v37  }
0x105: {  	v47 =	vadd.s32 $0x9, v26;
	v37 =	vld.idx.msk [tilespmem:v44+s17+$0x0], $0xffff;
	[tilespmem:s2+$0x1780] =	vst v39  }
0x106: {  	v48 =	vadd.s32 $0x9, v27;
	s7 =	sadd.s32 $0x3F80, s16;
	v39 =	vld.idx.msk [tilespmem:v45+s17+$0x0], $0xffff  }
0x107: {  	v49 =	vadd.s32 $0x9, v28;
	s10 =	sor.u32 s15, s7  }
0x108: {  	[tilespmem:s10+$0x0] =	vst v34;
	s18 =	sadd.s32 $0x3F80, s23;
	s2 =	sor.u32 s13, s7  }
0x109: {  	s19 =	sor.u32 s3, s18;
	v30 =	vld.idx.msk [tilespmem:v30+s17+$0x0], $0xffff;
	[tilespmem:s2+$0x0] =	vst v46  }
0x10a: {  	v50 =	vadd.s32 $0xA, v25;
	s5 =	sor.u32 s0, s18;
	v35 =	vld.idx.msk [tilespmem:v47+s17+$0x0], $0xffff;
	[tilespmem:s19+$0x0] =	vst v37  }
0x10b: {  	v51 =	vadd.s32 $0xA, v26;
	v37 =	vld.idx.msk [tilespmem:v48+s17+$0x0], $0xffff;
	[tilespmem:s5+$0x0] =	vst v39  }
0x10c: {  	s20 =	sor.u32 $0x4000, s16;
	v52 =	vadd.s32 $0xA, v27;
	v39 =	vld.idx.msk [tilespmem:v49+s17+$0x0], $0xffff  }
0x10d: {  	[tilespmem:s4+$0x0] =	vst v29;
	s21 =	sor.u32 s15, s20;
	v53 =	vadd.s32 $0xA, v28  }
0x10e: {  	s22 =	sor.u32 $0x4000, s23;
	s2 =	sor.u32 s13, s20;
	[tilespmem:s21+$0x0] =	vst v30  }
0x10f: {  	s24 =	sor.u32 s3, s22;
	v30 =	vadd.s32 $0xC, v23;
	v34 =	vld.idx.msk [tilespmem:v50+s17+$0x0], $0xffff;
	[tilespmem:s2+$0x0] =	vst v35  }
0x110: {  	v54 =	vadd.s32 $0xB, v25;
	s5 =	sor.u32 s0, s22;
	v36 =	vld.idx.msk [tilespmem:v51+s17+$0x0], $0xffff;
	[tilespmem:s24+$0x0] =	vst v37  }
0x111: {  	v55 =	vadd.s32 $0xB, v26;
	s25 =	sor.u32 $0x4100, s12;
	v38 =	vld.idx.msk [tilespmem:v52+s17+$0x0], $0xffff;
	[tilespmem:s5+$0x0] =	vst v39  }
0x112: {  	[tilespmem:s30+$0x0] =	vst v32;
	s30 =	sor.u32 $0x4080, s16;
	v56 =	vadd.s32 $0xB, v27;
	s26 =	sor.u32 s9, s25;
	v32 =	vld.idx.msk [tilespmem:v53+s17+$0x0], $0xffff  }
0x113: {  	v29 =	vadd.s32 $0xB, v28;
	v31 =	vld.idx.msk [tilespmem:v31+s17+$0x0], $0xffff;
	[tilespmem:s26+$0x0] =	vst v33;
	s5 =	sor.u32 s15, s30  }
0x114: {  	v24 =	vadd.s32 $0xF, v24;
	s7 =	sor.u32 $0x4080, s23;
	s2 =	sor.u32 s13, s30;
	v30 =	vld.idx.msk [tilespmem:v30+s17+$0x0], $0xffff;
	[tilespmem:s5+$0x0] =	vst v34  }
0x115: {  	v57 =	vadd.s32 $0xC, v22;
	s10 =	sor.u32 s3, s7;
	v35 =	vld.idx.msk [tilespmem:v54+s17+$0x0], $0xffff;
	[tilespmem:s2+$0x0] =	vst v36  }
0x116: {  	v58 =	vadd.s32 $0xC, v25;
	s4 =	sor.u32 s0, s7;
	v37 =	vld.idx.msk [tilespmem:v55+s17+$0x0], $0xffff;
	[tilespmem:s10+$0x0] =	vst v38  }
0x117: {  	v59 =	vadd.s32 $0xC, v26;
	s18 =	sor.u32 s11, s25;
	s19 =	sor.u32 $0x4180, s12;
	v33 =	vld.idx.msk [tilespmem:v56+s17+$0x0], $0xffff;
	[tilespmem:s4+$0x0] =	vst v32  }
0x118: {  	[tilespmem:s18+$0x0] =	vst v31;
	v31 =	vadd.s32 $0xC, v27;
	s20 =	sor.u32 s9, s19;
	s21 =	sor.u32 $0x4100, s16;
	v29 =	vld.idx.msk [tilespmem:v29+s17+$0x0], $0xffff  }
0x119: {  	v24 =	vld.idx.msk [tilespmem:v24+s17+$0x0], $0xffff;
	s22 =	sor.u32 s15, s21;
	[tilespmem:s20+$0x0] =	vst v30;
	v30 =	vadd.s32 $0xC, v28  }
0x11a: {  	v60 =	vadd.s32 $0xD, v23;
	s24 =	sor.u32 $0x4100, s23;
	v34 =	vld.idx.msk [tilespmem:v57+s17+$0x0], $0xffff;
	s4 =	sor.u32 s13, s21;
	[tilespmem:s22+$0x0] =	vst v35  }
0x11b: {  	v61 =	vadd.s32 $0xD, v22;
	s25 =	sor.u32 s3, s24;
	v36 =	vld.idx.msk [tilespmem:v58+s17+$0x0], $0xffff;
	[tilespmem:s4+$0x0] =	vst v37  }
0x11c: {  	v62 =	vadd.s32 $0xD, v25;
	s2 =	sor.u32 s0, s24;
	v38 =	vld.idx.msk [tilespmem:v59+s17+$0x0], $0xffff;
	[tilespmem:s25+$0x0] =	vst v33  }
0x11d: {  	v63 =	vadd.s32 $0xD, v26;
	v31 =	vld.idx.msk [tilespmem:v31+s17+$0x0], $0xffff;
	[tilespmem:s2+$0x0] =	vst v29  }
0x11e: {  	[tilespmem:s1+$0x0] =	vst v24;
	v24 =	vadd.s32 $0xD, v27;
	s26 =	sor.u32 s11, s19;
	s30 =	sor.u32 $0x4180, s16;
	v29 =	vld.idx.msk [tilespmem:v30+s17+$0x0], $0xffff  }
0x11f: {  	v40 =	vadd.s32 $0xD, v28;
	[tilespmem:s26+$0x0] =	vst v34;
	s4 =	sor.u32 s15, s30;
	v30 =	vld.idx.msk [tilespmem:v60+s17+$0x0], $0xffff  }
0x120: {  	v41 =	vadd.s32 $0xE, v23;
	s1 =	sor.u32 s13, s30;
	s5 =	sor.u32 $0x4180, s23;
	v35 =	vld.idx.msk [tilespmem:v61+s17+$0x0], $0xffff;
	[tilespmem:s4+$0x0] =	vst v36  }
0x121: {  	v42 =	vadd.s32 $0xE, v22;
	s6 =	sor.u32 s3, s5;
	v37 =	vld.idx.msk [tilespmem:v62+s17+$0x0], $0xffff;
	[tilespmem:s1+$0x0] =	vst v38  }
0x122: {  	v43 =	vadd.s32 $0xE, v25;
	s7 =	sor.u32 $0x4200, s12;
	s2 =	sor.u32 s0, s5;
	v33 =	vld.idx.msk [tilespmem:v63+s17+$0x0], $0xffff;
	[tilespmem:s6+$0x0] =	vst v31  }
0x123: {  	s10 =	sor.u32 s9, s7;
	v31 =	vadd.s32 $0xE, v26;
	v24 =	vld.idx.msk [tilespmem:v24+s17+$0x0], $0xffff;
	[tilespmem:s2+$0x0] =	vst v29  }
0x124: {  	s18 =	sor.u32 s11, s7;
	s19 =	sor.u32 $0x4200, s16;
	[tilespmem:s10+$0x0] =	vst v30;
	v29 =	vadd.s32 $0xE, v27;
	v30 =	vld.idx.msk [tilespmem:v40+s17+$0x0], $0xffff  }
0x125: {  	v45 =	vadd.s32 $0xE, v28;
	s20 =	sor.u32 s15, s19;
	[tilespmem:s18+$0x0] =	vst v35;
	v44 =	vld.idx.msk [tilespmem:v41+s17+$0x0], $0xffff  }
0x126: {  	v23 =	vadd.s32 $0xF, v23;
	s21 =	sor.u32 $0x4200, s23;
	v35 =	vld.idx.msk [tilespmem:v42+s17+$0x0], $0xffff;
	s1 =	sor.u32 s13, s19;
	[tilespmem:s20+$0x0] =	vst v37  }
0x127: {  	v22 =	vadd.s32 $0xF, v22;
	s22 =	sor.u32 s3, s21;
	v46 =	vld.idx.msk [tilespmem:v43+s17+$0x0], $0xffff;
	[tilespmem:s1+$0x0] =	vst v33  }
0x128: {  	v25 =	vadd.s32 $0xF, v25;
	s24 =	sor.u32 $0x4280, s12;
	s2 =	sor.u32 s0, s21;
	v31 =	vld.idx.msk [tilespmem:v31+s17+$0x0], $0xffff;
	[tilespmem:s22+$0x0] =	vst v24  }
0x129: {  	s25 =	sor.u32 s9, s24;
	v24 =	vadd.s32 $0xF, v26;
	v26 =	vld.idx.msk [tilespmem:v29+s17+$0x0], $0xffff;
	[tilespmem:s2+$0x0] =	vst v30  }
0x12a: {  	s26 =	sor.u32 s11, s24;
	s30 =	sor.u32 $0x4280, s16;
	v27 =	vadd.s32 $0xF, v27;
	[tilespmem:s25+$0x0] =	vst v44;
	v29 =	vld.idx.msk [tilespmem:v45+s17+$0x0], $0xffff  }
0x12b: {  	v28 =	vadd.s32 $0xF, v28;
	s4 =	sor.u32 s15, s30;
	[tilespmem:s26+$0x0] =	vst v35;
	v23 =	vld.idx.msk [tilespmem:v23+s17+$0x0], $0xffff  }
0x12c: {  	s5 =	sor.u32 $0x4280, s23;
	v22 =	vld.idx.msk [tilespmem:v22+s17+$0x0], $0xffff;
	s1 =	sor.u32 s13, s30;
	[tilespmem:s4+$0x0] =	vst v46  }
0x12d: {  	s6 =	sor.u32 s3, s5;
	v25 =	vld.idx.msk [tilespmem:v25+s17+$0x0], $0xffff;
	[tilespmem:s1+$0x0] =	vst v31  }
0x12e: {  	s7 =	sor.u32 $0x4300, s12;
	s2 =	sor.u32 s0, s5;
	v24 =	vld.idx.msk [tilespmem:v24+s17+$0x0], $0xffff;
	[tilespmem:s6+$0x0] =	vst v26  }
0x12f: {  	s10 =	sor.u32 s9, s7;
	v26 =	vld.idx.msk [tilespmem:v27+s17+$0x0], $0xffff;
	[tilespmem:s2+$0x0] =	vst v29  }
0x130: {  	s12 =	sor.u32 s11, s7;
	s16 =	sor.u32 $0x4300, s16;
	[tilespmem:s10+$0x0] =	vst v23;
	v23 =	vld.idx.msk [tilespmem:v28+s17+$0x0], $0xffff  }
0x131: {  	s18 =	sor.u32 s15, s16;
	[tilespmem:s12+$0x0] =	vst v22  }
0x132: {  	s19 =	sor.u32 $0x4300, s23;
	s1 =	sor.u32 s13, s16;
	[tilespmem:s18+$0x0] =	vst v25  }
0x133: {  	s20 =	sor.u32 s3, s19;
	[tilespmem:s1+$0x0] =	vst v24  }
0x134: {  	s21 =	sor.u32 s0, s19;
	[tilespmem:s20+$0x0] =	vst v26  }
0x135: {  	s22 =	simm.s32 $0x3;
	[tilespmem:s21+$0x0] =	vst v23  }
0x136: {  	_ =	swait.ge [sflag:s22], $0x5000  }
0x137: {  	[sflag:s22] =	ssyncset.done $0x0  }
0x138: {  	s23 =	smul.u32 $0x500, s8;
	[sflag:s22] =	ssyncadd.s32 $0xFFFFB000  }
0x139: {  	s24 =	simm.s32 $0x2800;
	s26 =	simm.s32 $0x1780;
	s1 =	rddreg [dreg:$0x3]  }
0x13a: {  	s30 =	simm.s32 $0x5;
	s25 =	simm.s32 $0x271000;
	s0 =	sadd.s32 s1, s23  }
0x13b: {  	[hbm4b:s0+s24] =	stream.strided.scatter [tilespmem:s26], [sflag:$0x5], $0xA000, s25, s24, $0x38;
	[tilespmem:$0x15780] =	vst v63  }
0x13c: {  	_ =	swait.ge [sflag:s30], $0xA000  }
0x13d: {  	s1 =	rddreg [dreg:$0x9]  }
0x13e: {  	s3 =	rddreg [dreg:$0x11]  }
0x13f: {  	[sflag:s30] =	ssyncset.done $0x0;
	s0 =	sadd.s32 s1, s3  }
0x140: {  	[sflag:s30] =	ssyncadd.s32 $0xFFFF6000;
	s1 =	smul.u32 $0xA0, s0  }
0x141: {  	s8 =	simm.s32 $0xD80;
	s6 =	simm.s32 $0x0;
	s2 =	rddreg [dreg:$0x1]  }
0x142: {  	s0 =	smul.u32 $0x500, s0;
	s31 =	rddreg [dreg:$0x0];
	s1 =	sadd.s32 s2, s1  }
0x143: {  	[tilespmem:s8], [sflag:$0x1] =	stream.linear.gather [hbm4b:s1+s6], $0x500, $0x38;
	[tilespmem:$0x15780] =	vst v63  }
0x144: {  	s9 =	simm.s32 $0x6780;
	s10 =	simm.s32 $0x2;
	s0 =	sadd.s32 s31, s0  }
0x145: {  	[tilespmem:s9], [sflag:$0x3] =	stream.strided.gather [hbm4b:s0+s24], $0x5000, s25, s24, $0x38;
	[tilespmem:$0x15780] =	vst v63  }
0x146: {  	s21 =	sand.u32 $0x60, s6;
	_ =	swait.ge [sflag:s10], $0x500  }
0x147: {  	s11 =	sand.u32 $0x780, s6;
	s23 =	sor.u32 $0x10, s21;
	[sflag:s10] =	ssyncset.done $0x0  }
0x148: {  	s0 =	sor.u32 s23, s11;
	[sflag:s10] =	ssyncadd.s32 $0xFFFFFB00  }
0x149: {  	v22 =	vld [tilespmem:s0+$0x1280];
	_ =	sdelay $0x1  }
0x14a: {  	s12 =	simm.s32 $0x1280  }
0x14b: {  	v23 =	vld [tilespmem:s12+$0x0];
	_ =	sdelay $0x1  }
0x14c: {  	v29 =	vmul.u32 $0x11, v22;
	_ =	sdelay $0x2  }
0x14d: {  	v24 =	vmul.u32 $0x11, v23;
	_ =	sdelay $0x2  }
0x14e: {  	v22 =	vld.idx.msk [tilespmem:v29+s17+$0x0], $0xffff  }
0x14f: {  	v23 =	vadd.s32 $0x1, v29  }
0x150: {  	s1 =	sand.u32 $0x3C00, s6  }
0x151: {  	s13 =	sadd.s32 $0xB780, s1;
	v25 =	vld.idx.msk [tilespmem:v24+s17+$0x0], $0xffff  }
0x152: {  	s15 =	sor.u32 s23, s13;
	v26 =	vadd.s32 $0x1, v24  }
0x153: {  	[tilespmem:s15+$0x0] =	vst v22  }
0x154: {  	v22 =	vld.idx.msk [tilespmem:v23+s17+$0x0], $0xffff  }
0x155: {  	s16 =	sor.u32 s21, s13;
	v23 =	vadd.s32 $0x2, v29  }
0x156: {  	[tilespmem:s16+$0x0] =	vst v25  }
0x157: {  	v25 =	vld.idx.msk [tilespmem:v26+s17+$0x0], $0xffff  }
0x158: {  	v26 =	vadd.s32 $0x2, v24  }
0x159: {  	[tilespmem:s15+$0x80] =	vst v22  }
0x15a: {  	v22 =	vld.idx.msk [tilespmem:v23+s17+$0x0], $0xffff  }
0x15b: {  	s18 =	simm.s32 $0x20;
	v23 =	vadd.s32 $0x3, v29  }
0x15c: {  	s8 =	sand.u32 $0x60, s18;
	[tilespmem:s16+$0x80] =	vst v25  }
0x15d: {  	s7 =	sor.u32 $0x10, s8;
	s0 =	sand.u32 $0x780, s18;
	v25 =	vld.idx.msk [tilespmem:v26+s17+$0x0], $0xffff  }
0x15e: {  	s0 =	sor.u32 s7, s0;
	v26 =	vadd.s32 $0x3, v24  }
0x15f: {  	v27 =	vld [tilespmem:s0+$0x1280];
	[tilespmem:s15+$0x100] =	vst v22  }
0x160: {  	v22 =	vld.idx.msk [tilespmem:v23+s17+$0x0], $0xffff  }
0x161: {  	s19 =	simm.s32 $0x12A0;
	v28 =	vadd.s32 $0x4, v29  }
0x162: {  	v30 =	vld [tilespmem:s19+$0x0];
	[tilespmem:s16+$0x100] =	vst v25  }
0x163: {  	v25 =	vld.idx.msk [tilespmem:v26+s17+$0x0], $0xffff  }
0x164: {  	v26 =	vadd.s32 $0x4, v24  }
0x165: {  	v23 =	vmul.u32 $0x11, v27;
	[tilespmem:s15+$0x180] =	vst v22  }
0x166: {  	v27 =	vld.idx.msk [tilespmem:v28+s17+$0x0], $0xffff  }
0x167: {  	v28 =	vadd.s32 $0x5, v29  }
0x168: {  	v22 =	vmul.u32 $0x11, v30;
	[tilespmem:s16+$0x180] =	vst v25  }
0x169: {  	v25 =	vld.idx.msk [tilespmem:v26+s17+$0x0], $0xffff  }
0x16a: {  	v26 =	vadd.s32 $0x5, v24  }
0x16b: {  	v30 =	vld.idx.msk [tilespmem:v23+s17+$0x0], $0xffff;
	[tilespmem:s15+$0x200] =	vst v27  }
0x16c: {  	s20 =	simm.s32 $0x100;
	v27 =	vld.idx.msk [tilespmem:v28+s17+$0x0], $0xffff;
	v28 =	vadd.s32 $0x1, v23  }
0x16d: {  	s9 =	sand.u32 $0x3C00, s20;
	v31 =	vadd.s32 $0x6, v29  }
0x16e: {  	s0 =	sadd.s32 $0xB780, s9;
	v47 =	vld.idx.msk [tilespmem:v22+s17+$0x0], $0xffff;
	[tilespmem:s16+$0x200] =	vst v25  }
0x16f: {  	s22 =	sor.u32 s7, s0;
	v25 =	vld.idx.msk [tilespmem:v26+s17+$0x0], $0xffff;
	v26 =	vadd.s32 $0x1, v22  }
0x170: {  	[tilespmem:s22+$0x0] =	vst v30;
	v30 =	vadd.s32 $0x6, v24  }
0x171: {  	v28 =	vld.idx.msk [tilespmem:v28+s17+$0x0], $0xffff;
	[tilespmem:s15+$0x280] =	vst v27  }
0x172: {  	s3 =	sand.u32 $0x3, s6;
	s0 =	sor.u32 s8, s0;
	v27 =	vld.idx.msk [tilespmem:v31+s17+$0x0], $0xffff;
	v31 =	vadd.s32 $0x2, v23  }
0x173: {  	s3 =	sshll.u32 s3, $0x5;
	v48 =	vadd.s32 $0x7, v29;
	[tilespmem:s0+$0x0] =	vst v47  }
0x174: {  	s3 =	sadd.s32 $0x0, s3;
	v26 =	vld.idx.msk [tilespmem:v26+s17+$0x0], $0xffff;
	[tilespmem:s16+$0x280] =	vst v25  }
0x175: {  	s24 =	sadd.s32 $0x10, s3;
	v25 =	vld.idx.msk [tilespmem:v30+s17+$0x0], $0xffff;
	v30 =	vadd.s32 $0x2, v22  }
0x176: {  	s25 =	sor.u32 $0x300, s24;
	[tilespmem:s22+$0x80] =	vst v28;
	v28 =	vadd.s32 $0x7, v24  }
0x177: {  	v31 =	vld.idx.msk [tilespmem:v31+s17+$0x0], $0xffff;
	[tilespmem:s25+$0xB780] =	vst v27  }
0x178: {  	s26 =	simm.s32 $0x40;
	v49 =	vadd.s32 $0x3, v23;
	v27 =	vld.idx.msk [tilespmem:v48+s17+$0x0], $0xffff  }
0x179: {  	s30 =	sor.u32 $0x300, s3;
	s11 =	sand.u32 $0x60, s26;
	[tilespmem:s0+$0x80] =	vst v26;
	v26 =	vadd.s32 $0x8, v29  }
0x17a: {  	s5 =	sand.u32 $0x780, s26;
	s12 =	sor.u32 $0x10, s11;
	v30 =	vld.idx.msk [tilespmem:v30+s17+$0x0], $0xffff;
	[tilespmem:s30+$0xB780] =	vst v25  }
0x17b: {  	s5 =	sor.u32 s12, s5;
	v25 =	vld.idx.msk [tilespmem:v28+s17+$0x0], $0xffff;
	v28 =	vadd.s32 $0x3, v22  }
0x17c: {  	s4 =	sor.u32 $0x380, s24;
	v50 =	vld [tilespmem:s5+$0x1280];
	[tilespmem:s22+$0x100] =	vst v31;
	v31 =	vadd.s32 $0x8, v24  }
0x17d: {  	v32 =	vld.idx.msk [tilespmem:v49+s17+$0x0], $0xffff;
	[tilespmem:s4+$0xB780] =	vst v27  }
0x17e: {  	s10 =	simm.s32 $0x12C0;
	v27 =	vadd.s32 $0x4, v23;
	v26 =	vld.idx.msk [tilespmem:v26+s17+$0x0], $0xffff  }
0x17f: {  	s3 =	sor.u32 $0x380, s3;
	v51 =	vld [tilespmem:s10+$0x0];
	[tilespmem:s0+$0x100] =	vst v30;
	v30 =	vadd.s32 $0x9, v29  }
0x180: {  	v28 =	vld.idx.msk [tilespmem:v28+s17+$0x0], $0xffff;
	[tilespmem:s3+$0xB780] =	vst v25  }
0x181: {  	s13 =	sadd.s32 $0xDF80, s1;
	v52 =	vadd.s32 $0x4, v22;
	v31 =	vld.idx.msk [tilespmem:v31+s17+$0x0], $0xffff  }
0x182: {  	v53 =	vadd.s32 $0x9, v24;
	s15 =	sor.u32 s23, s13;
	v25 =	vmul.u32 $0x11, v50;
	[tilespmem:s22+$0x180] =	vst v32  }
0x183: {  	v27 =	vld.idx.msk [tilespmem:v27+s17+$0x0], $0xffff;
	[tilespmem:s15+$0x0] =	vst v26  }
0x184: {  	s26 =	simm.s32 $0x12E0;
	v54 =	vadd.s32 $0x5, v23;
	v30 =	vld.idx.msk [tilespmem:v30+s17+$0x0], $0xffff  }
0x185: {  	v63 =	vld [tilespmem:s26+$0x0];
	s3 =	sor.u32 s21, s13;
	v26 =	vmul.u32 $0x11, v51;
	[tilespmem:s0+$0x180] =	vst v28;
	v28 =	vadd.s32 $0xA, v29  }
0x186: {  	v55 =	vld.idx.msk [tilespmem:v52+s17+$0x0], $0xffff;
	[tilespmem:s3+$0x0] =	vst v31  }
0x187: {  	v56 =	vadd.s32 $0x5, v22;
	s16 =	sadd.s32 $0xE000, s1;
	v31 =	vld.idx.msk [tilespmem:v53+s17+$0x0], $0xffff  }
0x188: {  	s18 =	sor.u32 s23, s16;
	v57 =	vld.idx.msk [tilespmem:v25+s17+$0x0], $0xffff;
	[tilespmem:s22+$0x200] =	vst v27;
	v27 =	vadd.s32 $0xA, v24  }
0x189: {  	s15 =	simm.s32 $0x200;
	v33 =	vld.idx.msk [tilespmem:v54+s17+$0x0], $0xffff;
	[tilespmem:s18+$0x0] =	vst v30;
	v30 =	vadd.s32 $0x1, v25  }
0x18a: {  	v58 =	vadd.s32 $0x6, v23;
	s13 =	sand.u32 $0x3C00, s15;
	v28 =	vld.idx.msk [tilespmem:v28+s17+$0x0], $0xffff  }
0x18b: {  	v60 =	vadd.s32 $0xB, v29;
	s19 =	sadd.s32 $0xB780, s13;
	s3 =	sor.u32 s21, s16;
	v59 =	vld.idx.msk [tilespmem:v26+s17+$0x0], $0xffff;
	[tilespmem:s0+$0x200] =	vst v55  }
0x18c: {  	s6 =	sor.u32 s12, s19;
	v32 =	vld.idx.msk [tilespmem:v56+s17+$0x0], $0xffff;
	[tilespmem:s3+$0x0] =	vst v31;
	v31 =	vadd.s32 $0x1, v26  }
0x18d: {  	s20 =	sadd.s32 $0xE080, s1;
	v61 =	vadd.s32 $0x6, v22;
	[tilespmem:s6+$0x0] =	vst v57;
	v27 =	vld.idx.msk [tilespmem:v27+s17+$0x0], $0xffff  }
0x18e: {  	s24 =	sor.u32 s23, s20;
	v62 =	vadd.s32 $0xB, v24;
	s25 =	simm.s32 $0x1;
	v30 =	vld.idx.msk [tilespmem:v30+s17+$0x0], $0xffff;
	[tilespmem:s22+$0x280] =	vst v33  }
0x18f: {  	s2 =	sand.u32 $0x3, s25;
	s22 =	sor.u32 s11, s19;
	v33 =	vld.idx.msk [tilespmem:v58+s17+$0x0], $0xffff;
	[tilespmem:s24+$0x0] =	vst v28;
	v28 =	vadd.s32 $0x2, v25  }
0x190: {  	v41 =	vadd.s32 $0x7, v23;
	s2 =	sshll.u32 s2, $0x5;
	[tilespmem:s22+$0x0] =	vst v59;
	v34 =	vld.idx.msk [tilespmem:v60+s17+$0x0], $0xffff  }
0x191: {  	v42 =	vadd.s32 $0xC, v29;
	s2 =	sadd.s32 $0x100, s2;
	s3 =	sor.u32 s21, s20;
	v31 =	vld.idx.msk [tilespmem:v31+s17+$0x0], $0xffff;
	[tilespmem:s0+$0x280] =	vst v32  }
0x192: {  	s30 =	sadd.s32 $0x10, s2;
	v35 =	vld.idx.msk [tilespmem:v61+s17+$0x0], $0xffff;
	[tilespmem:s3+$0x0] =	vst v27;
	v27 =	vadd.s32 $0x2, v26  }
0x193: {  	s5 =	sadd.s32 $0xE100, s1;
	v43 =	vadd.s32 $0x7, v22;
	s18 =	sor.u32 $0x300, s30;
	[tilespmem:s6+$0x80] =	vst v30;
	v30 =	vld.idx.msk [tilespmem:v62+s17+$0x0], $0xffff  }
0x194: {  	s19 =	sor.u32 s23, s5;
	v28 =	vld.idx.msk [tilespmem:v28+s17+$0x0], $0xffff;
	[tilespmem:s18+$0xB780] =	vst v33  }
0x195: {  	v46 =	vadd.s32 $0xC, v24;
	s18 =	simm.s32 $0x60;
	v33 =	vld.idx.msk [tilespmem:v41+s17+$0x0], $0xffff;
	[tilespmem:s19+$0x0] =	vst v34  }
0x196: {  	v44 =	vadd.s32 $0x3, v25;
	s20 =	sor.u32 $0x300, s2;
	s0 =	sand.u32 $0x60, s18;
	v32 =	vld.idx.msk [tilespmem:v42+s17+$0x0], $0xffff;
	[tilespmem:s22+$0x80] =	vst v31  }
0x197: {  	s24 =	sand.u32 $0x780, s18;
	v31 =	vadd.s32 $0x8, v23;
	s3 =	sor.u32 $0x10, s0;
	v27 =	vld.idx.msk [tilespmem:v27+s17+$0x0], $0xffff;
	[tilespmem:s20+$0xB780] =	vst v35  }
0x198: {  	v45 =	vadd.s32 $0xD, v29;
	s5 =	sor.u32 s21, s5;
	s25 =	sor.u32 s3, s24;
	v36 =	vld.idx.msk [tilespmem:v43+s17+$0x0], $0xffff  }
0x199: {  	v48 =	vadd.s32 $0x3, v26;
	v47 =	vld [tilespmem:s25+$0x1280];
	[tilespmem:s5+$0x0] =	vst v30  }
0x19a: {  	s26 =	sadd.s32 $0xE180, s1;
	s4 =	sor.u32 $0x380, s30;
	v49 =	vadd.s32 $0x8, v22;
	[tilespmem:s6+$0x100] =	vst v28;
	v28 =	vmul.u32 $0x11, v63;
	v37 =	vld.idx.msk [tilespmem:v46+s17+$0x0], $0xffff  }
0x19b: {  	s30 =	sor.u32 s23, s26;
	v34 =	vld.idx.msk [tilespmem:v44+s17+$0x0], $0xffff;
	[tilespmem:s4+$0xB780] =	vst v33  }
0x19c: {  	v41 =	vadd.s32 $0xD, v24;
	v31 =	vld.idx.msk [tilespmem:v31+s17+$0x0], $0xffff;
	[tilespmem:s30+$0x0] =	vst v32  }
0x19d: {  	v50 =	vadd.s32 $0x4, v25;
	s2 =	sor.u32 $0x380, s2;
	v51 =	vld.idx.msk [tilespmem:v45+s17+$0x0], $0xffff;
	[tilespmem:s22+$0x100] =	vst v27  }
0x19e: {  	v52 =	vadd.s32 $0x9, v23;
	v40 =	vld.idx.msk [tilespmem:v48+s17+$0x0], $0xffff;
	[tilespmem:s2+$0xB780] =	vst v36  }
0x19f: {  	s10 =	sor.u32 s21, s26;
	v53 =	vadd.s32 $0xE, v29;
	v38 =	vld.idx.msk [tilespmem:v49+s17+$0x0], $0xffff  }
0x1a0: {  	s16 =	sadd.s32 $0xDF80, s9;
	v42 =	vadd.s32 $0x4, v26;
	[tilespmem:s10+$0x0] =	vst v37;
	v30 =	vld.idx.msk [tilespmem:v28+s17+$0x0], $0xffff  }
0x1a1: {  	v54 =	vadd.s32 $0x9, v22;
	s19 =	sor.u32 s7, s16;
	s20 =	sadd.s32 $0xE200, s1;
	v27 =	vmul.u32 $0x11, v47;
	[tilespmem:s6+$0x180] =	vst v34;
	v37 =	vld.idx.msk [tilespmem:v41+s17+$0x0], $0xffff  }
0x1a2: {  	s24 =	sor.u32 s23, s20;
	v32 =	vld.idx.msk [tilespmem:v50+s17+$0x0], $0xffff;
	[tilespmem:s19+$0x0] =	vst v31  }
0x1a3: {  	v55 =	vadd.s32 $0x5, v25;
	v31 =	vld.idx.msk [tilespmem:v52+s17+$0x0], $0xffff;
	[tilespmem:s24+$0x0] =	vst v51  }
0x1a4: {  	v57 =	vadd.s32 $0xA, v23;
	s2 =	sor.u32 s8, s16;
	v56 =	vld.idx.msk [tilespmem:v53+s17+$0x0], $0xffff;
	[tilespmem:s22+$0x180] =	vst v40  }
0x1a5: {  	v29 =	vadd.s32 $0xF, v29;
	s5 =	sor.u32 s21, s20;
	v58 =	vld.idx.msk [tilespmem:v42+s17+$0x0], $0xffff;
	[tilespmem:s2+$0x0] =	vst v38  }
0x1a6: {  	v59 =	vadd.s32 $0xE, v24;
	s25 =	sadd.s32 $0xE000, s9;
	v34 =	vld.idx.msk [tilespmem:v54+s17+$0x0], $0xffff;
	[tilespmem:s5+$0x0] =	vst v37  }
0x1a7: {  	v61 =	vadd.s32 $0x5, v26;
	s26 =	sor.u32 s7, s25;
	s30 =	sadd.s32 $0xE280, s1;
	v60 =	vld.idx.msk [tilespmem:v27+s17+$0x0], $0xffff;
	[tilespmem:s6+$0x200] =	vst v32  }
0x1a8: {  	v62 =	vadd.s32 $0xA, v22;
	s16 =	sor.u32 s23, s30;
	s2 =	simm.s32 $0x300;
	v33 =	vld.idx.msk [tilespmem:v55+s17+$0x0], $0xffff;
	[tilespmem:s26+$0x0] =	vst v31  }
0x1a9: {  	v31 =	vadd.s32 $0x1, v27;
	v36 =	vld.idx.msk [tilespmem:v57+s17+$0x0], $0xffff;
	[tilespmem:s16+$0x0] =	vst v56;
	s16 =	sand.u32 $0x3C00, s2  }
0x1aa: {  	v63 =	vadd.s32 $0x6, v25;
	s4 =	sor.u32 s8, s25;
	v43 =	vld.idx.msk [tilespmem:v29+s17+$0x0], $0xffff;
	s20 =	sadd.s32 $0xB780, s16;
	[tilespmem:s22+$0x200] =	vst v58  }
0x1ab: {  	v44 =	vadd.s32 $0xB, v23;
	v29 =	vld.idx.msk [tilespmem:v59+s17+$0x0], $0xffff;
	s28 =	sor.u32 s3, s20;
	[tilespmem:s4+$0x0] =	vst v34  }
0x1ac: {  	s24 =	sadd.s32 $0xE080, s9;
	v35 =	vld.idx.msk [tilespmem:v61+s17+$0x0], $0xffff;
	[tilespmem:s28+$0x0] =	vst v60  }
0x1ad: {  	s1 =	sadd.s32 $0xE300, s1;
	v38 =	vadd.s32 $0x1, v28;
	s26 =	sor.u32 s7, s24;
	v32 =	vld.idx.msk [tilespmem:v62+s17+$0x0], $0xffff;
	[tilespmem:s6+$0x280] =	vst v33  }
0x1ae: {  	s10 =	simm.s32 $0x6;
	s29 =	sor.u32 s8, s24;
	s4 =	sor.u32 s21, s30;
	v37 =	vld.idx.msk [tilespmem:v31+s17+$0x0], $0xffff;
	[tilespmem:s26+$0x0] =	vst v36;
	v36 =	vadd.s32 $0x6, v26  }
0x1af: {  	s25 =	sor.u32 s0, s20;
	s30 =	sor.u32 s23, s1;
	s6 =	simm.s32 $0x2;
	v31 =	vadd.s32 $0xB, v22;
	v34 =	vld.idx.msk [tilespmem:v63+s17+$0x0], $0xffff  }
0x1b0: {  	v39 =	vadd.s32 $0x2, v27;
	s1 =	sor.u32 s21, s1;
	s21 =	simm.s32 $0x1300;
	s19 =	sand.u32 $0x3, s6;
	[tilespmem:s30+$0x0] =	vst v43;
	v33 =	vld.idx.msk [tilespmem:v44+s17+$0x0], $0xffff  }
.LBB2_5:
0x1b1: {  	v40 =	vld [tilespmem:s21+$0x0];
	[tilespmem:s25+$0x0] =	vst v30;
	s5 =	sshll.u32 s19, $0x5;
	v30 =	vadd.s32 $0x7, v25;
	s23 =	smov.u32 s11;
	s11 =	smov.u32 s0  }
0x1b2: {  	s26 =	smov.u32 s7;
	s7 =	smov.u32 s12;
	v38 =	vld.idx.msk [tilespmem:v38+s17+$0x0], $0xffff;
	s0 =	sadd.s32 s5, s15;
	[tilespmem:s22+$0x280] =	vst v35;
	v35 =	vadd.s32 $0xC, v23  }
0x1b3: {  	v36 =	vld.idx.msk [tilespmem:v36+s17+$0x0], $0xffff;
	s5 =	sor.u32 $0x300, s0;
	s19 =	sor.u32 $0x380, s0;
	s20 =	sadd.s32 $0x10, s0;
	[tilespmem:s29+$0x0] =	vst v32;
	v32 =	vadd.s32 $0xF, v24;
	v24 =	vmovc v22;
	v22 =	vmov v26;
	v26 =	vmov v28  }
0x1b4: {  	s12 =	smov.u32 s3;
	s15 =	sadd.s32 $0xE100, s9;
	v28 =	vadd.s32 $0x2, v26;
	[tilespmem:s28+$0x80] =	vst v37;
	s0 =	sor.u32 $0x300, s20;
	v31 =	vld.idx.msk [tilespmem:v31+s17+$0x0], $0xffff  }
0x1b5: {  	s30 =	sor.u32 s8, s15;
	v37 =	vld.idx.msk [tilespmem:v39+s17+$0x0], $0xffff;
	v39 =	vadd.s32 $0x7, v22;
	[tilespmem:s0+$0xB780] =	vst v34;
	s0 =	sor.u32 s26, s15;
	s15 =	smov.u32 s2  }
0x1b6: {  	s24 =	smov.u32 s9;
	s9 =	smov.u32 s13;
	s13 =	smov.u32 s16;
	v30 =	vld.idx.msk [tilespmem:v30+s17+$0x0], $0xffff;
	[tilespmem:s0+$0x0] =	vst v33  }
0x1b7: {  	s18 =	sadd.s32 $0x20, s18;
	s22 =	smov.u32 s25;
	s29 =	smov.u32 s28;
	v33 =	vadd.s32 $0x3, v27;
	v34 =	vld.idx.msk [tilespmem:v35+s17+$0x0], $0xffff;
	[tilespmem:s4+$0x0] =	vst v29  }
0x1b8: {  	s0 =	sand.u32 $0x60, s18;
	v29 =	vadd.s32 $0x8, v25;
	[tilespmem:s22+$0x80] =	vst v38;
	v32 =	vld.idx.msk [tilespmem:v32+s17+$0x0], $0xffff  }
0x1b9: {  	s3 =	sor.u32 $0x10, s0;
	s4 =	sand.u32 $0x780, s18;
	v35 =	vld.idx.msk [tilespmem:v28+s17+$0x0], $0xffff;
	[tilespmem:s5+$0xB780] =	vst v36;
	v36 =	vadd.s32 $0xD, v23  }
0x1ba: {  	s4 =	sor.u32 s3, s4;
	v38 =	vld.idx.msk [tilespmem:v39+s17+$0x0], $0xffff;
	[tilespmem:s30+$0x0] =	vst v31;
	v31 =	vadd.s32 $0xC, v24  }
0x1bb: {  	s10 =	sadd.s32 $0x2, s10;
	v41 =	vadd.s32 $0x3, v26;
	s5 =	sadd.s32 $0xE180, s24;
	v39 =	vld [tilespmem:s4+$0x1280];
	[tilespmem:s29+$0x100] =	vst v37;
	s4 =	sor.u32 $0x380, s20  }
0x1bc: {  	p1 =	slt.u32 s10, $0x4E;
	v28 =	vmul.u32 $0x11, v40;
	v37 =	vadd.s32 $0x8, v22;
	v33 =	vld.idx.msk [tilespmem:v33+s17+$0x0], $0xffff;
	[tilespmem:s4+$0xB780] =	vst v30;
	s4 =	sor.u32 s8, s5;
	s5 =	sor.u32 s26, s5  }
0x1bd: {  	v29 =	vld.idx.msk [tilespmem:v29+s17+$0x0], $0xffff;
	[tilespmem:s5+$0x0] =	vst v34  }
0x1be: {  	v34 =	vadd.s32 $0x4, v27;
	v36 =	vld.idx.msk [tilespmem:v36+s17+$0x0], $0xffff;
	[tilespmem:s1+$0x0] =	vst v32  }
0x1bf: {  	v32 =	vadd.s32 $0x9, v25;
	[tilespmem:s22+$0x100] =	vst v35;
	v31 =	vld.idx.msk [tilespmem:v31+s17+$0x0], $0xffff  }
0x1c0: {  	v35 =	vld.idx.msk [tilespmem:v41+s17+$0x0], $0xffff;
	[tilespmem:s19+$0xB780] =	vst v38;
	v38 =	vadd.s32 $0xE, v23  }
0x1c1: {  	v40 =	vadd.s32 $0xD, v24;
	s1 =	sadd.s32 $0xDF80, s9;
	v37 =	vld.idx.msk [tilespmem:v37+s17+$0x0], $0xffff  }
0x1c2: {  	s16 =	sadd.s32 $0xE200, s24;
	s5 =	sor.u32 s23, s1;
	s1 =	sor.u32 s7, s1;
	v41 =	vadd.s32 $0x4, v26;
	v30 =	vld.idx.msk [tilespmem:v28+s17+$0x0], $0xffff;
	[tilespmem:s29+$0x180] =	vst v33  }
0x1c3: {  	v33 =	vmul.u32 $0x11, v39;
	v39 =	vadd.s32 $0x9, v22;
	v34 =	vld.idx.msk [tilespmem:v34+s17+$0x0], $0xffff;
	[tilespmem:s1+$0x0] =	vst v29;
	s1 =	sor.u32 s8, s16;
	s16 =	sor.u32 s26, s16  }
0x1c4: {  	v29 =	vld.idx.msk [tilespmem:v32+s17+$0x0], $0xffff;
	[tilespmem:s16+$0x0] =	vst v36  }
0x1c5: {  	v32 =	vadd.s32 $0x5, v27;
	[tilespmem:s4+$0x0] =	vst v31;
	v31 =	vld.idx.msk [tilespmem:v38+s17+$0x0], $0xffff  }
0x1c6: {  	[tilespmem:s22+$0x180] =	vst v35;
	v35 =	vadd.s32 $0xA, v25;
	v36 =	vld.idx.msk [tilespmem:v40+s17+$0x0], $0xffff  }
0x1c7: {  	v38 =	vld.idx.msk [tilespmem:v41+s17+$0x0], $0xffff;
	[tilespmem:s5+$0x0] =	vst v37;
	v37 =	vadd.s32 $0xF, v23;
	v23 =	vmovc v25;
	v25 =	vmov v27;
	v27 =	vmov v33  }
0x1c8: {  	s4 =	sadd.s32 $0xE000, s9;
	v40 =	vadd.s32 $0xE, v24;
	v39 =	vld.idx.msk [tilespmem:v39+s17+$0x0], $0xffff  }
0x1c9: {  	s16 =	sadd.s32 $0xE280, s24;
	v41 =	vadd.s32 $0x5, v26;
	s5 =	sor.u32 s23, s4;
	s4 =	sor.u32 s7, s4;
	v33 =	vld.idx.msk [tilespmem:v33+s17+$0x0], $0xffff;
	[tilespmem:s29+$0x200] =	vst v34  }
0x1ca: {  	v34 =	vld.idx.msk [tilespmem:v32+s17+$0x0], $0xffff;
	v32 =	vadd.s32 $0xA, v22;
	[tilespmem:s4+$0x0] =	vst v29;
	s4 =	sor.u32 s8, s16;
	s16 =	sor.u32 s26, s16  }
0x1cb: {  	s2 =	sadd.s32 $0x100, s2;
	v42 =	vadd.s32 $0x1, v27;
	v43 =	vld.idx.msk [tilespmem:v35+s17+$0x0], $0xffff;
	[tilespmem:s16+$0x0] =	vst v31  }
0x1cc: {  	s16 =	sand.u32 $0x3C00, s2;
	v31 =	vadd.s32 $0x6, v25;
	[tilespmem:s1+$0x0] =	vst v36;
	v44 =	vld.idx.msk [tilespmem:v37+s17+$0x0], $0xffff  }
0x1cd: {  	v45 =	vadd.s32 $0xB, v23;
	s1 =	sadd.s32 $0xB780, s16;
	[tilespmem:s22+$0x200] =	vst v38;
	v29 =	vld.idx.msk [tilespmem:v40+s17+$0x0], $0xffff  }
.Ltmp3:
0x1ce: {  	s25 =	sor.u32 s0, s1;
	s28 =	sor.u32 s3, s1;
	v35 =	vld.idx.msk [tilespmem:v41+s17+$0x0], $0xffff;
	[tilespmem:s5+$0x0] =	vst v39;
	(pc) =	sbr.rel @p1 .LBB2_5-.Ltmp3, $4  }
0x1cf: {  	v38 =	vadd.s32 $0x1, v28;
	s1 =	sadd.s32 $0xE080, s9;
	[tilespmem:s28+$0x0] =	vst v33;
	v32 =	vld.idx.msk [tilespmem:v32+s17+$0x0], $0xffff  }
0x1d0: {  	v36 =	vadd.s32 $0x6, v26;
	s5 =	sadd.s32 $0xE300, s24;
	v37 =	vld.idx.msk [tilespmem:v42+s17+$0x0], $0xffff;
	[tilespmem:s29+$0x280] =	vst v34;
	s29 =	sor.u32 s23, s1;
	s1 =	sor.u32 s7, s1  }
0x1d1: {  	s6 =	sadd.s32 $0x1, s6;
	v34 =	vld.idx.msk [tilespmem:v31+s17+$0x0], $0xffff;
	v31 =	vadd.s32 $0xB, v22;
	[tilespmem:s1+$0x0] =	vst v43;
	s1 =	sor.u32 s8, s5;
	s5 =	sor.u32 s26, s5  }
0x1d2: {  	s21 =	sadd.s32 $0x20, s21;
	s19 =	sand.u32 $0x3, s6;
	v39 =	vadd.s32 $0x2, v27;
	s8 =	smov.u32 s23;
	v33 =	vld.idx.msk [tilespmem:v45+s17+$0x0], $0xffff;
	[tilespmem:s5+$0x0] =	vst v44  }
0x1d3: {  	_ =	sdelay $0x2  }
0x1d4: {  	[tilespmem:s25+$0x0] =	vst v30  }
0x1d5: {  	v30 =	vld.idx.msk [tilespmem:v38+s17+$0x0], $0xffff  }
0x1d6: {  	v53 =	vadd.s32 $0x2, v28;
	_ =	sdelay $0x2  }
0x1d7: {  	[tilespmem:s28+$0x80] =	vst v37  }
0x1d8: {  	v37 =	vld.idx.msk [tilespmem:v39+s17+$0x0], $0xffff;
	[tilespmem:s25+$0x80] =	vst v30  }
0x1d9: {  	v54 =	vadd.s32 $0x3, v27;
	v38 =	vld.idx.msk [tilespmem:v53+s17+$0x0], $0xffff  }
0x1da: {  	v55 =	vadd.s32 $0x3, v28;
	_ =	sdelay $0x2  }
0x1db: {  	[tilespmem:s28+$0x100] =	vst v37  }
0x1dc: {  	v30 =	vld.idx.msk [tilespmem:v54+s17+$0x0], $0xffff;
	[tilespmem:s25+$0x100] =	vst v38  }
0x1dd: {  	v56 =	vadd.s32 $0x4, v27;
	v38 =	vld.idx.msk [tilespmem:v55+s17+$0x0], $0xffff  }
0x1de: {  	v57 =	vadd.s32 $0x4, v28;
	_ =	sdelay $0x2  }
0x1df: {  	[tilespmem:s28+$0x180] =	vst v30  }
0x1e0: {  	v30 =	vld.idx.msk [tilespmem:v56+s17+$0x0], $0xffff;
	[tilespmem:s25+$0x180] =	vst v38  }
0x1e1: {  	v58 =	vadd.s32 $0x5, v27;
	v38 =	vld.idx.msk [tilespmem:v57+s17+$0x0], $0xffff  }
0x1e2: {  	v59 =	vadd.s32 $0x5, v28;
	_ =	sdelay $0x2  }
0x1e3: {  	[tilespmem:s28+$0x200] =	vst v30  }
0x1e4: {  	v30 =	vld.idx.msk [tilespmem:v58+s17+$0x0], $0xffff;
	[tilespmem:s25+$0x200] =	vst v38  }
0x1e5: {  	v60 =	vadd.s32 $0x6, v27;
	v38 =	vld.idx.msk [tilespmem:v59+s17+$0x0], $0xffff  }
0x1e6: {  	v61 =	vadd.s32 $0x6, v28;
	_ =	sdelay $0x1  }
0x1e7: {  	[tilespmem:s22+$0x280] =	vst v35  }
0x1e8: {  	s5 =	sshll.u32 s19, $0x5;
	v62 =	vadd.s32 $0x7, v25;
	s6 =	sadd.s32 $0x1, s6;
	v35 =	vld.idx.msk [tilespmem:v36+s17+$0x0], $0xffff;
	[tilespmem:s28+$0x280] =	vst v30  }
0x1e9: {  	v63 =	vadd.s32 $0x7, v26;
	s5 =	sadd.s32 s5, s15;
	s6 =	sand.u32 $0x3, s6;
	v37 =	vld.idx.msk [tilespmem:v60+s17+$0x0], $0xffff;
	[tilespmem:s25+$0x280] =	vst v38  }
0x1ea: {  	v44 =	vadd.s32 $0x7, v27;
	s10 =	sadd.s32 $0x10, s5;
	s6 =	sshll.u32 s6, $0x5;
	v39 =	vld.idx.msk [tilespmem:v61+s17+$0x0], $0xffff  }
0x1eb: {  	v40 =	vadd.s32 $0x7, v28;
	s2 =	sadd.s32 s6, s2;
	s28 =	sor.u32 $0x300, s10  }
0x1ec: {  	s18 =	sor.u32 $0x300, s5;
	s19 =	sadd.s32 $0x10, s2;
	[tilespmem:s28+$0xB780] =	vst v34  }
0x1ed: {  	s20 =	sor.u32 $0x300, s19;
	[tilespmem:s18+$0xB780] =	vst v35;
	v30 =	vld.idx.msk [tilespmem:v62+s17+$0x0], $0xffff  }
0x1ee: {  	v45 =	vadd.s32 $0x8, v25;
	s21 =	sor.u32 $0x300, s2;
	v35 =	vld.idx.msk [tilespmem:v63+s17+$0x0], $0xffff;
	[tilespmem:s20+$0xB780] =	vst v37  }
0x1ef: {  	v46 =	vadd.s32 $0x8, v26;
	v37 =	vld.idx.msk [tilespmem:v44+s17+$0x0], $0xffff;
	[tilespmem:s21+$0xB780] =	vst v39  }
0x1f0: {  	v47 =	vadd.s32 $0x8, v27;
	v39 =	vld.idx.msk [tilespmem:v40+s17+$0x0], $0xffff  }
0x1f1: {  	v48 =	vadd.s32 $0x8, v28;
	s22 =	sor.u32 $0x380, s10  }
0x1f2: {  	s5 =	sor.u32 $0x380, s5;
	[tilespmem:s22+$0xB780] =	vst v30  }
0x1f3: {  	s23 =	sor.u32 $0x380, s19;
	[tilespmem:s5+$0xB780] =	vst v35;
	v30 =	vld.idx.msk [tilespmem:v45+s17+$0x0], $0xffff  }
0x1f4: {  	v49 =	vadd.s32 $0x9, v25;
	s2 =	sor.u32 $0x380, s2;
	v35 =	vld.idx.msk [tilespmem:v46+s17+$0x0], $0xffff;
	[tilespmem:s23+$0xB780] =	vst v37  }
0x1f5: {  	v50 =	vadd.s32 $0x9, v26;
	v37 =	vld.idx.msk [tilespmem:v47+s17+$0x0], $0xffff;
	[tilespmem:s2+$0xB780] =	vst v39  }
0x1f6: {  	s24 =	sadd.s32 $0xDF80, s13;
	v51 =	vadd.s32 $0x9, v27;
	v39 =	vld.idx.msk [tilespmem:v48+s17+$0x0], $0xffff  }
0x1f7: {  	v52 =	vadd.s32 $0x9, v28;
	s25 =	sor.u32 s12, s24  }
0x1f8: {  	s26 =	sadd.s32 $0xDF80, s16;
	[tilespmem:s25+$0x0] =	vst v30;
	s2 =	sor.u32 s11, s24  }
0x1f9: {  	s28 =	sor.u32 s3, s26;
	v30 =	vld.idx.msk [tilespmem:v49+s17+$0x0], $0xffff;
	[tilespmem:s2+$0x0] =	vst v35  }
0x1fa: {  	s6 =	sor.u32 s0, s26;
	v53 =	vadd.s32 $0xA, v25;
	[tilespmem:s28+$0x0] =	vst v37;
	v35 =	vld.idx.msk [tilespmem:v50+s17+$0x0], $0xffff  }
0x1fb: {  	v54 =	vadd.s32 $0xA, v26;
	v37 =	vld.idx.msk [tilespmem:v51+s17+$0x0], $0xffff;
	[tilespmem:s6+$0x0] =	vst v39  }
0x1fc: {  	v55 =	vadd.s32 $0xA, v27;
	s10 =	sadd.s32 $0xE000, s13;
	v39 =	vld.idx.msk [tilespmem:v52+s17+$0x0], $0xffff  }
0x1fd: {  	[tilespmem:s4+$0x0] =	vst v29;
	v56 =	vadd.s32 $0xA, v28;
	s15 =	sor.u32 s12, s10  }
0x1fe: {  	v24 =	vadd.s32 $0xF, v24;
	s18 =	sadd.s32 $0xE000, s16;
	s2 =	sor.u32 s11, s10;
	[tilespmem:s15+$0x0] =	vst v30  }
0x1ff: {  	s19 =	sor.u32 s3, s18;
	v34 =	vld.idx.msk [tilespmem:v53+s17+$0x0], $0xffff;
	[tilespmem:s2+$0x0] =	vst v35  }
0x200: {  	s5 =	sor.u32 s0, s18;
	v58 =	vadd.s32 $0xB, v25;
	[tilespmem:s19+$0x0] =	vst v37;
	v36 =	vld.idx.msk [tilespmem:v54+s17+$0x0], $0xffff  }
0x201: {  	v59 =	vadd.s32 $0xB, v26;
	s20 =	sadd.s32 $0xE100, s9;
	v38 =	vld.idx.msk [tilespmem:v55+s17+$0x0], $0xffff;
	[tilespmem:s5+$0x0] =	vst v39  }
0x202: {  	[tilespmem:s29+$0x0] =	vst v32;
	v60 =	vadd.s32 $0xB, v27;
	s22 =	sadd.s32 $0xE080, s13;
	s21 =	sor.u32 s7, s20;
	v32 =	vld.idx.msk [tilespmem:v56+s17+$0x0], $0xffff  }
0x203: {  	v24 =	vld.idx.msk [tilespmem:v24+s17+$0x0], $0xffff;
	v61 =	vadd.s32 $0xB, v28;
	[tilespmem:s21+$0x0] =	vst v33;
	s23 =	sor.u32 s12, s22  }
0x204: {  	v31 =	vld.idx.msk [tilespmem:v31+s17+$0x0], $0xffff;
	v57 =	vadd.s32 $0xC, v23;
	s24 =	sadd.s32 $0xE080, s16;
	[tilespmem:s23+$0x0] =	vst v34;
	s5 =	sor.u32 s11, s22  }
0x205: {  	v62 =	vadd.s32 $0xC, v22;
	s25 =	sor.u32 s3, s24;
	v35 =	vld.idx.msk [tilespmem:v58+s17+$0x0], $0xffff;
	[tilespmem:s5+$0x0] =	vst v36  }
0x206: {  	v63 =	vadd.s32 $0xC, v25;
	s4 =	sor.u32 s0, s24;
	v37 =	vld.idx.msk [tilespmem:v59+s17+$0x0], $0xffff;
	[tilespmem:s25+$0x0] =	vst v38  }
0x207: {  	v40 =	vadd.s32 $0xC, v26;
	v33 =	vld.idx.msk [tilespmem:v60+s17+$0x0], $0xffff;
	[tilespmem:s4+$0x0] =	vst v32  }
0x208: {  	v41 =	vadd.s32 $0xC, v27;
	s29 =	sadd.s32 $0xE100, s13;
	[tilespmem:s1+$0x0] =	vst v24;
	s2 =	sor.u32 s8, s20;
	v29 =	vld.idx.msk [tilespmem:v61+s17+$0x0], $0xffff  }
0x209: {  	v42 =	vadd.s32 $0xC, v28;
	v30 =	vld.idx.msk [tilespmem:v57+s17+$0x0], $0xffff;
	s6 =	sor.u32 s12, s29;
	[tilespmem:s2+$0x0] =	vst v31  }
0x20a: {  	v43 =	vadd.s32 $0xD, v23;
	s10 =	sadd.s32 $0xE100, s16;
	v34 =	vld.idx.msk [tilespmem:v62+s17+$0x0], $0xffff;
	[tilespmem:s6+$0x0] =	vst v35;
	s4 =	sor.u32 s11, s29  }
0x20b: {  	v44 =	vadd.s32 $0xD, v22;
	s15 =	sor.u32 s3, s10;
	v36 =	vld.idx.msk [tilespmem:v63+s17+$0x0], $0xffff;
	[tilespmem:s4+$0x0] =	vst v37  }
0x20c: {  	s26 =	sadd.s32 $0xE180, s9;
	v45 =	vadd.s32 $0xD, v25;
	s2 =	sor.u32 s0, s10;
	[tilespmem:s15+$0x0] =	vst v33;
	v37 =	vld.idx.msk [tilespmem:v40+s17+$0x0], $0xffff  }
0x20d: {  	v46 =	vadd.s32 $0xD, v26;
	s28 =	sor.u32 s7, s26;
	v31 =	vld.idx.msk [tilespmem:v41+s17+$0x0], $0xffff;
	[tilespmem:s2+$0x0] =	vst v29  }
0x20e: {  	s18 =	sor.u32 s8, s26;
	v47 =	vadd.s32 $0xD, v27;
	[tilespmem:s28+$0x0] =	vst v30;
	s19 =	sadd.s32 $0xE180, s13;
	v30 =	vld.idx.msk [tilespmem:v42+s17+$0x0], $0xffff  }
0x20f: {  	v48 =	vadd.s32 $0xD, v28;
	s20 =	sor.u32 s12, s19;
	[tilespmem:s18+$0x0] =	vst v34;
	v32 =	vld.idx.msk [tilespmem:v43+s17+$0x0], $0xffff  }
0x210: {  	s21 =	sadd.s32 $0xE180, s16;
	v49 =	vadd.s32 $0xE, v23;
	s1 =	sor.u32 s11, s19;
	v35 =	vld.idx.msk [tilespmem:v44+s17+$0x0], $0xffff;
	[tilespmem:s20+$0x0] =	vst v36  }
0x211: {  	v50 =	vadd.s32 $0xE, v22;
	s22 =	sor.u32 s3, s21;
	v33 =	vld.idx.msk [tilespmem:v45+s17+$0x0], $0xffff;
	[tilespmem:s1+$0x0] =	vst v37  }
0x212: {  	v51 =	vadd.s32 $0xE, v25;
	s23 =	sadd.s32 $0xE200, s9;
	s2 =	sor.u32 s0, s21;
	[tilespmem:s22+$0x0] =	vst v31;
	v29 =	vld.idx.msk [tilespmem:v46+s17+$0x0], $0xffff  }
0x213: {  	v52 =	vadd.s32 $0xE, v26;
	s24 =	sor.u32 s7, s23;
	v24 =	vld.idx.msk [tilespmem:v47+s17+$0x0], $0xffff;
	[tilespmem:s2+$0x0] =	vst v30  }
0x214: {  	v53 =	vadd.s32 $0xE, v27;
	s25 =	sadd.s32 $0xE200, s13;
	[tilespmem:s24+$0x0] =	vst v32;
	s1 =	sor.u32 s8, s23;
	v34 =	vld.idx.msk [tilespmem:v48+s17+$0x0], $0xffff  }
0x215: {  	v55 =	vadd.s32 $0xE, v28;
	s26 =	sor.u32 s12, s25;
	v54 =	vld.idx.msk [tilespmem:v49+s17+$0x0], $0xffff;
	[tilespmem:s1+$0x0] =	vst v35  }
0x216: {  	v23 =	vadd.s32 $0xF, v23;
	s28 =	sadd.s32 $0xE200, s16;
	v36 =	vld.idx.msk [tilespmem:v50+s17+$0x0], $0xffff;
	[tilespmem:s26+$0x0] =	vst v33;
	s2 =	sor.u32 s11, s25  }
0x217: {  	v22 =	vadd.s32 $0xF, v22;
	s29 =	sor.u32 s3, s28;
	v31 =	vld.idx.msk [tilespmem:v51+s17+$0x0], $0xffff;
	[tilespmem:s2+$0x0] =	vst v29  }
0x218: {  	v56 =	vadd.s32 $0xF, v25;
	s4 =	sadd.s32 $0xE280, s9;
	s1 =	sor.u32 s0, s28;
	[tilespmem:s29+$0x0] =	vst v24;
	v57 =	vld.idx.msk [tilespmem:v52+s17+$0x0], $0xffff  }
0x219: {  	v58 =	vadd.s32 $0xF, v26;
	s5 =	sor.u32 s7, s4;
	v59 =	vld.idx.msk [tilespmem:v53+s17+$0x0], $0xffff;
	[tilespmem:s1+$0x0] =	vst v34  }
0x21a: {  	s6 =	sadd.s32 $0xE280, s13;
	v60 =	vadd.s32 $0xF, v27;
	[tilespmem:s5+$0x0] =	vst v54;
	s2 =	sor.u32 s8, s4;
	v61 =	vld.idx.msk [tilespmem:v55+s17+$0x0], $0xffff  }
0x21b: {  	v62 =	vadd.s32 $0xF, v28;
	s10 =	sor.u32 s12, s6;
	v23 =	vld.idx.msk [tilespmem:v23+s17+$0x0], $0xffff;
	[tilespmem:s2+$0x0] =	vst v36  }
0x21c: {  	s15 =	sadd.s32 $0xE280, s16;
	v22 =	vld.idx.msk [tilespmem:v22+s17+$0x0], $0xffff;
	[tilespmem:s10+$0x0] =	vst v31;
	s1 =	sor.u32 s11, s6  }
0x21d: {  	s18 =	sor.u32 s3, s15;
	v24 =	vld.idx.msk [tilespmem:v56+s17+$0x0], $0xffff;
	[tilespmem:s1+$0x0] =	vst v57  }
0x21e: {  	s19 =	sadd.s32 $0xE300, s9;
	s2 =	sor.u32 s0, s15;
	[tilespmem:s18+$0x0] =	vst v59;
	v25 =	vld.idx.msk [tilespmem:v58+s17+$0x0], $0xffff  }
0x21f: {  	s20 =	sor.u32 s7, s19;
	v63 =	vld.idx.msk [tilespmem:v60+s17+$0x0], $0xffff;
	[tilespmem:s2+$0x0] =	vst v61  }
0x220: {  	s21 =	sadd.s32 $0xE300, s13;
	[tilespmem:s20+$0x0] =	vst v23;
	s1 =	sor.u32 s8, s19;
	v23 =	vld.idx.msk [tilespmem:v62+s17+$0x0], $0xffff  }
0x221: {  	s22 =	sor.u32 s12, s21;
	[tilespmem:s1+$0x0] =	vst v22  }
0x222: {  	s23 =	sadd.s32 $0xE300, s16;
	[tilespmem:s22+$0x0] =	vst v24;
	s2 =	sor.u32 s11, s21  }
0x223: {  	s24 =	sor.u32 s3, s23;
	[tilespmem:s2+$0x0] =	vst v25  }
0x224: {  	s25 =	sor.u32 s0, s23;
	[tilespmem:s24+$0x0] =	vst v63  }
0x225: {  	s14 =	sadd.s32 $0x1, s14;
	s26 =	simm.s32 $0x4;
	[tilespmem:s25+$0x0] =	vst v23  }
0x226: {  	p1 =	sne.s32 s14, $0x3;
	_ =	swait.ge [sflag:s26], $0x5000  }
.Ltmp4:
0x227: {  	[sflag:s26] =	ssyncset.done $0x0;
	(pc) =	sbr.rel @p1 .LBB2_2-.Ltmp4, $4  }
0x228: {  	s28 =	rddreg [dreg:$0x10];
	[sflag:s26] =	ssyncadd.s32 $0xFFFFB000  }
0x229: {  	s30 =	simm.s32 $0x2800;
	s0 =	rddreg [dreg:$0x3]  }
0x22a: {  	s4 =	simm.s32 $0x271000;
	s29 =	simm.s32 $0xB780;
	s0 =	sadd.s32 s0, s28  }
0x22b: {  	[hbm4b:s0+s30] =	stream.strided.scatter [tilespmem:s29], [sflag:$0x6], $0xA000, s4, s30, $0x38;
	[tilespmem:$0x15780] =	vst v63  }
0x22c: {  	s0 =	simm.s32 $0x6  }
0x22d: {  	s1 =	simm.s32 @!p0 $0x1280;
	s16 =	simm.s32 $0x0;
	_ =	swait.ge [sflag:s0], $0xA000  }
0x22e: {  	s19 =	simm.s32 $0x1;
	[sflag:s0] =	ssyncset.done $0x0;
	s2 =	rddreg [dreg:$0xa]  }
0x22f: {  	s3 =	rddreg [dreg:$0xb];
	[sflag:s0] =	ssyncadd.s32 $0xFFFF6000;
	s0 =	simm.s32 @!p0 $0x0  }
0x230: {  	[tilespmem:s1], [sflag:$0x2] =	stream.linear.gather @!p0 [hbm4b:s2+s0], $0x500, $0x38;
	[tilespmem:$0x15780] =	vst v63  }
0x231: {  	s0 =	simm.s32 @!p0 $0x2800;
	s1 =	simm.s32 @!p0 $0x271000;
	s2 =	simm.s32 @!p0 $0x10780  }
0x232: {  	[tilespmem:s2], [sflag:$0x4] =	stream.strided.gather @!p0 [hbm4b:s3+s0], $0x5000, s1, s0, $0x38;
	[tilespmem:$0x15780] =	vst v63  }
0x233: {  	s18 =	sand.u32 $0x60, s16;
	_ =	swait.ge [sflag:s19], $0x500  }
0x234: {  	s20 =	sand.u32 $0x780, s16;
	s21 =	sor.u32 $0x10, s18;
	[sflag:s19] =	ssyncset.done $0x0  }
0x235: {  	s0 =	sor.u32 s21, s20;
	[sflag:s19] =	ssyncadd.s32 $0xFFFFFB00  }
0x236: {  	v22 =	vld [tilespmem:s0+$0xD80];
	_ =	sdelay $0x1  }
0x237: {  	s22 =	simm.s32 $0xD80  }
0x238: {  	v23 =	vld [tilespmem:s22+$0x0];
	_ =	sdelay $0x1  }
0x239: {  	v29 =	vmul.u32 $0x11, v22;
	_ =	sdelay $0x2  }
0x23a: {  	v24 =	vmul.u32 $0x11, v23;
	_ =	sdelay $0x2  }
0x23b: {  	v22 =	vld.idx.msk [tilespmem:v29+s17+$0x0], $0xffff  }
0x23c: {  	v23 =	vadd.s32 $0x1, v29  }
0x23d: {  	s1 =	sand.u32 $0x3C00, s16  }
0x23e: {  	s23 =	sadd.s32 $0x1780, s1;
	v25 =	vld.idx.msk [tilespmem:v24+s17+$0x0], $0xffff  }
0x23f: {  	s4 =	sor.u32 s21, s23;
	v26 =	vadd.s32 $0x1, v24  }
0x240: {  	[tilespmem:s4+$0x0] =	vst v22  }
0x241: {  	v22 =	vld.idx.msk [tilespmem:v23+s17+$0x0], $0xffff  }
0x242: {  	s6 =	sor.u32 s18, s23;
	v23 =	vadd.s32 $0x2, v29  }
0x243: {  	[tilespmem:s6+$0x0] =	vst v25  }
0x244: {  	v25 =	vld.idx.msk [tilespmem:v26+s17+$0x0], $0xffff  }
0x245: {  	v26 =	vadd.s32 $0x2, v24  }
0x246: {  	[tilespmem:s4+$0x80] =	vst v22  }
0x247: {  	v22 =	vld.idx.msk [tilespmem:v23+s17+$0x0], $0xffff  }
0x248: {  	s24 =	simm.s32 $0x20;
	v23 =	vadd.s32 $0x3, v29  }
0x249: {  	s7 =	sand.u32 $0x60, s24;
	[tilespmem:s6+$0x80] =	vst v25  }
0x24a: {  	s5 =	sor.u32 $0x10, s7;
	s0 =	sand.u32 $0x780, s24;
	v25 =	vld.idx.msk [tilespmem:v26+s17+$0x0], $0xffff  }
0x24b: {  	s0 =	sor.u32 s5, s0;
	v26 =	vadd.s32 $0x3, v24  }
0x24c: {  	v27 =	vld [tilespmem:s0+$0xD80];
	[tilespmem:s4+$0x100] =	vst v22  }
0x24d: {  	v22 =	vld.idx.msk [tilespmem:v23+s17+$0x0], $0xffff  }
0x24e: {  	s25 =	simm.s32 $0xDA0;
	v28 =	vadd.s32 $0x4, v29  }
0x24f: {  	v30 =	vld [tilespmem:s25+$0x0];
	[tilespmem:s6+$0x100] =	vst v25  }
0x250: {  	v25 =	vld.idx.msk [tilespmem:v26+s17+$0x0], $0xffff  }
0x251: {  	v26 =	vadd.s32 $0x4, v24  }
0x252: {  	v23 =	vmul.u32 $0x11, v27;
	[tilespmem:s4+$0x180] =	vst v22  }
0x253: {  	v27 =	vld.idx.msk [tilespmem:v28+s17+$0x0], $0xffff  }
0x254: {  	v28 =	vadd.s32 $0x5, v29  }
0x255: {  	v22 =	vmul.u32 $0x11, v30;
	[tilespmem:s6+$0x180] =	vst v25  }
0x256: {  	v25 =	vld.idx.msk [tilespmem:v26+s17+$0x0], $0xffff  }
0x257: {  	v26 =	vadd.s32 $0x5, v24  }
0x258: {  	v30 =	vld.idx.msk [tilespmem:v23+s17+$0x0], $0xffff;
	[tilespmem:s4+$0x200] =	vst v27  }
0x259: {  	s26 =	simm.s32 $0x100;
	v27 =	vld.idx.msk [tilespmem:v28+s17+$0x0], $0xffff;
	v28 =	vadd.s32 $0x1, v23  }
0x25a: {  	s8 =	sand.u32 $0x3C00, s26;
	v31 =	vadd.s32 $0x6, v29  }
0x25b: {  	s0 =	sadd.s32 $0x1780, s8;
	v32 =	vld.idx.msk [tilespmem:v22+s17+$0x0], $0xffff;
	[tilespmem:s6+$0x200] =	vst v25  }
0x25c: {  	s28 =	sor.u32 s5, s0;
	v25 =	vld.idx.msk [tilespmem:v26+s17+$0x0], $0xffff;
	v26 =	vadd.s32 $0x1, v22  }
0x25d: {  	[tilespmem:s28+$0x0] =	vst v30;
	v30 =	vadd.s32 $0x6, v24  }
0x25e: {  	v28 =	vld.idx.msk [tilespmem:v28+s17+$0x0], $0xffff;
	[tilespmem:s4+$0x280] =	vst v27  }
0x25f: {  	s3 =	sand.u32 $0x3, s16;
	s0 =	sor.u32 s7, s0;
	v27 =	vld.idx.msk [tilespmem:v31+s17+$0x0], $0xffff;
	v31 =	vadd.s32 $0x2, v23  }
0x260: {  	s3 =	sshll.u32 s3, $0x5;
	v57 =	vadd.s32 $0x7, v29;
	[tilespmem:s0+$0x0] =	vst v32  }
0x261: {  	s3 =	sadd.s32 $0x0, s3;
	v26 =	vld.idx.msk [tilespmem:v26+s17+$0x0], $0xffff;
	[tilespmem:s6+$0x280] =	vst v25  }
0x262: {  	s29 =	sadd.s32 $0x10, s3;
	v25 =	vld.idx.msk [tilespmem:v30+s17+$0x0], $0xffff;
	v30 =	vadd.s32 $0x2, v22  }
0x263: {  	s11 =	sor.u32 $0x300, s29;
	[tilespmem:s28+$0x80] =	vst v28;
	v28 =	vadd.s32 $0x7, v24  }
0x264: {  	v31 =	vld.idx.msk [tilespmem:v31+s17+$0x0], $0xffff;
	[tilespmem:s11+$0x1780] =	vst v27  }
0x265: {  	s12 =	simm.s32 $0x40;
	v58 =	vadd.s32 $0x3, v23;
	v27 =	vld.idx.msk [tilespmem:v57+s17+$0x0], $0xffff  }
0x266: {  	s9 =	sand.u32 $0x60, s12;
	s10 =	sor.u32 $0x300, s3;
	[tilespmem:s0+$0x80] =	vst v26;
	v26 =	vadd.s32 $0x8, v29  }
0x267: {  	s6 =	sand.u32 $0x780, s12;
	s11 =	sor.u32 $0x10, s9;
	v30 =	vld.idx.msk [tilespmem:v30+s17+$0x0], $0xffff;
	[tilespmem:s10+$0x1780] =	vst v25  }
0x268: {  	s6 =	sor.u32 s11, s6;
	v25 =	vld.idx.msk [tilespmem:v28+s17+$0x0], $0xffff;
	v28 =	vadd.s32 $0x3, v22  }
0x269: {  	s4 =	sor.u32 $0x380, s29;
	v33 =	vld [tilespmem:s6+$0xD80];
	[tilespmem:s28+$0x100] =	vst v31;
	v31 =	vadd.s32 $0x8, v24  }
0x26a: {  	v32 =	vld.idx.msk [tilespmem:v58+s17+$0x0], $0xffff;
	[tilespmem:s4+$0x1780] =	vst v27  }
0x26b: {  	s13 =	simm.s32 $0xDC0;
	v27 =	vadd.s32 $0x4, v23;
	v26 =	vld.idx.msk [tilespmem:v26+s17+$0x0], $0xffff  }
0x26c: {  	s3 =	sor.u32 $0x380, s3;
	v34 =	vld [tilespmem:s13+$0x0];
	[tilespmem:s0+$0x100] =	vst v30;
	v30 =	vadd.s32 $0x9, v29  }
0x26d: {  	v28 =	vld.idx.msk [tilespmem:v28+s17+$0x0], $0xffff;
	[tilespmem:s3+$0x1780] =	vst v25  }
0x26e: {  	s14 =	sadd.s32 $0x3F80, s1;
	v35 =	vadd.s32 $0x4, v22;
	v31 =	vld.idx.msk [tilespmem:v31+s17+$0x0], $0xffff  }
0x26f: {  	s15 =	sor.u32 s21, s14;
	v59 =	vadd.s32 $0x9, v24;
	v25 =	vmul.u32 $0x11, v33;
	[tilespmem:s28+$0x180] =	vst v32  }
0x270: {  	v27 =	vld.idx.msk [tilespmem:v27+s17+$0x0], $0xffff;
	[tilespmem:s15+$0x0] =	vst v26  }
0x271: {  	s25 =	simm.s32 $0xDE0;
	v60 =	vadd.s32 $0x5, v23;
	v30 =	vld.idx.msk [tilespmem:v30+s17+$0x0], $0xffff  }
0x272: {  	v38 =	vld [tilespmem:s25+$0x0];
	s3 =	sor.u32 s18, s14;
	v26 =	vmul.u32 $0x11, v34;
	[tilespmem:s0+$0x180] =	vst v28;
	v28 =	vadd.s32 $0xA, v29  }
0x273: {  	v61 =	vld.idx.msk [tilespmem:v35+s17+$0x0], $0xffff;
	[tilespmem:s3+$0x0] =	vst v31  }
0x274: {  	s16 =	sor.u32 $0x4000, s1;
	v62 =	vadd.s32 $0x5, v22;
	v31 =	vld.idx.msk [tilespmem:v59+s17+$0x0], $0xffff  }
0x275: {  	s19 =	sor.u32 s21, s16;
	v63 =	vld.idx.msk [tilespmem:v25+s17+$0x0], $0xffff;
	[tilespmem:s28+$0x200] =	vst v27;
	v27 =	vadd.s32 $0xA, v24  }
0x276: {  	s13 =	simm.s32 $0x200;
	v33 =	vld.idx.msk [tilespmem:v60+s17+$0x0], $0xffff;
	[tilespmem:s19+$0x0] =	vst v30;
	v30 =	vadd.s32 $0x1, v25  }
0x277: {  	v36 =	vadd.s32 $0x6, v23;
	s12 =	sand.u32 $0x3C00, s13;
	v28 =	vld.idx.msk [tilespmem:v28+s17+$0x0], $0xffff  }
0x278: {  	v40 =	vadd.s32 $0xB, v29;
	s20 =	sadd.s32 $0x1780, s12;
	s3 =	sor.u32 s18, s16;
	v37 =	vld.idx.msk [tilespmem:v26+s17+$0x0], $0xffff;
	[tilespmem:s0+$0x200] =	vst v61  }
0x279: {  	s6 =	sor.u32 s11, s20;
	v32 =	vld.idx.msk [tilespmem:v62+s17+$0x0], $0xffff;
	[tilespmem:s3+$0x0] =	vst v31;
	v31 =	vadd.s32 $0x1, v26  }
0x27a: {  	s22 =	sor.u32 $0x4080, s1;
	v41 =	vadd.s32 $0x6, v22;
	[tilespmem:s6+$0x0] =	vst v63;
	v27 =	vld.idx.msk [tilespmem:v27+s17+$0x0], $0xffff  }
0x27b: {  	s23 =	sor.u32 s21, s22;
	v42 =	vadd.s32 $0xB, v24;
	v30 =	vld.idx.msk [tilespmem:v30+s17+$0x0], $0xffff;
	[tilespmem:s28+$0x280] =	vst v33  }
0x27c: {  	s24 =	simm.s32 $0x1;
	s15 =	sor.u32 s9, s20;
	v33 =	vld.idx.msk [tilespmem:v36+s17+$0x0], $0xffff;
	[tilespmem:s23+$0x0] =	vst v28;
	v28 =	vadd.s32 $0x2, v25  }
0x27d: {  	s2 =	sand.u32 $0x3, s24;
	[tilespmem:s15+$0x0] =	vst v37;
	v34 =	vld.idx.msk [tilespmem:v40+s17+$0x0], $0xffff  }
0x27e: {  	s2 =	sshll.u32 s2, $0x5;
	v43 =	vadd.s32 $0x7, v23;
	s16 =	simm.s32 $0x60;
	s3 =	sor.u32 s18, s22;
	v31 =	vld.idx.msk [tilespmem:v31+s17+$0x0], $0xffff;
	[tilespmem:s0+$0x280] =	vst v32  }
0x27f: {  	s2 =	sadd.s32 $0x100, s2;
	v44 =	vadd.s32 $0xC, v29;
	s0 =	sand.u32 $0x60, s16;
	v35 =	vld.idx.msk [tilespmem:v41+s17+$0x0], $0xffff;
	[tilespmem:s3+$0x0] =	vst v27  }
0x280: {  	s26 =	sadd.s32 $0x10, s2;
	s19 =	sand.u32 $0x780, s16;
	v27 =	vadd.s32 $0x2, v26;
	s3 =	sor.u32 $0x10, s0;
	[tilespmem:s6+$0x80] =	vst v30;
	v30 =	vld.idx.msk [tilespmem:v42+s17+$0x0], $0xffff  }
0x281: {  	v45 =	vadd.s32 $0x7, v22;
	s29 =	sor.u32 $0x4100, s1;
	s28 =	sor.u32 $0x300, s26;
	s22 =	sor.u32 s3, s19;
	v28 =	vld.idx.msk [tilespmem:v28+s17+$0x0], $0xffff  }
0x282: {  	v48 =	vadd.s32 $0xC, v24;
	s20 =	sor.u32 s21, s29;
	[tilespmem:s28+$0x1780] =	vst v33;
	v39 =	vld [tilespmem:s22+$0xD80]  }
0x283: {  	v46 =	vadd.s32 $0x3, v25;
	v33 =	vld.idx.msk [tilespmem:v43+s17+$0x0], $0xffff;
	[tilespmem:s20+$0x0] =	vst v34  }
0x284: {  	s14 =	sor.u32 $0x300, s2;
	v32 =	vld.idx.msk [tilespmem:v44+s17+$0x0], $0xffff;
	[tilespmem:s15+$0x80] =	vst v31;
	v31 =	vadd.s32 $0x8, v23  }
0x285: {  	v47 =	vadd.s32 $0xD, v29;
	s10 =	sor.u32 s18, s29;
	v27 =	vld.idx.msk [tilespmem:v27+s17+$0x0], $0xffff;
	[tilespmem:s14+$0x1780] =	vst v35  }
0x286: {  	v40 =	vadd.s32 $0x3, v26;
	v36 =	vld.idx.msk [tilespmem:v45+s17+$0x0], $0xffff;
	[tilespmem:s10+$0x0] =	vst v30  }
0x287: {  	v49 =	vadd.s32 $0x8, v22;
	s4 =	sor.u32 $0x380, s26;
	s23 =	sor.u32 $0x4180, s1;
	[tilespmem:s6+$0x100] =	vst v28;
	v28 =	vmul.u32 $0x11, v38;
	v37 =	vld.idx.msk [tilespmem:v48+s17+$0x0], $0xffff  }
0x288: {  	s24 =	sor.u32 s21, s23;
	v34 =	vld.idx.msk [tilespmem:v46+s17+$0x0], $0xffff;
	[tilespmem:s4+$0x1780] =	vst v33  }
0x289: {  	v41 =	vadd.s32 $0xD, v24;
	v31 =	vld.idx.msk [tilespmem:v31+s17+$0x0], $0xffff;
	[tilespmem:s24+$0x0] =	vst v32  }
0x28a: {  	s2 =	sor.u32 $0x380, s2;
	v50 =	vadd.s32 $0x4, v25;
	v51 =	vld.idx.msk [tilespmem:v47+s17+$0x0], $0xffff;
	[tilespmem:s15+$0x100] =	vst v27  }
0x28b: {  	v52 =	vadd.s32 $0x9, v23;
	v40 =	vld.idx.msk [tilespmem:v40+s17+$0x0], $0xffff;
	[tilespmem:s2+$0x1780] =	vst v36  }
0x28c: {  	v53 =	vadd.s32 $0xE, v29;
	s14 =	sor.u32 s18, s23;
	v38 =	vld.idx.msk [tilespmem:v49+s17+$0x0], $0xffff  }
0x28d: {  	s25 =	sadd.s32 $0x3F80, s8;
	v42 =	vadd.s32 $0x4, v26;
	v27 =	vmul.u32 $0x11, v39;
	[tilespmem:s14+$0x0] =	vst v37;
	v30 =	vld.idx.msk [tilespmem:v28+s17+$0x0], $0xffff  }
0x28e: {  	s26 =	sor.u32 s5, s25;
	s28 =	sor.u32 $0x4200, s1;
	[tilespmem:s6+$0x180] =	vst v34;
	v37 =	vld.idx.msk [tilespmem:v41+s17+$0x0], $0xffff  }
0x28f: {  	v54 =	vadd.s32 $0x9, v22;
	s29 =	sor.u32 s21, s28;
	v32 =	vld.idx.msk [tilespmem:v50+s17+$0x0], $0xffff;
	[tilespmem:s26+$0x0] =	vst v31  }
0x290: {  	v55 =	vadd.s32 $0x5, v25;
	v31 =	vld.idx.msk [tilespmem:v52+s17+$0x0], $0xffff;
	[tilespmem:s29+$0x0] =	vst v51  }
0x291: {  	v57 =	vadd.s32 $0xA, v23;
	s2 =	sor.u32 s7, s25;
	v56 =	vld.idx.msk [tilespmem:v53+s17+$0x0], $0xffff;
	[tilespmem:s15+$0x180] =	vst v40  }
0x292: {  	v29 =	vadd.s32 $0xF, v29;
	s10 =	sor.u32 s18, s28;
	v58 =	vld.idx.msk [tilespmem:v42+s17+$0x0], $0xffff;
	[tilespmem:s2+$0x0] =	vst v38  }
0x293: {  	v59 =	vadd.s32 $0xE, v24;
	s19 =	sor.u32 $0x4000, s8;
	v60 =	vld.idx.msk [tilespmem:v27+s17+$0x0], $0xffff;
	[tilespmem:s10+$0x0] =	vst v37  }
0x294: {  	v61 =	vadd.s32 $0x5, v26;
	s22 =	sor.u32 $0x4280, s1;
	s20 =	sor.u32 s5, s19;
	s2 =	simm.s32 $0x300;
	v34 =	vld.idx.msk [tilespmem:v54+s17+$0x0], $0xffff;
	[tilespmem:s6+$0x200] =	vst v32  }
0x295: {  	v62 =	vadd.s32 $0xA, v22;
	s23 =	sor.u32 s21, s22;
	s14 =	sand.u32 $0x3C00, s2;
	v33 =	vld.idx.msk [tilespmem:v55+s17+$0x0], $0xffff;
	[tilespmem:s20+$0x0] =	vst v31  }
0x296: {  	v31 =	vadd.s32 $0x1, v27;
	s20 =	sadd.s32 $0x1780, s14;
	v36 =	vld.idx.msk [tilespmem:v57+s17+$0x0], $0xffff;
	[tilespmem:s23+$0x0] =	vst v56  }
0x297: {  	v63 =	vadd.s32 $0x6, v25;
	s26 =	sor.u32 s3, s20;
	v43 =	vld.idx.msk [tilespmem:v29+s17+$0x0], $0xffff;
	[tilespmem:s15+$0x200] =	vst v58  }
0x298: {  	v44 =	vadd.s32 $0xB, v23;
	s4 =	sor.u32 s7, s19;
	v29 =	vld.idx.msk [tilespmem:v59+s17+$0x0], $0xffff;
	[tilespmem:s26+$0x0] =	vst v60  }
0x299: {  	s24 =	sor.u32 $0x4080, s8;
	v35 =	vld.idx.msk [tilespmem:v61+s17+$0x0], $0xffff;
	[tilespmem:s4+$0x0] =	vst v34  }
0x29a: {  	s1 =	sor.u32 $0x4300, s1;
	s28 =	sor.u32 s5, s24;
	v38 =	vadd.s32 $0x1, v28;
	v32 =	vld.idx.msk [tilespmem:v62+s17+$0x0], $0xffff;
	[tilespmem:s6+$0x280] =	vst v33  }
0x29b: {  	s29 =	sor.u32 s21, s1;
	s1 =	sor.u32 s18, s1;
	s10 =	simm.s32 $0x6;
	v37 =	vld.idx.msk [tilespmem:v31+s17+$0x0], $0xffff;
	[tilespmem:s28+$0x0] =	vst v36;
	v36 =	vadd.s32 $0x6, v26  }
0x29c: {  	s25 =	sor.u32 s0, s20;
	s23 =	sor.u32 s7, s24;
	s6 =	simm.s32 $0x2;
	v31 =	vadd.s32 $0xB, v22;
	v34 =	vld.idx.msk [tilespmem:v63+s17+$0x0], $0xffff  }
0x29d: {  	v39 =	vadd.s32 $0x2, v27;
	s4 =	sor.u32 s18, s22;
	s18 =	simm.s32 $0xE00;
	s19 =	sand.u32 $0x3, s6;
	[tilespmem:s29+$0x0] =	vst v43;
	v33 =	vld.idx.msk [tilespmem:v44+s17+$0x0], $0xffff  }
.LBB2_8:
0x29e: {  	v40 =	vld [tilespmem:s18+$0x0];
	[tilespmem:s25+$0x0] =	vst v30;
	s19 =	sshll.u32 s19, $0x5;
	v30 =	vadd.s32 $0x7, v25;
	s21 =	smov.u32 s9;
	s9 =	smov.u32 s0  }
0x29f: {  	s22 =	smov.u32 s5;
	s5 =	smov.u32 s11;
	v38 =	vld.idx.msk [tilespmem:v38+s17+$0x0], $0xffff;
	s0 =	sadd.s32 s19, s13;
	[tilespmem:s15+$0x280] =	vst v35;
	v35 =	vadd.s32 $0xC, v23  }
0x2a0: {  	v36 =	vld.idx.msk [tilespmem:v36+s17+$0x0], $0xffff;
	s20 =	sor.u32 $0x300, s0;
	s19 =	sor.u32 $0x380, s0;
	s28 =	sadd.s32 $0x10, s0;
	[tilespmem:s23+$0x0] =	vst v32;
	v32 =	vadd.s32 $0xF, v24;
	v24 =	vmovc v22;
	v22 =	vmov v26;
	v26 =	vmov v28  }
0x2a1: {  	s11 =	smov.u32 s3;
	s13 =	sor.u32 $0x4100, s8;
	v28 =	vadd.s32 $0x2, v26;
	[tilespmem:s26+$0x80] =	vst v37;
	s0 =	sor.u32 $0x300, s28;
	v31 =	vld.idx.msk [tilespmem:v31+s17+$0x0], $0xffff  }
0x2a2: {  	s29 =	sor.u32 s7, s13;
	v37 =	vld.idx.msk [tilespmem:v39+s17+$0x0], $0xffff;
	v39 =	vadd.s32 $0x7, v22;
	[tilespmem:s0+$0x1780] =	vst v34;
	s0 =	sor.u32 s22, s13;
	s13 =	smov.u32 s2  }
0x2a3: {  	s24 =	smov.u32 s8;
	s8 =	smov.u32 s12;
	s12 =	smov.u32 s14;
	v30 =	vld.idx.msk [tilespmem:v30+s17+$0x0], $0xffff;
	[tilespmem:s0+$0x0] =	vst v33  }
0x2a4: {  	s16 =	sadd.s32 $0x20, s16;
	s15 =	smov.u32 s25;
	s23 =	smov.u32 s26;
	v33 =	vadd.s32 $0x3, v27;
	v34 =	vld.idx.msk [tilespmem:v35+s17+$0x0], $0xffff;
	[tilespmem:s4+$0x0] =	vst v29  }
0x2a5: {  	s0 =	sand.u32 $0x60, s16;
	v29 =	vadd.s32 $0x8, v25;
	[tilespmem:s15+$0x80] =	vst v38;
	v32 =	vld.idx.msk [tilespmem:v32+s17+$0x0], $0xffff  }
0x2a6: {  	s3 =	sor.u32 $0x10, s0;
	s4 =	sand.u32 $0x780, s16;
	v35 =	vld.idx.msk [tilespmem:v28+s17+$0x0], $0xffff;
	[tilespmem:s20+$0x1780] =	vst v36;
	v36 =	vadd.s32 $0xD, v23  }
0x2a7: {  	s4 =	sor.u32 s3, s4;
	v38 =	vld.idx.msk [tilespmem:v39+s17+$0x0], $0xffff;
	[tilespmem:s29+$0x0] =	vst v31;
	v31 =	vadd.s32 $0xC, v24  }
0x2a8: {  	s10 =	sadd.s32 $0x2, s10;
	s14 =	sor.u32 $0x4180, s24;
	v41 =	vadd.s32 $0x3, v26;
	v39 =	vld [tilespmem:s4+$0xD80];
	[tilespmem:s23+$0x100] =	vst v37;
	s4 =	sor.u32 $0x380, s28  }
0x2a9: {  	p1 =	slt.u32 s10, $0x4E;
	v28 =	vmul.u32 $0x11, v40;
	v37 =	vadd.s32 $0x8, v22;
	v33 =	vld.idx.msk [tilespmem:v33+s17+$0x0], $0xffff;
	[tilespmem:s4+$0x1780] =	vst v30;
	s4 =	sor.u32 s7, s14;
	s14 =	sor.u32 s22, s14  }
0x2aa: {  	v29 =	vld.idx.msk [tilespmem:v29+s17+$0x0], $0xffff;
	[tilespmem:s14+$0x0] =	vst v34  }
0x2ab: {  	v34 =	vadd.s32 $0x4, v27;
	v36 =	vld.idx.msk [tilespmem:v36+s17+$0x0], $0xffff;
	[tilespmem:s1+$0x0] =	vst v32  }
0x2ac: {  	v32 =	vadd.s32 $0x9, v25;
	[tilespmem:s15+$0x100] =	vst v35;
	v31 =	vld.idx.msk [tilespmem:v31+s17+$0x0], $0xffff  }
0x2ad: {  	v35 =	vld.idx.msk [tilespmem:v41+s17+$0x0], $0xffff;
	[tilespmem:s19+$0x1780] =	vst v38;
	v38 =	vadd.s32 $0xE, v23  }
0x2ae: {  	v40 =	vadd.s32 $0xD, v24;
	s1 =	sadd.s32 $0x3F80, s8;
	v37 =	vld.idx.msk [tilespmem:v37+s17+$0x0], $0xffff  }
0x2af: {  	s14 =	sor.u32 s21, s1;
	s1 =	sor.u32 s5, s1;
	v41 =	vadd.s32 $0x4, v26;
	s19 =	sor.u32 $0x4200, s24;
	v30 =	vld.idx.msk [tilespmem:v28+s17+$0x0], $0xffff;
	[tilespmem:s23+$0x180] =	vst v33  }
0x2b0: {  	v33 =	vmul.u32 $0x11, v39;
	v39 =	vadd.s32 $0x9, v22;
	v34 =	vld.idx.msk [tilespmem:v34+s17+$0x0], $0xffff;
	[tilespmem:s1+$0x0] =	vst v29;
	s1 =	sor.u32 s7, s19;
	s19 =	sor.u32 s22, s19  }
0x2b1: {  	v29 =	vld.idx.msk [tilespmem:v32+s17+$0x0], $0xffff;
	[tilespmem:s19+$0x0] =	vst v36  }
0x2b2: {  	v32 =	vadd.s32 $0x5, v27;
	[tilespmem:s4+$0x0] =	vst v31;
	v31 =	vld.idx.msk [tilespmem:v38+s17+$0x0], $0xffff  }
0x2b3: {  	[tilespmem:s15+$0x180] =	vst v35;
	v35 =	vadd.s32 $0xA, v25;
	v36 =	vld.idx.msk [tilespmem:v40+s17+$0x0], $0xffff  }
0x2b4: {  	v38 =	vld.idx.msk [tilespmem:v41+s17+$0x0], $0xffff;
	[tilespmem:s14+$0x0] =	vst v37;
	v37 =	vadd.s32 $0xF, v23;
	v23 =	vmovc v25;
	v25 =	vmov v27;
	v27 =	vmov v33  }
0x2b5: {  	s4 =	sor.u32 $0x4000, s8;
	v40 =	vadd.s32 $0xE, v24;
	v39 =	vld.idx.msk [tilespmem:v39+s17+$0x0], $0xffff  }
0x2b6: {  	s19 =	sor.u32 s21, s4;
	s4 =	sor.u32 s5, s4;
	v41 =	vadd.s32 $0x5, v26;
	s14 =	sor.u32 $0x4280, s24;
	v33 =	vld.idx.msk [tilespmem:v33+s17+$0x0], $0xffff;
	[tilespmem:s23+$0x200] =	vst v34  }
0x2b7: {  	v34 =	vld.idx.msk [tilespmem:v32+s17+$0x0], $0xffff;
	v32 =	vadd.s32 $0xA, v22;
	[tilespmem:s4+$0x0] =	vst v29;
	s4 =	sor.u32 s7, s14;
	s14 =	sor.u32 s22, s14  }
0x2b8: {  	s2 =	sadd.s32 $0x100, s2;
	v42 =	vadd.s32 $0x1, v27;
	v43 =	vld.idx.msk [tilespmem:v35+s17+$0x0], $0xffff;
	[tilespmem:s14+$0x0] =	vst v31  }
0x2b9: {  	s14 =	sand.u32 $0x3C00, s2;
	v31 =	vadd.s32 $0x6, v25;
	[tilespmem:s1+$0x0] =	vst v36;
	v44 =	vld.idx.msk [tilespmem:v37+s17+$0x0], $0xffff  }
0x2ba: {  	v45 =	vadd.s32 $0xB, v23;
	s1 =	sadd.s32 $0x1780, s14;
	[tilespmem:s15+$0x200] =	vst v38;
	v29 =	vld.idx.msk [tilespmem:v40+s17+$0x0], $0xffff  }
.Ltmp5:
0x2bb: {  	s25 =	sor.u32 s0, s1;
	s26 =	sor.u32 s3, s1;
	v35 =	vld.idx.msk [tilespmem:v41+s17+$0x0], $0xffff;
	[tilespmem:s19+$0x0] =	vst v39;
	(pc) =	sbr.rel @p1 .LBB2_8-.Ltmp5, $4  }
0x2bc: {  	v38 =	vadd.s32 $0x1, v28;
	s1 =	sor.u32 $0x4080, s8;
	[tilespmem:s26+$0x0] =	vst v33;
	v32 =	vld.idx.msk [tilespmem:v32+s17+$0x0], $0xffff  }
0x2bd: {  	v36 =	vadd.s32 $0x6, v26;
	s19 =	sor.u32 $0x4300, s24;
	v37 =	vld.idx.msk [tilespmem:v42+s17+$0x0], $0xffff;
	[tilespmem:s23+$0x280] =	vst v34;
	s23 =	sor.u32 s21, s1;
	s1 =	sor.u32 s5, s1  }
0x2be: {  	s6 =	sadd.s32 $0x1, s6;
	v34 =	vld.idx.msk [tilespmem:v31+s17+$0x0], $0xffff;
	v31 =	vadd.s32 $0xB, v22;
	[tilespmem:s1+$0x0] =	vst v43;
	s1 =	sor.u32 s7, s19;
	s7 =	sor.u32 s22, s19  }
0x2bf: {  	s18 =	sadd.s32 $0x20, s18;
	v39 =	vadd.s32 $0x2, v27;
	s19 =	sand.u32 $0x3, s6;
	v33 =	vld.idx.msk [tilespmem:v45+s17+$0x0], $0xffff;
	[tilespmem:s7+$0x0] =	vst v44;
	s7 =	smov.u32 s21  }
0x2c0: {  	_ =	sdelay $0x2  }
0x2c1: {  	[tilespmem:s25+$0x0] =	vst v30  }
0x2c2: {  	v30 =	vld.idx.msk [tilespmem:v38+s17+$0x0], $0xffff  }
0x2c3: {  	v53 =	vadd.s32 $0x2, v28;
	_ =	sdelay $0x2  }
0x2c4: {  	[tilespmem:s26+$0x80] =	vst v37  }
0x2c5: {  	v37 =	vld.idx.msk [tilespmem:v39+s17+$0x0], $0xffff;
	[tilespmem:s25+$0x80] =	vst v30  }
0x2c6: {  	v54 =	vadd.s32 $0x3, v27;
	v38 =	vld.idx.msk [tilespmem:v53+s17+$0x0], $0xffff  }
0x2c7: {  	v55 =	vadd.s32 $0x3, v28;
	_ =	sdelay $0x2  }
0x2c8: {  	[tilespmem:s26+$0x100] =	vst v37  }
0x2c9: {  	v30 =	vld.idx.msk [tilespmem:v54+s17+$0x0], $0xffff;
	[tilespmem:s25+$0x100] =	vst v38  }
0x2ca: {  	v56 =	vadd.s32 $0x4, v27;
	v38 =	vld.idx.msk [tilespmem:v55+s17+$0x0], $0xffff  }
0x2cb: {  	v57 =	vadd.s32 $0x4, v28;
	_ =	sdelay $0x2  }
0x2cc: {  	[tilespmem:s26+$0x180] =	vst v30  }
0x2cd: {  	v30 =	vld.idx.msk [tilespmem:v56+s17+$0x0], $0xffff;
	[tilespmem:s25+$0x180] =	vst v38  }
0x2ce: {  	v58 =	vadd.s32 $0x5, v27;
	v38 =	vld.idx.msk [tilespmem:v57+s17+$0x0], $0xffff  }
0x2cf: {  	v59 =	vadd.s32 $0x5, v28;
	_ =	sdelay $0x2  }
0x2d0: {  	[tilespmem:s26+$0x200] =	vst v30  }
0x2d1: {  	v30 =	vld.idx.msk [tilespmem:v58+s17+$0x0], $0xffff;
	[tilespmem:s25+$0x200] =	vst v38  }
0x2d2: {  	v60 =	vadd.s32 $0x6, v27;
	v38 =	vld.idx.msk [tilespmem:v59+s17+$0x0], $0xffff  }
0x2d3: {  	v61 =	vadd.s32 $0x6, v28;
	_ =	sdelay $0x1  }
0x2d4: {  	[tilespmem:s15+$0x280] =	vst v35;
	s10 =	sshll.u32 s19, $0x5;
	v62 =	vadd.s32 $0x7, v25  }
0x2d5: {  	s6 =	sadd.s32 $0x1, s6;
	v35 =	vld.idx.msk [tilespmem:v36+s17+$0x0], $0xffff;
	s10 =	sadd.s32 s10, s13;
	[tilespmem:s26+$0x280] =	vst v30  }
0x2d6: {  	v63 =	vadd.s32 $0x7, v26;
	s6 =	sand.u32 $0x3, s6;
	s13 =	sadd.s32 $0x10, s10;
	v37 =	vld.idx.msk [tilespmem:v60+s17+$0x0], $0xffff;
	[tilespmem:s25+$0x280] =	vst v38  }
0x2d7: {  	v44 =	vadd.s32 $0x7, v27;
	s6 =	sshll.u32 s6, $0x5;
	s19 =	sor.u32 $0x300, s13;
	v39 =	vld.idx.msk [tilespmem:v61+s17+$0x0], $0xffff  }
0x2d8: {  	v40 =	vadd.s32 $0x7, v28;
	s2 =	sadd.s32 s6, s2;
	[tilespmem:s19+$0x1780] =	vst v34  }
0x2d9: {  	s20 =	sor.u32 $0x300, s10;
	s21 =	sadd.s32 $0x10, s2;
	v30 =	vld.idx.msk [tilespmem:v62+s17+$0x0], $0xffff  }
0x2da: {  	v45 =	vadd.s32 $0x8, v25;
	s22 =	sor.u32 $0x300, s21;
	[tilespmem:s20+$0x1780] =	vst v35  }
0x2db: {  	s24 =	sor.u32 $0x300, s2;
	v35 =	vld.idx.msk [tilespmem:v63+s17+$0x0], $0xffff;
	[tilespmem:s22+$0x1780] =	vst v37  }
0x2dc: {  	v46 =	vadd.s32 $0x8, v26;
	v37 =	vld.idx.msk [tilespmem:v44+s17+$0x0], $0xffff;
	[tilespmem:s24+$0x1780] =	vst v39  }
0x2dd: {  	v47 =	vadd.s32 $0x8, v27;
	s25 =	sor.u32 $0x380, s13;
	v39 =	vld.idx.msk [tilespmem:v40+s17+$0x0], $0xffff  }
0x2de: {  	v48 =	vadd.s32 $0x8, v28;
	[tilespmem:s25+$0x1780] =	vst v30  }
0x2df: {  	s26 =	sor.u32 $0x380, s10;
	v30 =	vld.idx.msk [tilespmem:v45+s17+$0x0], $0xffff  }
0x2e0: {  	v49 =	vadd.s32 $0x9, v25;
	s28 =	sor.u32 $0x380, s21;
	[tilespmem:s26+$0x1780] =	vst v35  }
0x2e1: {  	s2 =	sor.u32 $0x380, s2;
	v35 =	vld.idx.msk [tilespmem:v46+s17+$0x0], $0xffff;
	[tilespmem:s28+$0x1780] =	vst v37  }
0x2e2: {  	v50 =	vadd.s32 $0x9, v26;
	s29 =	sadd.s32 $0x3F80, s12;
	v37 =	vld.idx.msk [tilespmem:v47+s17+$0x0], $0xffff;
	[tilespmem:s2+$0x1780] =	vst v39  }
0x2e3: {  	v51 =	vadd.s32 $0x9, v27;
	s10 =	sor.u32 s11, s29;
	v39 =	vld.idx.msk [tilespmem:v48+s17+$0x0], $0xffff  }
0x2e4: {  	v52 =	vadd.s32 $0x9, v28;
	[tilespmem:s10+$0x0] =	vst v30  }
0x2e5: {  	s13 =	sadd.s32 $0x3F80, s14;
	v30 =	vld.idx.msk [tilespmem:v49+s17+$0x0], $0xffff;
	s2 =	sor.u32 s9, s29  }
0x2e6: {  	v53 =	vadd.s32 $0xA, v25;
	s15 =	sor.u32 s3, s13;
	[tilespmem:s2+$0x0] =	vst v35  }
0x2e7: {  	s16 =	sor.u32 s0, s13;
	[tilespmem:s15+$0x0] =	vst v37;
	v35 =	vld.idx.msk [tilespmem:v50+s17+$0x0], $0xffff  }
0x2e8: {  	s18 =	sor.u32 $0x4000, s12;
	v54 =	vadd.s32 $0xA, v26;
	v37 =	vld.idx.msk [tilespmem:v51+s17+$0x0], $0xffff;
	[tilespmem:s16+$0x0] =	vst v39  }
0x2e9: {  	s19 =	sor.u32 s11, s18;
	v55 =	vadd.s32 $0xA, v27;
	v39 =	vld.idx.msk [tilespmem:v52+s17+$0x0], $0xffff  }
0x2ea: {  	v56 =	vadd.s32 $0xA, v28;
	[tilespmem:s19+$0x0] =	vst v30  }
0x2eb: {  	[tilespmem:s4+$0x0] =	vst v29;
	s20 =	sor.u32 $0x4000, s14;
	s2 =	sor.u32 s9, s18;
	v34 =	vld.idx.msk [tilespmem:v53+s17+$0x0], $0xffff  }
0x2ec: {  	s21 =	sor.u32 s3, s20;
	v58 =	vadd.s32 $0xB, v25;
	[tilespmem:s2+$0x0] =	vst v35  }
0x2ed: {  	s6 =	sor.u32 s0, s20;
	v57 =	vadd.s32 $0xC, v23;
	[tilespmem:s21+$0x0] =	vst v37;
	v36 =	vld.idx.msk [tilespmem:v54+s17+$0x0], $0xffff  }
0x2ee: {  	v59 =	vadd.s32 $0xB, v26;
	s24 =	sor.u32 $0x4080, s12;
	v38 =	vld.idx.msk [tilespmem:v55+s17+$0x0], $0xffff;
	[tilespmem:s6+$0x0] =	vst v39  }
0x2ef: {  	[tilespmem:s23+$0x0] =	vst v32;
	v60 =	vadd.s32 $0xB, v27;
	s22 =	sor.u32 $0x4100, s8;
	s25 =	sor.u32 s11, s24;
	v32 =	vld.idx.msk [tilespmem:v56+s17+$0x0], $0xffff  }
0x2f0: {  	v31 =	vld.idx.msk [tilespmem:v31+s17+$0x0], $0xffff;
	v61 =	vadd.s32 $0xB, v28;
	s23 =	sor.u32 s5, s22;
	[tilespmem:s25+$0x0] =	vst v34  }
0x2f1: {  	v24 =	vadd.s32 $0xF, v24;
	s26 =	sor.u32 $0x4080, s14;
	[tilespmem:s23+$0x0] =	vst v33;
	v35 =	vld.idx.msk [tilespmem:v58+s17+$0x0], $0xffff;
	s6 =	sor.u32 s9, s24  }
0x2f2: {  	v63 =	vadd.s32 $0xC, v25;
	s28 =	sor.u32 s3, s26;
	v30 =	vld.idx.msk [tilespmem:v57+s17+$0x0], $0xffff;
	[tilespmem:s6+$0x0] =	vst v36  }
0x2f3: {  	v62 =	vadd.s32 $0xC, v22;
	s4 =	sor.u32 s0, s26;
	v37 =	vld.idx.msk [tilespmem:v59+s17+$0x0], $0xffff;
	[tilespmem:s28+$0x0] =	vst v38  }
0x2f4: {  	v40 =	vadd.s32 $0xC, v26;
	s10 =	sor.u32 $0x4100, s12;
	s2 =	sor.u32 s7, s22;
	v33 =	vld.idx.msk [tilespmem:v60+s17+$0x0], $0xffff;
	[tilespmem:s4+$0x0] =	vst v32  }
0x2f5: {  	v41 =	vadd.s32 $0xC, v27;
	s13 =	sor.u32 s11, s10;
	s29 =	sor.u32 $0x4180, s8;
	[tilespmem:s2+$0x0] =	vst v31;
	v29 =	vld.idx.msk [tilespmem:v61+s17+$0x0], $0xffff  }
0x2f6: {  	v42 =	vadd.s32 $0xC, v28;
	v24 =	vld.idx.msk [tilespmem:v24+s17+$0x0], $0xffff;
	[tilespmem:s13+$0x0] =	vst v35;
	s4 =	sor.u32 s5, s29  }
0x2f7: {  	v43 =	vadd.s32 $0xD, v23;
	s15 =	sor.u32 $0x4100, s14;
	v36 =	vld.idx.msk [tilespmem:v63+s17+$0x0], $0xffff;
	[tilespmem:s4+$0x0] =	vst v30;
	s4 =	sor.u32 s9, s10  }
0x2f8: {  	v45 =	vadd.s32 $0xD, v25;
	s16 =	sor.u32 s3, s15;
	v34 =	vld.idx.msk [tilespmem:v62+s17+$0x0], $0xffff;
	[tilespmem:s4+$0x0] =	vst v37  }
0x2f9: {  	v44 =	vadd.s32 $0xD, v22;
	s2 =	sor.u32 s0, s15;
	[tilespmem:s16+$0x0] =	vst v33;
	v37 =	vld.idx.msk [tilespmem:v40+s17+$0x0], $0xffff  }
0x2fa: {  	v46 =	vadd.s32 $0xD, v26;
	s19 =	sor.u32 $0x4180, s12;
	v31 =	vld.idx.msk [tilespmem:v41+s17+$0x0], $0xffff;
	[tilespmem:s2+$0x0] =	vst v29  }
0x2fb: {  	[tilespmem:s1+$0x0] =	vst v24;
	v47 =	vadd.s32 $0xD, v27;
	s20 =	sor.u32 s11, s19;
	v30 =	vld.idx.msk [tilespmem:v42+s17+$0x0], $0xffff  }
0x2fc: {  	s18 =	sor.u32 s7, s29;
	v48 =	vadd.s32 $0xD, v28;
	[tilespmem:s20+$0x0] =	vst v36;
	v32 =	vld.idx.msk [tilespmem:v43+s17+$0x0], $0xffff  }
0x2fd: {  	v49 =	vadd.s32 $0xE, v23;
	s1 =	sor.u32 s9, s19;
	s21 =	sor.u32 $0x4180, s14;
	[tilespmem:s18+$0x0] =	vst v34;
	v33 =	vld.idx.msk [tilespmem:v45+s17+$0x0], $0xffff  }
0x2fe: {  	v51 =	vadd.s32 $0xE, v25;
	s22 =	sor.u32 s3, s21;
	v35 =	vld.idx.msk [tilespmem:v44+s17+$0x0], $0xffff;
	[tilespmem:s1+$0x0] =	vst v37  }
0x2ff: {  	s23 =	sor.u32 $0x4200, s8;
	v50 =	vadd.s32 $0xE, v22;
	s2 =	sor.u32 s0, s21;
	[tilespmem:s22+$0x0] =	vst v31;
	v29 =	vld.idx.msk [tilespmem:v46+s17+$0x0], $0xffff  }
0x300: {  	v52 =	vadd.s32 $0xE, v26;
	s25 =	sor.u32 $0x4200, s12;
	s24 =	sor.u32 s5, s23;
	v24 =	vld.idx.msk [tilespmem:v47+s17+$0x0], $0xffff;
	[tilespmem:s2+$0x0] =	vst v30  }
0x301: {  	v53 =	vadd.s32 $0xE, v27;
	s26 =	sor.u32 s11, s25;
	[tilespmem:s24+$0x0] =	vst v32;
	v34 =	vld.idx.msk [tilespmem:v48+s17+$0x0], $0xffff  }
0x302: {  	v55 =	vadd.s32 $0xE, v28;
	[tilespmem:s26+$0x0] =	vst v33;
	s1 =	sor.u32 s7, s23;
	v54 =	vld.idx.msk [tilespmem:v49+s17+$0x0], $0xffff  }
0x303: {  	v23 =	vadd.s32 $0xF, v23;
	s28 =	sor.u32 $0x4200, s14;
	v31 =	vld.idx.msk [tilespmem:v51+s17+$0x0], $0xffff;
	[tilespmem:s1+$0x0] =	vst v35;
	s2 =	sor.u32 s9, s25  }
0x304: {  	v56 =	vadd.s32 $0xF, v25;
	s29 =	sor.u32 s3, s28;
	v36 =	vld.idx.msk [tilespmem:v50+s17+$0x0], $0xffff;
	[tilespmem:s2+$0x0] =	vst v29  }
0x305: {  	v22 =	vadd.s32 $0xF, v22;
	s4 =	sor.u32 $0x4280, s8;
	s1 =	sor.u32 s0, s28;
	[tilespmem:s29+$0x0] =	vst v24;
	v57 =	vld.idx.msk [tilespmem:v52+s17+$0x0], $0xffff  }
0x306: {  	v58 =	vadd.s32 $0xF, v26;
	s10 =	sor.u32 $0x4280, s12;
	s6 =	sor.u32 s5, s4;
	v59 =	vld.idx.msk [tilespmem:v53+s17+$0x0], $0xffff;
	[tilespmem:s1+$0x0] =	vst v34  }
0x307: {  	v60 =	vadd.s32 $0xF, v27;
	s13 =	sor.u32 s11, s10;
	[tilespmem:s6+$0x0] =	vst v54;
	v61 =	vld.idx.msk [tilespmem:v55+s17+$0x0], $0xffff  }
0x308: {  	v62 =	vadd.s32 $0xF, v28;
	[tilespmem:s13+$0x0] =	vst v31;
	s2 =	sor.u32 s7, s4;
	v23 =	vld.idx.msk [tilespmem:v23+s17+$0x0], $0xffff  }
0x309: {  	s15 =	sor.u32 $0x4280, s14;
	v24 =	vld.idx.msk [tilespmem:v56+s17+$0x0], $0xffff;
	[tilespmem:s2+$0x0] =	vst v36;
	s1 =	sor.u32 s9, s10  }
0x30a: {  	s16 =	sor.u32 s3, s15;
	v22 =	vld.idx.msk [tilespmem:v22+s17+$0x0], $0xffff;
	[tilespmem:s1+$0x0] =	vst v57  }
0x30b: {  	s18 =	sor.u32 $0x4300, s8;
	s2 =	sor.u32 s0, s15;
	[tilespmem:s16+$0x0] =	vst v59;
	v25 =	vld.idx.msk [tilespmem:v58+s17+$0x0], $0xffff  }
0x30c: {  	s19 =	sor.u32 s5, s18;
	s20 =	sor.u32 $0x4300, s12;
	v63 =	vld.idx.msk [tilespmem:v60+s17+$0x0], $0xffff;
	[tilespmem:s2+$0x0] =	vst v61  }
0x30d: {  	s21 =	sor.u32 s11, s20;
	[tilespmem:s19+$0x0] =	vst v23;
	v23 =	vld.idx.msk [tilespmem:v62+s17+$0x0], $0xffff  }
0x30e: {  	[tilespmem:s21+$0x0] =	vst v24;
	s1 =	sor.u32 s7, s18  }
0x30f: {  	s22 =	sor.u32 $0x4300, s14;
	[tilespmem:s1+$0x0] =	vst v22;
	s2 =	sor.u32 s9, s20  }
0x310: {  	s23 =	sor.u32 s3, s22;
	[tilespmem:s2+$0x0] =	vst v25  }
0x311: {  	s24 =	sor.u32 s0, s22;
	[tilespmem:s23+$0x0] =	vst v63  }
0x312: {  	s25 =	simm.s32 $0x3;
	[tilespmem:s24+$0x0] =	vst v23  }
0x313: {  	s28 =	simm.s32 $0x1780;
	_ =	swait.ge [sflag:s25], $0x5000  }
0x314: {  	s4 =	simm.s32 $0x271000;
	s29 =	simm.s32 $0x5;
	[sflag:s25] =	ssyncset.done $0x0  }
.Ltmp6:
0x315: {  	s26 =	rddreg [dreg:$0xc];
	[sflag:s25] =	ssyncadd.s32 $0xFFFFB000;
	(pc) =	sbr.rel @p0 .LBB2_13-.Ltmp6, $4  }
0x316: {  	[hbm4b:s26+s30] =	stream.strided.scatter [tilespmem:s28], [sflag:$0x5], $0xA000, s4, s30, $0x38;
	[tilespmem:$0x15780] =	vst v63  }
0x317: {  	_ =	swait.ge [sflag:s29], $0xA000  }
0x318: {  	[sflag:s29] =	ssyncset.done $0x0  }
0x319: {  	s1 =	rddreg [dreg:$0xf];
	[sflag:s29] =	ssyncadd.s32 $0xFFFF6000  }
0x31a: {  	s3 =	simm.s32 $0x0;
	s1 =	simm.s32 $0x2  }
0x31b: {  	_ =	swait.ge [sflag:s1], $0x500;
	s18 =	sand.u32 $0x60, s3  }
0x31c: {  	s0 =	sand.u32 $0x780, s3;
	[sflag:s1] =	ssyncset.done $0x0;
	s21 =	sor.u32 $0x10, s18  }
0x31d: {  	[sflag:s1] =	ssyncadd.s32 $0xFFFFFB00;
	s0 =	sor.u32 s21, s0  }
0x31e: {  	v22 =	vld [tilespmem:s0+$0x1280];
	_ =	sdelay $0x1  }
0x31f: {  	s23 =	simm.s32 $0x1280  }
0x320: {  	v23 =	vld [tilespmem:s23+$0x0];
	_ =	sdelay $0x1  }
0x321: {  	v29 =	vmul.u32 $0x11, v22;
	_ =	sdelay $0x2  }
0x322: {  	v24 =	vmul.u32 $0x11, v23;
	_ =	sdelay $0x2  }
0x323: {  	v22 =	vld.idx.msk [tilespmem:v29+s17+$0x0], $0xffff  }
0x324: {  	v23 =	vadd.s32 $0x1, v29  }
0x325: {  	s1 =	sand.u32 $0x3C00, s3  }
0x326: {  	s24 =	sadd.s32 $0xB780, s1;
	v25 =	vld.idx.msk [tilespmem:v24+s17+$0x0], $0xffff  }
0x327: {  	s4 =	sor.u32 s21, s24;
	v26 =	vadd.s32 $0x1, v24  }
0x328: {  	[tilespmem:s4+$0x0] =	vst v22  }
0x329: {  	v22 =	vld.idx.msk [tilespmem:v23+s17+$0x0], $0xffff  }
0x32a: {  	s6 =	sor.u32 s18, s24;
	v23 =	vadd.s32 $0x2, v29  }
0x32b: {  	[tilespmem:s6+$0x0] =	vst v25  }
0x32c: {  	v25 =	vld.idx.msk [tilespmem:v26+s17+$0x0], $0xffff  }
0x32d: {  	v26 =	vadd.s32 $0x2, v24  }
0x32e: {  	[tilespmem:s4+$0x80] =	vst v22  }
0x32f: {  	v22 =	vld.idx.msk [tilespmem:v23+s17+$0x0], $0xffff  }
0x330: {  	s25 =	simm.s32 $0x20;
	v23 =	vadd.s32 $0x3, v29  }
0x331: {  	s7 =	sand.u32 $0x60, s25;
	[tilespmem:s6+$0x80] =	vst v25  }
0x332: {  	s5 =	sor.u32 $0x10, s7;
	s0 =	sand.u32 $0x780, s25;
	v25 =	vld.idx.msk [tilespmem:v26+s17+$0x0], $0xffff  }
0x333: {  	s0 =	sor.u32 s5, s0;
	v26 =	vadd.s32 $0x3, v24  }
0x334: {  	v27 =	vld [tilespmem:s0+$0x1280];
	[tilespmem:s4+$0x100] =	vst v22  }
0x335: {  	v22 =	vld.idx.msk [tilespmem:v23+s17+$0x0], $0xffff  }
0x336: {  	s26 =	simm.s32 $0x12A0;
	v28 =	vadd.s32 $0x4, v29  }
0x337: {  	v30 =	vld [tilespmem:s26+$0x0];
	[tilespmem:s6+$0x100] =	vst v25  }
0x338: {  	v25 =	vld.idx.msk [tilespmem:v26+s17+$0x0], $0xffff  }
0x339: {  	v26 =	vadd.s32 $0x4, v24  }
0x33a: {  	v23 =	vmul.u32 $0x11, v27;
	[tilespmem:s4+$0x180] =	vst v22  }
0x33b: {  	v27 =	vld.idx.msk [tilespmem:v28+s17+$0x0], $0xffff  }
0x33c: {  	v28 =	vadd.s32 $0x5, v29  }
0x33d: {  	v22 =	vmul.u32 $0x11, v30;
	[tilespmem:s6+$0x180] =	vst v25  }
0x33e: {  	v25 =	vld.idx.msk [tilespmem:v26+s17+$0x0], $0xffff  }
0x33f: {  	v26 =	vadd.s32 $0x5, v24  }
0x340: {  	v30 =	vld.idx.msk [tilespmem:v23+s17+$0x0], $0xffff;
	[tilespmem:s4+$0x200] =	vst v27  }
0x341: {  	s28 =	simm.s32 $0x100;
	v27 =	vld.idx.msk [tilespmem:v28+s17+$0x0], $0xffff;
	v28 =	vadd.s32 $0x1, v23  }
0x342: {  	s8 =	sand.u32 $0x3C00, s28;
	v31 =	vadd.s32 $0x6, v29  }
0x343: {  	s0 =	sadd.s32 $0xB780, s8;
	v32 =	vld.idx.msk [tilespmem:v22+s17+$0x0], $0xffff;
	[tilespmem:s6+$0x200] =	vst v25  }
0x344: {  	s2 =	sor.u32 s5, s0;
	v25 =	vld.idx.msk [tilespmem:v26+s17+$0x0], $0xffff;
	v26 =	vadd.s32 $0x1, v22  }
0x345: {  	[tilespmem:s2+$0x0] =	vst v30;
	v30 =	vadd.s32 $0x6, v24  }
0x346: {  	v28 =	vld.idx.msk [tilespmem:v28+s17+$0x0], $0xffff;
	[tilespmem:s4+$0x280] =	vst v27  }
0x347: {  	s3 =	sand.u32 $0x3, s3;
	s0 =	sor.u32 s7, s0;
	v27 =	vld.idx.msk [tilespmem:v31+s17+$0x0], $0xffff;
	v31 =	vadd.s32 $0x2, v23  }
0x348: {  	s3 =	sshll.u32 s3, $0x5;
	v57 =	vadd.s32 $0x7, v29;
	[tilespmem:s0+$0x0] =	vst v32  }
0x349: {  	s3 =	sadd.s32 $0x0, s3;
	v26 =	vld.idx.msk [tilespmem:v26+s17+$0x0], $0xffff;
	[tilespmem:s6+$0x280] =	vst v25  }
0x34a: {  	s29 =	sadd.s32 $0x10, s3;
	v25 =	vld.idx.msk [tilespmem:v30+s17+$0x0], $0xffff;
	v30 =	vadd.s32 $0x2, v22  }
0x34b: {  	s11 =	sor.u32 $0x300, s29;
	[tilespmem:s2+$0x80] =	vst v28;
	v28 =	vadd.s32 $0x7, v24  }
0x34c: {  	v31 =	vld.idx.msk [tilespmem:v31+s17+$0x0], $0xffff;
	[tilespmem:s11+$0xB780] =	vst v27  }
0x34d: {  	s12 =	simm.s32 $0x40;
	v58 =	vadd.s32 $0x3, v23;
	v27 =	vld.idx.msk [tilespmem:v57+s17+$0x0], $0xffff  }
0x34e: {  	s9 =	sand.u32 $0x60, s12;
	s10 =	sor.u32 $0x300, s3;
	[tilespmem:s0+$0x80] =	vst v26;
	v26 =	vadd.s32 $0x8, v29  }
0x34f: {  	s6 =	sand.u32 $0x780, s12;
	s11 =	sor.u32 $0x10, s9;
	v30 =	vld.idx.msk [tilespmem:v30+s17+$0x0], $0xffff;
	[tilespmem:s10+$0xB780] =	vst v25  }
0x350: {  	s6 =	sor.u32 s11, s6;
	v25 =	vld.idx.msk [tilespmem:v28+s17+$0x0], $0xffff;
	v28 =	vadd.s32 $0x3, v22  }
0x351: {  	s4 =	sor.u32 $0x380, s29;
	v33 =	vld [tilespmem:s6+$0x1280];
	[tilespmem:s2+$0x100] =	vst v31;
	v31 =	vadd.s32 $0x8, v24  }
0x352: {  	v32 =	vld.idx.msk [tilespmem:v58+s17+$0x0], $0xffff;
	[tilespmem:s4+$0xB780] =	vst v27  }
0x353: {  	s13 =	simm.s32 $0x12C0;
	v27 =	vadd.s32 $0x4, v23;
	v26 =	vld.idx.msk [tilespmem:v26+s17+$0x0], $0xffff  }
0x354: {  	v34 =	vld [tilespmem:s13+$0x0];
	s3 =	sor.u32 $0x380, s3;
	[tilespmem:s0+$0x100] =	vst v30;
	v30 =	vadd.s32 $0x9, v29  }
0x355: {  	v28 =	vld.idx.msk [tilespmem:v28+s17+$0x0], $0xffff;
	[tilespmem:s3+$0xB780] =	vst v25  }
0x356: {  	s14 =	sadd.s32 $0xDF80, s1;
	v35 =	vadd.s32 $0x4, v22;
	v31 =	vld.idx.msk [tilespmem:v31+s17+$0x0], $0xffff  }
0x357: {  	s15 =	sor.u32 s21, s14;
	v59 =	vadd.s32 $0x9, v24;
	v25 =	vmul.u32 $0x11, v33;
	[tilespmem:s2+$0x180] =	vst v32  }
0x358: {  	v27 =	vld.idx.msk [tilespmem:v27+s17+$0x0], $0xffff;
	[tilespmem:s15+$0x0] =	vst v26  }
0x359: {  	s25 =	simm.s32 $0x12E0;
	v60 =	vadd.s32 $0x5, v23;
	v30 =	vld.idx.msk [tilespmem:v30+s17+$0x0], $0xffff  }
0x35a: {  	v38 =	vld [tilespmem:s25+$0x0];
	s3 =	sor.u32 s18, s14;
	v26 =	vmul.u32 $0x11, v34;
	[tilespmem:s0+$0x180] =	vst v28;
	v28 =	vadd.s32 $0xA, v29  }
0x35b: {  	v61 =	vld.idx.msk [tilespmem:v35+s17+$0x0], $0xffff;
	[tilespmem:s3+$0x0] =	vst v31  }
0x35c: {  	s16 =	sadd.s32 $0xE000, s1;
	v62 =	vadd.s32 $0x5, v22;
	v31 =	vld.idx.msk [tilespmem:v59+s17+$0x0], $0xffff  }
0x35d: {  	s19 =	sor.u32 s21, s16;
	v63 =	vld.idx.msk [tilespmem:v25+s17+$0x0], $0xffff;
	[tilespmem:s2+$0x200] =	vst v27;
	v27 =	vadd.s32 $0xA, v24  }
0x35e: {  	s13 =	simm.s32 $0x200;
	v33 =	vld.idx.msk [tilespmem:v60+s17+$0x0], $0xffff;
	[tilespmem:s19+$0x0] =	vst v30;
	v30 =	vadd.s32 $0x1, v25  }
0x35f: {  	v36 =	vadd.s32 $0x6, v23;
	s12 =	sand.u32 $0x3C00, s13;
	v28 =	vld.idx.msk [tilespmem:v28+s17+$0x0], $0xffff  }
0x360: {  	v40 =	vadd.s32 $0xB, v29;
	s20 =	sadd.s32 $0xB780, s12;
	s3 =	sor.u32 s18, s16;
	v37 =	vld.idx.msk [tilespmem:v26+s17+$0x0], $0xffff;
	[tilespmem:s0+$0x200] =	vst v61  }
0x361: {  	s6 =	sor.u32 s11, s20;
	v32 =	vld.idx.msk [tilespmem:v62+s17+$0x0], $0xffff;
	[tilespmem:s3+$0x0] =	vst v31;
	v31 =	vadd.s32 $0x1, v26  }
0x362: {  	s22 =	sadd.s32 $0xE080, s1;
	v41 =	vadd.s32 $0x6, v22;
	[tilespmem:s6+$0x0] =	vst v63;
	v27 =	vld.idx.msk [tilespmem:v27+s17+$0x0], $0xffff  }
0x363: {  	s23 =	sor.u32 s21, s22;
	v42 =	vadd.s32 $0xB, v24;
	v30 =	vld.idx.msk [tilespmem:v30+s17+$0x0], $0xffff;
	[tilespmem:s2+$0x280] =	vst v33  }
0x364: {  	s24 =	simm.s32 $0x1;
	s15 =	sor.u32 s9, s20;
	v33 =	vld.idx.msk [tilespmem:v36+s17+$0x0], $0xffff;
	[tilespmem:s23+$0x0] =	vst v28;
	v28 =	vadd.s32 $0x2, v25  }
0x365: {  	s2 =	sand.u32 $0x3, s24;
	[tilespmem:s15+$0x0] =	vst v37;
	v34 =	vld.idx.msk [tilespmem:v40+s17+$0x0], $0xffff  }
0x366: {  	v43 =	vadd.s32 $0x7, v23;
	s16 =	simm.s32 $0x60;
	s3 =	sor.u32 s18, s22;
	s2 =	sshll.u32 s2, $0x5;
	v31 =	vld.idx.msk [tilespmem:v31+s17+$0x0], $0xffff;
	[tilespmem:s0+$0x280] =	vst v32  }
0x367: {  	v44 =	vadd.s32 $0xC, v29;
	s2 =	sadd.s32 $0x100, s2;
	s0 =	sand.u32 $0x60, s16;
	v35 =	vld.idx.msk [tilespmem:v41+s17+$0x0], $0xffff;
	[tilespmem:s3+$0x0] =	vst v27  }
0x368: {  	s19 =	sand.u32 $0x780, s16;
	s26 =	sadd.s32 $0x10, s2;
	v27 =	vadd.s32 $0x2, v26;
	s3 =	sor.u32 $0x10, s0;
	[tilespmem:s6+$0x80] =	vst v30;
	v30 =	vld.idx.msk [tilespmem:v42+s17+$0x0], $0xffff  }
0x369: {  	v45 =	vadd.s32 $0x7, v22;
	s29 =	sadd.s32 $0xE100, s1;
	s28 =	sor.u32 $0x300, s26;
	s22 =	sor.u32 s3, s19;
	v28 =	vld.idx.msk [tilespmem:v28+s17+$0x0], $0xffff  }
0x36a: {  	v48 =	vadd.s32 $0xC, v24;
	s20 =	sor.u32 s21, s29;
	[tilespmem:s28+$0xB780] =	vst v33;
	v39 =	vld [tilespmem:s22+$0x1280]  }
0x36b: {  	v46 =	vadd.s32 $0x3, v25;
	v33 =	vld.idx.msk [tilespmem:v43+s17+$0x0], $0xffff;
	[tilespmem:s20+$0x0] =	vst v34  }
0x36c: {  	s14 =	sor.u32 $0x300, s2;
	v32 =	vld.idx.msk [tilespmem:v44+s17+$0x0], $0xffff;
	[tilespmem:s15+$0x80] =	vst v31;
	v31 =	vadd.s32 $0x8, v23  }
0x36d: {  	v47 =	vadd.s32 $0xD, v29;
	s10 =	sor.u32 s18, s29;
	v27 =	vld.idx.msk [tilespmem:v27+s17+$0x0], $0xffff;
	[tilespmem:s14+$0xB780] =	vst v35  }
0x36e: {  	v40 =	vadd.s32 $0x3, v26;
	v36 =	vld.idx.msk [tilespmem:v45+s17+$0x0], $0xffff;
	[tilespmem:s10+$0x0] =	vst v30  }
0x36f: {  	v49 =	vadd.s32 $0x8, v22;
	s23 =	sadd.s32 $0xE180, s1;
	s4 =	sor.u32 $0x380, s26;
	[tilespmem:s6+$0x100] =	vst v28;
	v28 =	vmul.u32 $0x11, v38;
	v37 =	vld.idx.msk [tilespmem:v48+s17+$0x0], $0xffff  }
0x370: {  	s24 =	sor.u32 s21, s23;
	v34 =	vld.idx.msk [tilespmem:v46+s17+$0x0], $0xffff;
	[tilespmem:s4+$0xB780] =	vst v33  }
0x371: {  	v41 =	vadd.s32 $0xD, v24;
	v31 =	vld.idx.msk [tilespmem:v31+s17+$0x0], $0xffff;
	[tilespmem:s24+$0x0] =	vst v32  }
0x372: {  	v50 =	vadd.s32 $0x4, v25;
	s2 =	sor.u32 $0x380, s2;
	v51 =	vld.idx.msk [tilespmem:v47+s17+$0x0], $0xffff;
	[tilespmem:s15+$0x100] =	vst v27  }
0x373: {  	v52 =	vadd.s32 $0x9, v23;
	v40 =	vld.idx.msk [tilespmem:v40+s17+$0x0], $0xffff;
	[tilespmem:s2+$0xB780] =	vst v36  }
0x374: {  	v53 =	vadd.s32 $0xE, v29;
	s14 =	sor.u32 s18, s23;
	v38 =	vld.idx.msk [tilespmem:v49+s17+$0x0], $0xffff  }
0x375: {  	s25 =	sadd.s32 $0xDF80, s8;
	v42 =	vadd.s32 $0x4, v26;
	v27 =	vmul.u32 $0x11, v39;
	[tilespmem:s14+$0x0] =	vst v37;
	v30 =	vld.idx.msk [tilespmem:v28+s17+$0x0], $0xffff  }
0x376: {  	s26 =	sor.u32 s5, s25;
	s28 =	sadd.s32 $0xE200, s1;
	[tilespmem:s6+$0x180] =	vst v34;
	v37 =	vld.idx.msk [tilespmem:v41+s17+$0x0], $0xffff  }
0x377: {  	v54 =	vadd.s32 $0x9, v22;
	s29 =	sor.u32 s21, s28;
	v32 =	vld.idx.msk [tilespmem:v50+s17+$0x0], $0xffff;
	[tilespmem:s26+$0x0] =	vst v31  }
0x378: {  	v55 =	vadd.s32 $0x5, v25;
	v31 =	vld.idx.msk [tilespmem:v52+s17+$0x0], $0xffff;
	[tilespmem:s29+$0x0] =	vst v51  }
0x379: {  	v57 =	vadd.s32 $0xA, v23;
	s2 =	sor.u32 s7, s25;
	v56 =	vld.idx.msk [tilespmem:v53+s17+$0x0], $0xffff;
	[tilespmem:s15+$0x180] =	vst v40  }
0x37a: {  	v29 =	vadd.s32 $0xF, v29;
	s10 =	sor.u32 s18, s28;
	v58 =	vld.idx.msk [tilespmem:v42+s17+$0x0], $0xffff;
	[tilespmem:s2+$0x0] =	vst v38  }
0x37b: {  	v59 =	vadd.s32 $0xE, v24;
	s19 =	sadd.s32 $0xE000, s8;
	v60 =	vld.idx.msk [tilespmem:v27+s17+$0x0], $0xffff;
	[tilespmem:s10+$0x0] =	vst v37  }
0x37c: {  	v61 =	vadd.s32 $0x5, v26;
	s22 =	sadd.s32 $0xE280, s1;
	s20 =	sor.u32 s5, s19;
	s2 =	simm.s32 $0x300;
	v34 =	vld.idx.msk [tilespmem:v54+s17+$0x0], $0xffff;
	[tilespmem:s6+$0x200] =	vst v32  }
0x37d: {  	v62 =	vadd.s32 $0xA, v22;
	s23 =	sor.u32 s21, s22;
	s14 =	sand.u32 $0x3C00, s2;
	v32 =	vld.idx.msk [tilespmem:v55+s17+$0x0], $0xffff;
	[tilespmem:s20+$0x0] =	vst v31  }
0x37e: {  	v31 =	vadd.s32 $0x1, v27;
	s20 =	sadd.s32 $0xB780, s14;
	v36 =	vld.idx.msk [tilespmem:v57+s17+$0x0], $0xffff;
	[tilespmem:s23+$0x0] =	vst v56  }
0x37f: {  	v63 =	vadd.s32 $0x6, v25;
	s26 =	sor.u32 s3, s20;
	v43 =	vld.idx.msk [tilespmem:v29+s17+$0x0], $0xffff;
	[tilespmem:s15+$0x200] =	vst v58  }
0x380: {  	v44 =	vadd.s32 $0xB, v23;
	s4 =	sor.u32 s7, s19;
	v29 =	vld.idx.msk [tilespmem:v59+s17+$0x0], $0xffff;
	[tilespmem:s26+$0x0] =	vst v60  }
0x381: {  	s24 =	sadd.s32 $0xE080, s8;
	v35 =	vld.idx.msk [tilespmem:v61+s17+$0x0], $0xffff;
	[tilespmem:s4+$0x0] =	vst v34  }
0x382: {  	s1 =	sadd.s32 $0xE300, s1;
	s28 =	sor.u32 s5, s24;
	v38 =	vadd.s32 $0x1, v28;
	v33 =	vld.idx.msk [tilespmem:v62+s17+$0x0], $0xffff;
	[tilespmem:s6+$0x280] =	vst v32  }
0x383: {  	s29 =	sor.u32 s21, s1;
	s1 =	sor.u32 s18, s1;
	s10 =	simm.s32 $0x6;
	v37 =	vld.idx.msk [tilespmem:v31+s17+$0x0], $0xffff;
	[tilespmem:s28+$0x0] =	vst v36;
	v36 =	vadd.s32 $0x6, v26  }
0x384: {  	s25 =	sor.u32 s0, s20;
	s23 =	sor.u32 s7, s24;
	s6 =	simm.s32 $0x2;
	v31 =	vadd.s32 $0xB, v22;
	v34 =	vld.idx.msk [tilespmem:v63+s17+$0x0], $0xffff  }
0x385: {  	v39 =	vadd.s32 $0x2, v27;
	s4 =	sor.u32 s18, s22;
	s18 =	simm.s32 $0x1300;
	s19 =	sand.u32 $0x3, s6;
	v32 =	vld.idx.msk [tilespmem:v44+s17+$0x0], $0xffff;
	[tilespmem:s29+$0x0] =	vst v43  }
.LBB2_11:
0x386: {  	v40 =	vld [tilespmem:s18+$0x0];
	[tilespmem:s25+$0x0] =	vst v30;
	s19 =	sshll.u32 s19, $0x5;
	v30 =	vadd.s32 $0x7, v25;
	s21 =	smov.u32 s9;
	s9 =	smov.u32 s0  }
0x387: {  	s22 =	smov.u32 s5;
	s5 =	smov.u32 s11;
	v38 =	vld.idx.msk [tilespmem:v38+s17+$0x0], $0xffff;
	s0 =	sadd.s32 s19, s13;
	[tilespmem:s15+$0x280] =	vst v35;
	v35 =	vadd.s32 $0xC, v23  }
0x388: {  	v36 =	vld.idx.msk [tilespmem:v36+s17+$0x0], $0xffff;
	s20 =	sor.u32 $0x300, s0;
	s19 =	sor.u32 $0x380, s0;
	s28 =	sadd.s32 $0x10, s0;
	[tilespmem:s23+$0x0] =	vst v33;
	v33 =	vadd.s32 $0xF, v24;
	v24 =	vmovc v22;
	v22 =	vmov v26;
	v26 =	vmov v28  }
0x389: {  	s11 =	smov.u32 s3;
	s13 =	sadd.s32 $0xE100, s8;
	v28 =	vadd.s32 $0x2, v26;
	[tilespmem:s26+$0x80] =	vst v37;
	s0 =	sor.u32 $0x300, s28;
	v31 =	vld.idx.msk [tilespmem:v31+s17+$0x0], $0xffff  }
0x38a: {  	s29 =	sor.u32 s7, s13;
	v37 =	vld.idx.msk [tilespmem:v39+s17+$0x0], $0xffff;
	v39 =	vadd.s32 $0x7, v22;
	[tilespmem:s0+$0xB780] =	vst v34;
	s0 =	sor.u32 s22, s13;
	s13 =	smov.u32 s2  }
0x38b: {  	s24 =	smov.u32 s8;
	s8 =	smov.u32 s12;
	s12 =	smov.u32 s14;
	v30 =	vld.idx.msk [tilespmem:v30+s17+$0x0], $0xffff;
	[tilespmem:s0+$0x0] =	vst v32  }
0x38c: {  	s16 =	sadd.s32 $0x20, s16;
	s15 =	smov.u32 s25;
	s23 =	smov.u32 s26;
	v32 =	vadd.s32 $0x3, v27;
	v34 =	vld.idx.msk [tilespmem:v35+s17+$0x0], $0xffff;
	[tilespmem:s4+$0x0] =	vst v29  }
0x38d: {  	s0 =	sand.u32 $0x60, s16;
	v29 =	vadd.s32 $0x8, v25;
	[tilespmem:s15+$0x80] =	vst v38;
	v33 =	vld.idx.msk [tilespmem:v33+s17+$0x0], $0xffff  }
0x38e: {  	s3 =	sor.u32 $0x10, s0;
	s4 =	sand.u32 $0x780, s16;
	v35 =	vld.idx.msk [tilespmem:v28+s17+$0x0], $0xffff;
	[tilespmem:s20+$0xB780] =	vst v36;
	v36 =	vadd.s32 $0xD, v23  }
0x38f: {  	s4 =	sor.u32 s3, s4;
	v38 =	vld.idx.msk [tilespmem:v39+s17+$0x0], $0xffff;
	[tilespmem:s29+$0x0] =	vst v31;
	v31 =	vadd.s32 $0xC, v24  }
0x390: {  	s10 =	sadd.s32 $0x2, s10;
	s14 =	sadd.s32 $0xE180, s24;
	v41 =	vadd.s32 $0x3, v26;
	v39 =	vld [tilespmem:s4+$0x1280];
	[tilespmem:s23+$0x100] =	vst v37;
	s4 =	sor.u32 $0x380, s28  }
0x391: {  	p1 =	slt.u32 s10, $0x4E;
	v28 =	vmul.u32 $0x11, v40;
	v37 =	vadd.s32 $0x8, v22;
	v32 =	vld.idx.msk [tilespmem:v32+s17+$0x0], $0xffff;
	[tilespmem:s4+$0xB780] =	vst v30;
	s4 =	sor.u32 s7, s14;
	s14 =	sor.u32 s22, s14  }
0x392: {  	v29 =	vld.idx.msk [tilespmem:v29+s17+$0x0], $0xffff;
	[tilespmem:s14+$0x0] =	vst v34  }
0x393: {  	v34 =	vadd.s32 $0x4, v27;
	v36 =	vld.idx.msk [tilespmem:v36+s17+$0x0], $0xffff;
	[tilespmem:s1+$0x0] =	vst v33  }
0x394: {  	v33 =	vadd.s32 $0x9, v25;
	[tilespmem:s15+$0x100] =	vst v35;
	v31 =	vld.idx.msk [tilespmem:v31+s17+$0x0], $0xffff  }
0x395: {  	v35 =	vld.idx.msk [tilespmem:v41+s17+$0x0], $0xffff;
	[tilespmem:s19+$0xB780] =	vst v38;
	v38 =	vadd.s32 $0xE, v23  }
0x396: {  	v40 =	vadd.s32 $0xD, v24;
	s1 =	sadd.s32 $0xDF80, s8;
	v37 =	vld.idx.msk [tilespmem:v37+s17+$0x0], $0xffff  }
0x397: {  	s14 =	sor.u32 s21, s1;
	s1 =	sor.u32 s5, s1;
	v41 =	vadd.s32 $0x4, v26;
	s19 =	sadd.s32 $0xE200, s24;
	v30 =	vld.idx.msk [tilespmem:v28+s17+$0x0], $0xffff;
	[tilespmem:s23+$0x180] =	vst v32  }
0x398: {  	v32 =	vmul.u32 $0x11, v39;
	v39 =	vadd.s32 $0x9, v22;
	v34 =	vld.idx.msk [tilespmem:v34+s17+$0x0], $0xffff;
	[tilespmem:s1+$0x0] =	vst v29;
	s1 =	sor.u32 s7, s19;
	s19 =	sor.u32 s22, s19  }
0x399: {  	v29 =	vld.idx.msk [tilespmem:v33+s17+$0x0], $0xffff;
	[tilespmem:s19+$0x0] =	vst v36  }
0x39a: {  	v33 =	vadd.s32 $0x5, v27;
	[tilespmem:s4+$0x0] =	vst v31;
	v31 =	vld.idx.msk [tilespmem:v38+s17+$0x0], $0xffff  }
0x39b: {  	[tilespmem:s15+$0x180] =	vst v35;
	v35 =	vadd.s32 $0xA, v25;
	v36 =	vld.idx.msk [tilespmem:v40+s17+$0x0], $0xffff  }
0x39c: {  	v38 =	vld.idx.msk [tilespmem:v41+s17+$0x0], $0xffff;
	[tilespmem:s14+$0x0] =	vst v37;
	v37 =	vadd.s32 $0xF, v23;
	v23 =	vmovc v25;
	v25 =	vmov v27;
	v27 =	vmov v32  }
0x39d: {  	s4 =	sadd.s32 $0xE000, s8;
	v40 =	vadd.s32 $0xE, v24;
	v39 =	vld.idx.msk [tilespmem:v39+s17+$0x0], $0xffff  }
0x39e: {  	s19 =	sor.u32 s21, s4;
	s4 =	sor.u32 s5, s4;
	v41 =	vadd.s32 $0x5, v26;
	s14 =	sadd.s32 $0xE280, s24;
	v32 =	vld.idx.msk [tilespmem:v32+s17+$0x0], $0xffff;
	[tilespmem:s23+$0x200] =	vst v34  }
0x39f: {  	v34 =	vld.idx.msk [tilespmem:v33+s17+$0x0], $0xffff;
	v33 =	vadd.s32 $0xA, v22;
	[tilespmem:s4+$0x0] =	vst v29;
	s4 =	sor.u32 s7, s14;
	s14 =	sor.u32 s22, s14  }
0x3a0: {  	s2 =	sadd.s32 $0x100, s2;
	v42 =	vadd.s32 $0x1, v27;
	v43 =	vld.idx.msk [tilespmem:v35+s17+$0x0], $0xffff;
	[tilespmem:s14+$0x0] =	vst v31  }
0x3a1: {  	s14 =	sand.u32 $0x3C00, s2;
	v31 =	vadd.s32 $0x6, v25;
	[tilespmem:s1+$0x0] =	vst v36;
	v44 =	vld.idx.msk [tilespmem:v37+s17+$0x0], $0xffff  }
0x3a2: {  	v45 =	vadd.s32 $0xB, v23;
	s1 =	sadd.s32 $0xB780, s14;
	[tilespmem:s15+$0x200] =	vst v38;
	v29 =	vld.idx.msk [tilespmem:v40+s17+$0x0], $0xffff  }
.Ltmp7:
0x3a3: {  	s25 =	sor.u32 s0, s1;
	s26 =	sor.u32 s3, s1;
	v35 =	vld.idx.msk [tilespmem:v41+s17+$0x0], $0xffff;
	[tilespmem:s19+$0x0] =	vst v39;
	(pc) =	sbr.rel @p1 .LBB2_11-.Ltmp7, $4  }
0x3a4: {  	v38 =	vadd.s32 $0x1, v28;
	s1 =	sadd.s32 $0xE080, s8;
	[tilespmem:s26+$0x0] =	vst v32;
	v33 =	vld.idx.msk [tilespmem:v33+s17+$0x0], $0xffff  }
0x3a5: {  	v36 =	vadd.s32 $0x6, v26;
	s19 =	sadd.s32 $0xE300, s24;
	v37 =	vld.idx.msk [tilespmem:v42+s17+$0x0], $0xffff;
	[tilespmem:s23+$0x280] =	vst v34;
	s23 =	sor.u32 s21, s1;
	s1 =	sor.u32 s5, s1  }
0x3a6: {  	s6 =	sadd.s32 $0x1, s6;
	v34 =	vld.idx.msk [tilespmem:v31+s17+$0x0], $0xffff;
	v31 =	vadd.s32 $0xB, v22;
	[tilespmem:s1+$0x0] =	vst v43;
	s1 =	sor.u32 s7, s19;
	s7 =	sor.u32 s22, s19  }
0x3a7: {  	s18 =	sadd.s32 $0x20, s18;
	v39 =	vadd.s32 $0x2, v27;
	s19 =	sand.u32 $0x3, s6;
	v32 =	vld.idx.msk [tilespmem:v45+s17+$0x0], $0xffff;
	[tilespmem:s7+$0x0] =	vst v44;
	s7 =	smov.u32 s21  }
0x3a8: {  	_ =	sdelay $0x2  }
0x3a9: {  	[tilespmem:s25+$0x0] =	vst v30  }
0x3aa: {  	v30 =	vld.idx.msk [tilespmem:v38+s17+$0x0], $0xffff  }
0x3ab: {  	v53 =	vadd.s32 $0x2, v28;
	_ =	sdelay $0x2  }
0x3ac: {  	[tilespmem:s26+$0x80] =	vst v37  }
0x3ad: {  	v37 =	vld.idx.msk [tilespmem:v39+s17+$0x0], $0xffff;
	[tilespmem:s25+$0x80] =	vst v30  }
0x3ae: {  	v54 =	vadd.s32 $0x3, v27;
	v38 =	vld.idx.msk [tilespmem:v53+s17+$0x0], $0xffff  }
0x3af: {  	v55 =	vadd.s32 $0x3, v28;
	_ =	sdelay $0x2  }
0x3b0: {  	[tilespmem:s26+$0x100] =	vst v37  }
0x3b1: {  	v30 =	vld.idx.msk [tilespmem:v54+s17+$0x0], $0xffff;
	[tilespmem:s25+$0x100] =	vst v38  }
0x3b2: {  	v56 =	vadd.s32 $0x4, v27;
	v38 =	vld.idx.msk [tilespmem:v55+s17+$0x0], $0xffff  }
0x3b3: {  	v57 =	vadd.s32 $0x4, v28;
	_ =	sdelay $0x2  }
0x3b4: {  	[tilespmem:s26+$0x180] =	vst v30  }
0x3b5: {  	v30 =	vld.idx.msk [tilespmem:v56+s17+$0x0], $0xffff;
	[tilespmem:s25+$0x180] =	vst v38  }
0x3b6: {  	v58 =	vadd.s32 $0x5, v27;
	v38 =	vld.idx.msk [tilespmem:v57+s17+$0x0], $0xffff  }
0x3b7: {  	v59 =	vadd.s32 $0x5, v28;
	_ =	sdelay $0x2  }
0x3b8: {  	[tilespmem:s26+$0x200] =	vst v30  }
0x3b9: {  	v30 =	vld.idx.msk [tilespmem:v58+s17+$0x0], $0xffff;
	[tilespmem:s25+$0x200] =	vst v38  }
0x3ba: {  	v60 =	vadd.s32 $0x6, v27;
	v38 =	vld.idx.msk [tilespmem:v59+s17+$0x0], $0xffff  }
0x3bb: {  	v61 =	vadd.s32 $0x6, v28;
	_ =	sdelay $0x1  }
0x3bc: {  	[tilespmem:s15+$0x280] =	vst v35;
	s10 =	sshll.u32 s19, $0x5;
	v62 =	vadd.s32 $0x7, v25  }
0x3bd: {  	s6 =	sadd.s32 $0x1, s6;
	v35 =	vld.idx.msk [tilespmem:v36+s17+$0x0], $0xffff;
	s10 =	sadd.s32 s10, s13;
	[tilespmem:s26+$0x280] =	vst v30  }
0x3be: {  	v63 =	vadd.s32 $0x7, v26;
	s6 =	sand.u32 $0x3, s6;
	s13 =	sadd.s32 $0x10, s10;
	v37 =	vld.idx.msk [tilespmem:v60+s17+$0x0], $0xffff;
	[tilespmem:s25+$0x280] =	vst v38  }
0x3bf: {  	v44 =	vadd.s32 $0x7, v27;
	s6 =	sshll.u32 s6, $0x5;
	s19 =	sor.u32 $0x300, s13;
	v39 =	vld.idx.msk [tilespmem:v61+s17+$0x0], $0xffff  }
0x3c0: {  	v40 =	vadd.s32 $0x7, v28;
	s2 =	sadd.s32 s6, s2;
	[tilespmem:s19+$0xB780] =	vst v34  }
0x3c1: {  	s20 =	sor.u32 $0x300, s10;
	s21 =	sadd.s32 $0x10, s2;
	v30 =	vld.idx.msk [tilespmem:v62+s17+$0x0], $0xffff  }
0x3c2: {  	v45 =	vadd.s32 $0x8, v25;
	s22 =	sor.u32 $0x300, s21;
	[tilespmem:s20+$0xB780] =	vst v35  }
0x3c3: {  	s24 =	sor.u32 $0x300, s2;
	v35 =	vld.idx.msk [tilespmem:v63+s17+$0x0], $0xffff;
	[tilespmem:s22+$0xB780] =	vst v37  }
0x3c4: {  	v46 =	vadd.s32 $0x8, v26;
	v37 =	vld.idx.msk [tilespmem:v44+s17+$0x0], $0xffff;
	[tilespmem:s24+$0xB780] =	vst v39  }
0x3c5: {  	v47 =	vadd.s32 $0x8, v27;
	s25 =	sor.u32 $0x380, s13;
	v39 =	vld.idx.msk [tilespmem:v40+s17+$0x0], $0xffff  }
0x3c6: {  	v48 =	vadd.s32 $0x8, v28;
	[tilespmem:s25+$0xB780] =	vst v30  }
0x3c7: {  	s26 =	sor.u32 $0x380, s10;
	v30 =	vld.idx.msk [tilespmem:v45+s17+$0x0], $0xffff  }
0x3c8: {  	v49 =	vadd.s32 $0x9, v25;
	s28 =	sor.u32 $0x380, s21;
	[tilespmem:s26+$0xB780] =	vst v35  }
0x3c9: {  	s2 =	sor.u32 $0x380, s2;
	v35 =	vld.idx.msk [tilespmem:v46+s17+$0x0], $0xffff;
	[tilespmem:s28+$0xB780] =	vst v37  }
0x3ca: {  	v50 =	vadd.s32 $0x9, v26;
	s29 =	sadd.s32 $0xDF80, s12;
	v37 =	vld.idx.msk [tilespmem:v47+s17+$0x0], $0xffff;
	[tilespmem:s2+$0xB780] =	vst v39  }
0x3cb: {  	v51 =	vadd.s32 $0x9, v27;
	s10 =	sor.u32 s11, s29;
	v39 =	vld.idx.msk [tilespmem:v48+s17+$0x0], $0xffff  }
0x3cc: {  	v52 =	vadd.s32 $0x9, v28;
	[tilespmem:s10+$0x0] =	vst v30  }
0x3cd: {  	s13 =	sadd.s32 $0xDF80, s14;
	v30 =	vld.idx.msk [tilespmem:v49+s17+$0x0], $0xffff;
	s2 =	sor.u32 s9, s29  }
0x3ce: {  	v53 =	vadd.s32 $0xA, v25;
	s15 =	sor.u32 s3, s13;
	[tilespmem:s2+$0x0] =	vst v35  }
0x3cf: {  	s16 =	sor.u32 s0, s13;
	[tilespmem:s15+$0x0] =	vst v37;
	v35 =	vld.idx.msk [tilespmem:v50+s17+$0x0], $0xffff  }
0x3d0: {  	s18 =	sadd.s32 $0xE000, s12;
	v54 =	vadd.s32 $0xA, v26;
	v37 =	vld.idx.msk [tilespmem:v51+s17+$0x0], $0xffff;
	[tilespmem:s16+$0x0] =	vst v39  }
0x3d1: {  	s19 =	sor.u32 s11, s18;
	v55 =	vadd.s32 $0xA, v27;
	v39 =	vld.idx.msk [tilespmem:v52+s17+$0x0], $0xffff  }
0x3d2: {  	v56 =	vadd.s32 $0xA, v28;
	[tilespmem:s19+$0x0] =	vst v30  }
0x3d3: {  	[tilespmem:s4+$0x0] =	vst v29;
	s20 =	sadd.s32 $0xE000, s14;
	s2 =	sor.u32 s9, s18;
	v34 =	vld.idx.msk [tilespmem:v53+s17+$0x0], $0xffff  }
0x3d4: {  	s21 =	sor.u32 s3, s20;
	v58 =	vadd.s32 $0xB, v25;
	[tilespmem:s2+$0x0] =	vst v35  }
0x3d5: {  	s6 =	sor.u32 s0, s20;
	v57 =	vadd.s32 $0xC, v23;
	[tilespmem:s21+$0x0] =	vst v37;
	v36 =	vld.idx.msk [tilespmem:v54+s17+$0x0], $0xffff  }
0x3d6: {  	v59 =	vadd.s32 $0xB, v26;
	s24 =	sadd.s32 $0xE080, s12;
	v38 =	vld.idx.msk [tilespmem:v55+s17+$0x0], $0xffff;
	[tilespmem:s6+$0x0] =	vst v39  }
0x3d7: {  	[tilespmem:s23+$0x0] =	vst v33;
	v60 =	vadd.s32 $0xB, v27;
	s22 =	sadd.s32 $0xE100, s8;
	s25 =	sor.u32 s11, s24;
	v33 =	vld.idx.msk [tilespmem:v56+s17+$0x0], $0xffff  }
0x3d8: {  	v31 =	vld.idx.msk [tilespmem:v31+s17+$0x0], $0xffff;
	v61 =	vadd.s32 $0xB, v28;
	s23 =	sor.u32 s5, s22;
	[tilespmem:s25+$0x0] =	vst v34  }
0x3d9: {  	v24 =	vadd.s32 $0xF, v24;
	s26 =	sadd.s32 $0xE080, s14;
	[tilespmem:s23+$0x0] =	vst v32;
	v35 =	vld.idx.msk [tilespmem:v58+s17+$0x0], $0xffff;
	s6 =	sor.u32 s9, s24  }
0x3da: {  	v63 =	vadd.s32 $0xC, v25;
	s28 =	sor.u32 s3, s26;
	v30 =	vld.idx.msk [tilespmem:v57+s17+$0x0], $0xffff;
	[tilespmem:s6+$0x0] =	vst v36  }
0x3db: {  	v62 =	vadd.s32 $0xC, v22;
	s4 =	sor.u32 s0, s26;
	v37 =	vld.idx.msk [tilespmem:v59+s17+$0x0], $0xffff;
	[tilespmem:s28+$0x0] =	vst v38  }
0x3dc: {  	v40 =	vadd.s32 $0xC, v26;
	s10 =	sadd.s32 $0xE100, s12;
	s2 =	sor.u32 s7, s22;
	v32 =	vld.idx.msk [tilespmem:v60+s17+$0x0], $0xffff;
	[tilespmem:s4+$0x0] =	vst v33  }
0x3dd: {  	v41 =	vadd.s32 $0xC, v27;
	s13 =	sor.u32 s11, s10;
	s29 =	sadd.s32 $0xE180, s8;
	[tilespmem:s2+$0x0] =	vst v31;
	v29 =	vld.idx.msk [tilespmem:v61+s17+$0x0], $0xffff  }
0x3de: {  	v42 =	vadd.s32 $0xC, v28;
	v24 =	vld.idx.msk [tilespmem:v24+s17+$0x0], $0xffff;
	[tilespmem:s13+$0x0] =	vst v35;
	s4 =	sor.u32 s5, s29  }
0x3df: {  	v43 =	vadd.s32 $0xD, v23;
	s15 =	sadd.s32 $0xE100, s14;
	v36 =	vld.idx.msk [tilespmem:v63+s17+$0x0], $0xffff;
	[tilespmem:s4+$0x0] =	vst v30;
	s4 =	sor.u32 s9, s10  }
0x3e0: {  	v45 =	vadd.s32 $0xD, v25;
	s16 =	sor.u32 s3, s15;
	v34 =	vld.idx.msk [tilespmem:v62+s17+$0x0], $0xffff;
	[tilespmem:s4+$0x0] =	vst v37  }
0x3e1: {  	v44 =	vadd.s32 $0xD, v22;
	s2 =	sor.u32 s0, s15;
	[tilespmem:s16+$0x0] =	vst v32;
	v37 =	vld.idx.msk [tilespmem:v40+s17+$0x0], $0xffff  }
0x3e2: {  	v46 =	vadd.s32 $0xD, v26;
	s19 =	sadd.s32 $0xE180, s12;
	v31 =	vld.idx.msk [tilespmem:v41+s17+$0x0], $0xffff;
	[tilespmem:s2+$0x0] =	vst v29  }
0x3e3: {  	[tilespmem:s1+$0x0] =	vst v24;
	v47 =	vadd.s32 $0xD, v27;
	s20 =	sor.u32 s11, s19;
	v30 =	vld.idx.msk [tilespmem:v42+s17+$0x0], $0xffff  }
0x3e4: {  	s18 =	sor.u32 s7, s29;
	v48 =	vadd.s32 $0xD, v28;
	[tilespmem:s20+$0x0] =	vst v36;
	v33 =	vld.idx.msk [tilespmem:v43+s17+$0x0], $0xffff  }
0x3e5: {  	v49 =	vadd.s32 $0xE, v23;
	s1 =	sor.u32 s9, s19;
	s21 =	sadd.s32 $0xE180, s14;
	[tilespmem:s18+$0x0] =	vst v34;
	v32 =	vld.idx.msk [tilespmem:v45+s17+$0x0], $0xffff  }
0x3e6: {  	v51 =	vadd.s32 $0xE, v25;
	s22 =	sor.u32 s3, s21;
	v35 =	vld.idx.msk [tilespmem:v44+s17+$0x0], $0xffff;
	[tilespmem:s1+$0x0] =	vst v37  }
0x3e7: {  	s23 =	sadd.s32 $0xE200, s8;
	v50 =	vadd.s32 $0xE, v22;
	s2 =	sor.u32 s0, s21;
	[tilespmem:s22+$0x0] =	vst v31;
	v29 =	vld.idx.msk [tilespmem:v46+s17+$0x0], $0xffff  }
0x3e8: {  	v52 =	vadd.s32 $0xE, v26;
	s25 =	sadd.s32 $0xE200, s12;
	s24 =	sor.u32 s5, s23;
	v24 =	vld.idx.msk [tilespmem:v47+s17+$0x0], $0xffff;
	[tilespmem:s2+$0x0] =	vst v30  }
0x3e9: {  	v53 =	vadd.s32 $0xE, v27;
	s26 =	sor.u32 s11, s25;
	[tilespmem:s24+$0x0] =	vst v33;
	v34 =	vld.idx.msk [tilespmem:v48+s17+$0x0], $0xffff  }
0x3ea: {  	v55 =	vadd.s32 $0xE, v28;
	[tilespmem:s26+$0x0] =	vst v32;
	s1 =	sor.u32 s7, s23;
	v54 =	vld.idx.msk [tilespmem:v49+s17+$0x0], $0xffff  }
0x3eb: {  	v23 =	vadd.s32 $0xF, v23;
	s28 =	sadd.s32 $0xE200, s14;
	v31 =	vld.idx.msk [tilespmem:v51+s17+$0x0], $0xffff;
	[tilespmem:s1+$0x0] =	vst v35;
	s2 =	sor.u32 s9, s25  }
0x3ec: {  	v56 =	vadd.s32 $0xF, v25;
	s29 =	sor.u32 s3, s28;
	v36 =	vld.idx.msk [tilespmem:v50+s17+$0x0], $0xffff;
	[tilespmem:s2+$0x0] =	vst v29  }
0x3ed: {  	v22 =	vadd.s32 $0xF, v22;
	s4 =	sadd.s32 $0xE280, s8;
	s1 =	sor.u32 s0, s28;
	[tilespmem:s29+$0x0] =	vst v24;
	v57 =	vld.idx.msk [tilespmem:v52+s17+$0x0], $0xffff  }
0x3ee: {  	v58 =	vadd.s32 $0xF, v26;
	s10 =	sadd.s32 $0xE280, s12;
	s6 =	sor.u32 s5, s4;
	v59 =	vld.idx.msk [tilespmem:v53+s17+$0x0], $0xffff;
	[tilespmem:s1+$0x0] =	vst v34  }
0x3ef: {  	v60 =	vadd.s32 $0xF, v27;
	s13 =	sor.u32 s11, s10;
	[tilespmem:s6+$0x0] =	vst v54;
	v61 =	vld.idx.msk [tilespmem:v55+s17+$0x0], $0xffff  }
0x3f0: {  	v62 =	vadd.s32 $0xF, v28;
	[tilespmem:s13+$0x0] =	vst v31;
	s2 =	sor.u32 s7, s4;
	v23 =	vld.idx.msk [tilespmem:v23+s17+$0x0], $0xffff  }
0x3f1: {  	s15 =	sadd.s32 $0xE280, s14;
	v24 =	vld.idx.msk [tilespmem:v56+s17+$0x0], $0xffff;
	[tilespmem:s2+$0x0] =	vst v36;
	s1 =	sor.u32 s9, s10  }
0x3f2: {  	s16 =	sor.u32 s3, s15;
	v22 =	vld.idx.msk [tilespmem:v22+s17+$0x0], $0xffff;
	[tilespmem:s1+$0x0] =	vst v57  }
0x3f3: {  	s18 =	sadd.s32 $0xE300, s8;
	s2 =	sor.u32 s0, s15;
	[tilespmem:s16+$0x0] =	vst v59;
	v25 =	vld.idx.msk [tilespmem:v58+s17+$0x0], $0xffff  }
0x3f4: {  	s19 =	sor.u32 s5, s18;
	s20 =	sadd.s32 $0xE300, s12;
	v63 =	vld.idx.msk [tilespmem:v60+s17+$0x0], $0xffff;
	[tilespmem:s2+$0x0] =	vst v61  }
0x3f5: {  	s21 =	sor.u32 s11, s20;
	[tilespmem:s19+$0x0] =	vst v23;
	v23 =	vld.idx.msk [tilespmem:v62+s17+$0x0], $0xffff  }
0x3f6: {  	[tilespmem:s21+$0x0] =	vst v24;
	s1 =	sor.u32 s7, s18  }
0x3f7: {  	s22 =	sadd.s32 $0xE300, s14;
	[tilespmem:s1+$0x0] =	vst v22;
	s2 =	sor.u32 s9, s20  }
0x3f8: {  	s23 =	sor.u32 s3, s22;
	[tilespmem:s2+$0x0] =	vst v25  }
0x3f9: {  	s24 =	sor.u32 s0, s22;
	[tilespmem:s23+$0x0] =	vst v63  }
0x3fa: {  	s25 =	simm.s32 $0x4;
	[tilespmem:s24+$0x0] =	vst v23  }
0x3fb: {  	s28 =	simm.s32 $0xB780;
	_ =	swait.ge [sflag:s25], $0x5000  }
0x3fc: {  	s4 =	simm.s32 $0x271000;
	s29 =	simm.s32 $0x6;
	[sflag:s25] =	ssyncset.done $0x0  }
.Ltmp8:
0x3fd: {  	s26 =	rddreg [dreg:$0xd];
	[sflag:s25] =	ssyncadd.s32 $0xFFFFB000;
	(pc) =	sbr.rel .LBB2_13-.Ltmp8, $4  }
0x3fe: {  	[hbm4b:s26+s30] =	stream.strided.scatter [tilespmem:s28], [sflag:$0x6], $0xA000, s4, s30, $0x38;
	[tilespmem:$0x15780] =	vst v63  }
0x3ff: {  	_ =	swait.ge [sflag:s29], $0xA000  }
0x400: {  	[sflag:s29] =	ssyncset.done $0x0  }
0x401: {  	s1 =	rddreg [dreg:$0xf];
	[sflag:s29] =	ssyncadd.s32 $0xFFFF6000  }
.LBB2_14:
0x402: {  	_ =	sfence.sel $0x180000  }
0x403: {  	[bflag:$0x0] =	sbarrier.arrive $0xFFFF  }
0x404: {  	_ =	strace $0x90000047  }
0x405: {  	s0 =	stileid.u32;
	[bflag:$0x2] =	sbarrier.arrive $0xFFFF  }
0x406: {  	p0 =	sne.s32 s0, $0x0;
	s0 =	rddreg [dreg:$0x4]  }
0x407: {  	s0 =	sadd.s32 @!p0 $0x100000, s0  }
0x408: {  	[sflag:s0] =	ssyncadd.tile.s32 @!p0 $0x1;
	_ =	shalt  }
.Lfunc_end2:
_tile_overlayer_lowered:
.L_overlay_start_2:
0x409: {  	(tag) =	ssettag $0x2  }
0x40a: {  	s0 =	rddreg [dreg:$0x0];
	s2 =	stileid.u32  }
0x40b: {  	s1 =	rddreg [dreg:$0x1];
	p0 =	sne.s32 s2, $0x0  }
0x40c: {  	s3 =	rddreg [dreg:$0x2];
	[bflag:$0x3] =	sbarrier.arrive $0xFFFF;
	s2 =	simm.s32 @!p0 $0x1C07  }
0x40d: {  	[timem:s3], [sflag:s2] =	dma.local @!p0 [hbm:s0], s1  }
0x40e: {  	s0 =	simm.s32 @!p0 $0x7  }
0x40f: {  	_ =	swait.ge @!p0 [sflag:s0], s1  }
0x410: {  	s1 =	ssub.s32 @!p0 $0x0, s1;
	[sflag:s0] =	ssyncset.done @!p0 $0x0  }
0x411: {  	[sflag:s0] =	ssyncadd.s32 @!p0 s1  }
0x412: {  	[bflag:$0x3] =	sbarrier.arrive $0xFFFF  }
0x413: {  	_ =	shalt  }

</sc_bundles>
